<compile_context>
chip_gen: v7x
topology: tpu7x:2x2x1
jax: 0.10.2.dev20260603
libtpu: 0.0.44.dev20260713+nightly
codegen_flags: <defaults>
</compile_context>

<pallas_src>
import functools

import jax
import jax.numpy as jnp
from jax import lax
from jax.experimental import pallas as pl
from jax.experimental.pallas import tpu as pltpu
from jax.experimental.pallas import tpu_sc as plsc

_INFO = plsc.get_sparse_core_info()
_NC = _INFO.num_cores
_NS = _INFO.num_subcores
_NW = _NC * _NS

_IDEPTH = 5
_RDEPTH = 2


@jax.jit
def _sc_lookup(idx_t, tbl_t):
    l_len, b_len = idx_t.shape
    d_len, v_len = tbl_t.shape
    rounds = d_len // _NW
    unroll = _IDEPTH * _RDEPTH
    mesh = plsc.VectorSubcoreMesh(core_axis_name="c", subcore_axis_name="s")

    @functools.partial(
        pl.kernel,
        out_type=jax.ShapeDtypeStruct((l_len, d_len, b_len), tbl_t.dtype),
        mesh=mesh,
        scratch_types=[
            pltpu.VMEM((1, v_len), tbl_t.dtype),
            [pltpu.VMEM((1, b_len), jnp.int32) for _ in range(_IDEPTH)],
            [pltpu.VMEM((1, b_len), tbl_t.dtype) for _ in range(_RDEPTH)],
            pltpu.SemaphoreType.DMA,
            [pltpu.SemaphoreType.DMA for _ in range(_RDEPTH)],
        ],
        compiler_params=pltpu.CompilerParams(
            use_tc_tiling_on_sc=True, needs_layout_passes=False
        ),
    )
    def body(idx_hbm, tbl_hbm, out_hbm, row_v, ibufs, rbufs, isem, wsems):
        wid = lax.axis_index("s") * _NC + lax.axis_index("c")
        zeros = jnp.zeros((16,), jnp.int32)

        for r in range(rounds):
            dd = r * _NW + wid
            pltpu.sync_copy(tbl_hbm.at[pl.ds(dd, 1)], row_v)
            for m in range(_IDEPTH - 1):
                pltpu.async_copy(idx_hbm.at[pl.ds(m, 1)], ibufs[m], isem)

            def block(o, carry):
                for u in range(unroll):
                    l = o * unroll + u
                    mi = u % _IDEPTH
                    mr = u % _RDEPTH
                    pltpu.make_async_copy(
                        idx_hbm.at[pl.ds(l, 1)], ibufs[mi], isem
                    ).wait()

                    @pl.when(l >= _RDEPTH)
                    def _drain():
                        pltpu.make_async_copy(
                            rbufs[mr],
                            out_hbm.at[l - _RDEPTH, pl.ds(dd, 1)],
                            wsems[mr],
                        ).wait()

                    ib = ibufs[mi]
                    rb = rbufs[mr]

                    @plsc.parallel_loop(0, b_len, 16, unroll=8)
                    def gather16(k):
                        iv = ib[0, pl.ds(k, 16)]
                        rb[0, pl.ds(k, 16)] = plsc.load_gather(
                            row_v, [zeros, iv]
                        )

                    pltpu.async_copy(
                        rb, out_hbm.at[l, pl.ds(dd, 1)], wsems[mr]
                    )

                    @pl.when(l + _IDEPTH - 1 < l_len)
                    def _prefetch():
                        pltpu.async_copy(
                            idx_hbm.at[pl.ds(l + _IDEPTH - 1, 1)],
                            ibufs[(u + _IDEPTH - 1) % _IDEPTH], isem,
                        )
                return carry

            lax.fori_loop(0, l_len // unroll, block, 0)

            for l in (l_len - 2, l_len - 1):
                pltpu.make_async_copy(
                    rbufs[l % _RDEPTH], out_hbm.at[l, pl.ds(dd, 1)],
                    wsems[l % _RDEPTH],
                ).wait()

    return body(idx_t, tbl_t)


def kernel(indices, table):
    idx_t = jnp.transpose(indices.astype(jnp.int32))
    tbl_t = jnp.transpose(table)
    out_t = _sc_lookup(idx_t, tbl_t)
    return jnp.transpose(out_t, (2, 0, 1))

# --- scband reference (transcript-rebuilt; emitter-appended) ---
"""Pipeline reference for scband-vocab-47038481825933 (READ-ONLY COPY).

The authoritative reference and input builder live on the scoring server;
editing this copy changes nothing except your own understanding.
"""

import jax, jax.numpy as jnp
import numpy as np

VOCAB = 100000
EMBED_DIM = 64
BATCH = 4096
HIST_LEN = 50


def setup_inputs(seed: int = 0) -> dict:
    key = jax.random.key(seed)
    k1, k2 = jax.random.split(key)
    indices = jax.random.randint(k1, (BATCH, HIST_LEN), 0, VOCAB)
    # Learned embedding table (the Vocab's vector storage), sized [vocab, embed_dim].
    table = jax.random.normal(k2, (VOCAB, EMBED_DIM), dtype=jnp.float32) * 0.02
    return {"indices": indices, "table": table}


def reference(indices, table):
    # Vocab lookup: token index -> stored vector. Pure embedding gather.
    # Equivalent to self.vectors.GetItem(token) batched over all tokens.
    out = jnp.take(table, indices, axis=0)  # [B, L, D]
    return out

if __name__ == "__main__":
    import jax
    _d = setup_inputs()
    print(jax.jit(kernel)(*tuple(_d.values())))

</pallas_src>

<mosaic_0001>
#map = affine_map<(d0, d1) -> (0, 0)>
#map1 = affine_map<(d0, d1) -> (0, 0, 0)>
module attributes {stable_mosaic.version = 14 : i64} {
  func.func @body(%arg0: i32, %arg1: i32, %arg2: memref<50x4096xi32, #tpu.memory_space<hbm>>, %arg3: memref<64x100000xf32, #tpu.memory_space<hbm>>, %arg4: memref<50x64x4096xf32, #tpu.memory_space<hbm>>, %arg5: memref<1x100000xf32, #tpu.memory_space<vmem>>, %arg6: memref<1x4096xi32, #tpu.memory_space<vmem>>, %arg7: memref<1x4096xi32, #tpu.memory_space<vmem>>, %arg8: memref<1x4096xi32, #tpu.memory_space<vmem>>, %arg9: memref<1x4096xi32, #tpu.memory_space<vmem>>, %arg10: memref<1x4096xi32, #tpu.memory_space<vmem>>, %arg11: memref<1x4096xf32, #tpu.memory_space<vmem>>, %arg12: memref<1x4096xf32, #tpu.memory_space<vmem>>, %arg13: memref<!tpu.dma_semaphore, #tpu.memory_space<semaphore_mem>>, %arg14: memref<!tpu.dma_semaphore, #tpu.memory_space<semaphore_mem>>, %arg15: memref<!tpu.dma_semaphore, #tpu.memory_space<semaphore_mem>>) attributes {dimension_semantics = [#tpu.dimension_semantics<core_parallel>, #tpu.dimension_semantics<subcore_parallel>], iteration_bounds = array<i64: 2, 16>, scalar_prefetch = 0 : i64, scratch_operands = 11 : i64, tpu.core_type = #tpu.core_type<sc_vector_subcore>, window_params = [{transform_indices = #map}, {transform_indices = #map}, {transform_indices = #map1}]} {
    %mul3A = arith.constant 2 : i32
    %mul3A_0 = arith.muli %arg1, %mul3A : i32
    %add3A = arith.addi %mul3A_0, %arg0 : i32
    %broadcast_in_dim3A = arith.constant 0 : i32
    %broadcast_in_dim3A_1 = vector.broadcast %broadcast_in_dim3A : i32 to vector<16xi32>
    %add3A_2 = arith.constant 0 : i32
    %add3A_3 = arith.addi %add3A_2, %add3A : i32
    "tpu.region"() ({
      %run_scoped3A = tpu.sem_alloc : memref<!tpu.dma_semaphore, #tpu.memory_space<semaphore_mem>>
      %dma_start3A_91 = arith.constant 0 : i32
      %dma_start3A_92 = tpu.memref_slice %arg3[%add3A_3, %dma_start3A_91] : memref<64x100000xf32, #tpu.memory_space<hbm>> -> memref<1x100000xf32, #tpu.memory_space<hbm>>
      %dma_start3A_93 = arith.constant 0 : i32
      %dma_start3A_94 = tpu.memref_slice %arg3[%add3A_3, %dma_start3A_93] : memref<64x100000xf32, #tpu.memory_space<hbm>> -> memref<1x100000xf32, #tpu.memory_space<hbm>>
      tpu.enqueue_dma source(%dma_start3A_94 : memref<1x100000xf32, #tpu.memory_space<hbm>>) target(%arg5 : memref<1x100000xf32, #tpu.memory_space<vmem>>) target_semaphore(%run_scoped3A : memref<!tpu.dma_semaphore, #tpu.memory_space<semaphore_mem>>)
      %dma_wait3A_95 = arith.constant 0 : i32
      %dma_wait3A_96 = tpu.memref_slice %arg3[%add3A_3, %dma_wait3A_95] : memref<64x100000xf32, #tpu.memory_space<hbm>> -> memref<1x100000xf32, #tpu.memory_space<hbm>>
      %dma_wait3A_97 = arith.constant 0 : i32
      %dma_wait3A_98 = tpu.memref_slice %arg3[%add3A_3, %dma_wait3A_97] : memref<64x100000xf32, #tpu.memory_space<hbm>> -> memref<1x100000xf32, #tpu.memory_space<hbm>>
      tpu.wait_dma2 semaphore(%run_scoped3A : memref<!tpu.dma_semaphore, #tpu.memory_space<semaphore_mem>>) src(%dma_wait3A_98 : memref<1x100000xf32, #tpu.memory_space<hbm>>) dst(%arg5 : memref<1x100000xf32, #tpu.memory_space<vmem>>)
      tpu.yield
    }) : () -> ()
    %dma_start3A = arith.constant 0 : i32
    %dma_start3A_4 = arith.constant 0 : i32
    %dma_start3A_5 = tpu.memref_slice %arg2[%dma_start3A, %dma_start3A_4] : memref<50x4096xi32, #tpu.memory_space<hbm>> -> memref<1x4096xi32, #tpu.memory_space<hbm>>
    %dma_start3A_6 = arith.constant 0 : i32
    %dma_start3A_7 = arith.constant 0 : i32
    %dma_start3A_8 = tpu.memref_slice %arg2[%dma_start3A_6, %dma_start3A_7] : memref<50x4096xi32, #tpu.memory_space<hbm>> -> memref<1x4096xi32, #tpu.memory_space<hbm>>
    tpu.enqueue_dma source(%dma_start3A_8 : memref<1x4096xi32, #tpu.memory_space<hbm>>) target(%arg6 : memref<1x4096xi32, #tpu.memory_space<vmem>>) target_semaphore(%arg13 : memref<!tpu.dma_semaphore, #tpu.memory_space<semaphore_mem>>)
    %dma_start3A_9 = arith.constant 1 : i32
    %dma_start3A_10 = arith.constant 0 : i32
    %dma_start3A_11 = tpu.memref_slice %arg2[%dma_start3A_9, %dma_start3A_10] : memref<50x4096xi32, #tpu.memory_space<hbm>> -> memref<1x4096xi32, #tpu.memory_space<hbm>>
    %dma_start3A_12 = arith.constant 1 : i32
    %dma_start3A_13 = arith.constant 0 : i32
    %dma_start3A_14 = tpu.memref_slice %arg2[%dma_start3A_12, %dma_start3A_13] : memref<50x4096xi32, #tpu.memory_space<hbm>> -> memref<1x4096xi32, #tpu.memory_space<hbm>>
    tpu.enqueue_dma source(%dma_start3A_14 : memref<1x4096xi32, #tpu.memory_space<hbm>>) target(%arg7 : memref<1x4096xi32, #tpu.memory_space<vmem>>) target_semaphore(%arg13 : memref<!tpu.dma_semaphore, #tpu.memory_space<semaphore_mem>>)
    %dma_start3A_15 = arith.constant 2 : i32
    %dma_start3A_16 = arith.constant 0 : i32
    %dma_start3A_17 = tpu.memref_slice %arg2[%dma_start3A_15, %dma_start3A_16] : memref<50x4096xi32, #tpu.memory_space<hbm>> -> memref<1x4096xi32, #tpu.memory_space<hbm>>
    %dma_start3A_18 = arith.constant 2 : i32
    %dma_start3A_19 = arith.constant 0 : i32
    %dma_start3A_20 = tpu.memref_slice %arg2[%dma_start3A_18, %dma_start3A_19] : memref<50x4096xi32, #tpu.memory_space<hbm>> -> memref<1x4096xi32, #tpu.memory_space<hbm>>
    tpu.enqueue_dma source(%dma_start3A_20 : memref<1x4096xi32, #tpu.memory_space<hbm>>) target(%arg8 : memref<1x4096xi32, #tpu.memory_space<vmem>>) target_semaphore(%arg13 : memref<!tpu.dma_semaphore, #tpu.memory_space<semaphore_mem>>)
    %dma_start3A_21 = arith.constant 3 : i32
    %dma_start3A_22 = arith.constant 0 : i32
    %dma_start3A_23 = tpu.memref_slice %arg2[%dma_start3A_21, %dma_start3A_22] : memref<50x4096xi32, #tpu.memory_space<hbm>> -> memref<1x4096xi32, #tpu.memory_space<hbm>>
    %dma_start3A_24 = arith.constant 3 : i32
    %dma_start3A_25 = arith.constant 0 : i32
    %dma_start3A_26 = tpu.memref_slice %arg2[%dma_start3A_24, %dma_start3A_25] : memref<50x4096xi32, #tpu.memory_space<hbm>> -> memref<1x4096xi32, #tpu.memory_space<hbm>>
    tpu.enqueue_dma source(%dma_start3A_26 : memref<1x4096xi32, #tpu.memory_space<hbm>>) target(%arg9 : memref<1x4096xi32, #tpu.memory_space<vmem>>) target_semaphore(%arg13 : memref<!tpu.dma_semaphore, #tpu.memory_space<semaphore_mem>>)
    %scan3A = arith.constant 0 : i32
    %scan3A_27 = arith.constant 0 : i32
    %scan3A_28 = arith.constant 5 : i32
    %scan3A_29 = arith.addi %scan3A_27, %scan3A_28 : i32
    %scan3A_30 = arith.constant 1 : i32
    scf.for %scan3A_91 = %scan3A_27 to %scan3A_29 step %scan3A_30  : i32 {
      %mul3A_92 = arith.constant 10 : i32
      %mul3A_93 = arith.muli %scan3A_91, %mul3A_92 : i32
      %add3A_94 = arith.constant 0 : i32
      %add3A_95 = arith.addi %mul3A_93, %add3A_94 : i32
      %dma_wait3A_96 = arith.constant 0 : i32
      %dma_wait3A_97 = tpu.memref_slice %arg2[%add3A_95, %dma_wait3A_96] : memref<50x4096xi32, #tpu.memory_space<hbm>> -> memref<1x4096xi32, #tpu.memory_space<hbm>>
      %dma_wait3A_98 = arith.constant 0 : i32
      %dma_wait3A_99 = tpu.memref_slice %arg2[%add3A_95, %dma_wait3A_98] : memref<50x4096xi32, #tpu.memory_space<hbm>> -> memref<1x4096xi32, #tpu.memory_space<hbm>>
      tpu.wait_dma2 semaphore(%arg13 : memref<!tpu.dma_semaphore, #tpu.memory_space<semaphore_mem>>) src(%dma_wait3A_99 : memref<1x4096xi32, #tpu.memory_space<hbm>>) dst(%arg6 : memref<1x4096xi32, #tpu.memory_space<vmem>>)
      %ge3A = arith.constant 2 : i32
      %ge3A_100 = arith.cmpi sge, %add3A_95, %ge3A : i32
      %convert_element_type3A = arith.extui %ge3A_100 : i1 to i32
      %cond3A = arith.constant 0 : i32
      %cond3A_101 = arith.cmpi ne, %convert_element_type3A, %cond3A : i32
      scf.if %cond3A_101 {
        %sub3A_396 = arith.constant 2 : i32
        %sub3A_397 = arith.subi %add3A_95, %sub3A_396 : i32
        %dma_wait3A_398 = arith.constant 0 : i32
        %dma_wait3A_399 = tpu.memref_slice %arg4[%sub3A_397, %add3A_3, %dma_wait3A_398] : memref<50x64x4096xf32, #tpu.memory_space<hbm>> -> memref<1x1x4096xf32, #tpu.memory_space<hbm>>
        %dma_wait3A_400 = tpu.memref_squeeze %dma_wait3A_399 : memref<1x1x4096xf32, #tpu.memory_space<hbm>> -> memref<1x4096xf32, #tpu.memory_space<hbm>>
        %dma_wait3A_401 = arith.constant 0 : i32
        %dma_wait3A_402 = tpu.memref_slice %arg4[%sub3A_397, %add3A_3, %dma_wait3A_401] : memref<50x64x4096xf32, #tpu.memory_space<hbm>> -> memref<1x1x4096xf32, #tpu.memory_space<hbm>>
        %dma_wait3A_403 = tpu.memref_squeeze %dma_wait3A_402 : memref<1x1x4096xf32, #tpu.memory_space<hbm>> -> memref<1x4096xf32, #tpu.memory_space<hbm>>
        tpu.wait_dma2 semaphore(%arg14 : memref<!tpu.dma_semaphore, #tpu.memory_space<semaphore_mem>>) src(%arg11 : memref<1x4096xf32, #tpu.memory_space<vmem>>) dst(%dma_wait3A_403 : memref<1x4096xf32, #tpu.memory_space<hbm>>)
      } else {
      }
      %parallel_loop3A = arith.constant 0 : i32
      %parallel_loop3A_102 = arith.constant 4096 : i32
      %parallel_loop3A_103 = arith.constant 16 : i32
      scf.for %parallel_loop3A_396 = %parallel_loop3A to %parallel_loop3A_102 step %parallel_loop3A_103  : i32 {
        %parallel_loop3A_397 = arith.constant 0 : i32
        %parallel_loop3A_398 = arith.index_cast %parallel_loop3A_397 : i32 to index
        %parallel_loop3A_399 = arith.index_cast %parallel_loop3A_396 : i32 to index
        %parallel_loop3A_400 = tpu.vector_load %arg6[%parallel_loop3A_398, %parallel_loop3A_399] {strides = array<i32>} : memref<1x4096xi32, #tpu.memory_space<vmem>>, vector<16xi32>,
        %parallel_loop3A_401 = tpu.vector_load_idx %arg5[%broadcast_in_dim3A_1, %parallel_loop3A_400] : memref<1x100000xf32, #tpu.memory_space<vmem>>[vector<16xi32>, vector<16xi32>], vector<16xf32>,
        %parallel_loop3A_402 = arith.constant 0 : i32
        %parallel_loop3A_403 = arith.index_cast %parallel_loop3A_402 : i32 to index
        %parallel_loop3A_404 = arith.index_cast %parallel_loop3A_396 : i32 to index
        %parallel_loop3A_405 = tpu.vector_load %arg11[%parallel_loop3A_403, %parallel_loop3A_404] {strides = array<i32>} : memref<1x4096xf32, #tpu.memory_space<vmem>>, vector<16xf32>,
        tpu.vector_store %arg11[%parallel_loop3A_403, %parallel_loop3A_404], %parallel_loop3A_401 {strides = array<i32>} : memref<1x4096xf32, #tpu.memory_space<vmem>>, vector<16xf32>,
      } {sc.loop_unroll_factor = 8 : i64, sc.parallel_access}
      %dma_start3A_104 = arith.constant 0 : i32
      %dma_start3A_105 = tpu.memref_slice %arg4[%add3A_95, %add3A_3, %dma_start3A_104] : memref<50x64x4096xf32, #tpu.memory_space<hbm>> -> memref<1x1x4096xf32, #tpu.memory_space<hbm>>
      %dma_start3A_106 = tpu.memref_squeeze %dma_start3A_105 : memref<1x1x4096xf32, #tpu.memory_space<hbm>> -> memref<1x4096xf32, #tpu.memory_space<hbm>>
      %dma_start3A_107 = arith.constant 0 : i32
      %dma_start3A_108 = tpu.memref_slice %arg4[%add3A_95, %add3A_3, %dma_start3A_107] : memref<50x64x4096xf32, #tpu.memory_space<hbm>> -> memref<1x1x4096xf32, #tpu.memory_space<hbm>>
      %dma_start3A_109 = tpu.memref_squeeze %dma_start3A_108 : memref<1x1x4096xf32, #tpu.memory_space<hbm>> -> memref<1x4096xf32, #tpu.memory_space<hbm>>
      tpu.enqueue_dma source(%arg11 : memref<1x4096xf32, #tpu.memory_space<vmem>>) target(%dma_start3A_109 : memref<1x4096xf32, #tpu.memory_space<hbm>>) target_semaphore(%arg14 : memref<!tpu.dma_semaphore, #tpu.memory_space<semaphore_mem>>)
      %add3A_110 = arith.constant 5 : i32
      %add3A_111 = arith.addi %add3A_95, %add3A_110 : i32
      %sub3A = arith.constant 1 : i32
      %sub3A_112 = arith.subi %add3A_111, %sub3A : i32
      %lt3A = arith.constant 50 : i32
      %lt3A_113 = arith.cmpi slt, %sub3A_112, %lt3A : i32
      %convert_element_type3A_114 = arith.extui %lt3A_113 : i1 to i32
      %cond3A_115 = arith.constant 0 : i32
      %cond3A_116 = arith.cmpi ne, %convert_element_type3A_114, %cond3A_115 : i32
      scf.if %cond3A_116 {
        %add3A_396 = arith.constant 5 : i32
        %add3A_397 = arith.addi %add3A_95, %add3A_396 : i32
        %sub3A_398 = arith.constant 1 : i32
        %sub3A_399 = arith.subi %add3A_397, %sub3A_398 : i32
        %dma_start3A_400 = arith.constant 0 : i32
        %dma_start3A_401 = tpu.memref_slice %arg2[%sub3A_399, %dma_start3A_400] : memref<50x4096xi32, #tpu.memory_space<hbm>> -> memref<1x4096xi32, #tpu.memory_space<hbm>>
        %dma_start3A_402 = arith.constant 0 : i32
        %dma_start3A_403 = tpu.memref_slice %arg2[%sub3A_399, %dma_start3A_402] : memref<50x4096xi32, #tpu.memory_space<hbm>> -> memref<1x4096xi32, #tpu.memory_space<hbm>>
        tpu.enqueue_dma source(%dma_start3A_403 : memref<1x4096xi32, #tpu.memory_space<hbm>>) target(%arg10 : memref<1x4096xi32, #tpu.memory_space<vmem>>) target_semaphore(%arg13 : memref<!tpu.dma_semaphore, #tpu.memory_space<semaphore_mem>>)
      } else {
      }
      %mul3A_117 = arith.constant 10 : i32
      %mul3A_118 = arith.muli %scan3A_91, %mul3A_117 : i32
      %add3A_119 = arith.constant 1 : i32
      %add3A_120 = arith.addi %mul3A_118, %add3A_119 : i32
      %dma_wait3A_121 = arith.constant 0 : i32
      %dma_wait3A_122 = tpu.memref_slice %arg2[%add3A_120, %dma_wait3A_121] : memref<50x4096xi32, #tpu.memory_space<hbm>> -> memref<1x4096xi32, #tpu.memory_space<hbm>>
      %dma_wait3A_123 = arith.constant 0 : i32
      %dma_wait3A_124 = tpu.memref_slice %arg2[%add3A_120, %dma_wait3A_123] : memref<50x4096xi32, #tpu.memory_space<hbm>> -> memref<1x4096xi32, #tpu.memory_space<hbm>>
      tpu.wait_dma2 semaphore(%arg13 : memref<!tpu.dma_semaphore, #tpu.memory_space<semaphore_mem>>) src(%dma_wait3A_124 : memref<1x4096xi32, #tpu.memory_space<hbm>>) dst(%arg7 : memref<1x4096xi32, #tpu.memory_space<vmem>>)
      %ge3A_125 = arith.constant 2 : i32
      %ge3A_126 = arith.cmpi sge, %add3A_120, %ge3A_125 : i32
      %convert_element_type3A_127 = arith.extui %ge3A_126 : i1 to i32
      %cond3A_128 = arith.constant 0 : i32
      %cond3A_129 = arith.cmpi ne, %convert_element_type3A_127, %cond3A_128 : i32
      scf.if %cond3A_129 {
        %sub3A_396 = arith.constant 2 : i32
        %sub3A_397 = arith.subi %add3A_120, %sub3A_396 : i32
        %dma_wait3A_398 = arith.constant 0 : i32
        %dma_wait3A_399 = tpu.memref_slice %arg4[%sub3A_397, %add3A_3, %dma_wait3A_398] : memref<50x64x4096xf32, #tpu.memory_space<hbm>> -> memref<1x1x4096xf32, #tpu.memory_space<hbm>>
        %dma_wait3A_400 = tpu.memref_squeeze %dma_wait3A_399 : memref<1x1x4096xf32, #tpu.memory_space<hbm>> -> memref<1x4096xf32, #tpu.memory_space<hbm>>
        %dma_wait3A_401 = arith.constant 0 : i32
        %dma_wait3A_402 = tpu.memref_slice %arg4[%sub3A_397, %add3A_3, %dma_wait3A_401] : memref<50x64x4096xf32, #tpu.memory_space<hbm>> -> memref<1x1x4096xf32, #tpu.memory_space<hbm>>
        %dma_wait3A_403 = tpu.memref_squeeze %dma_wait3A_402 : memref<1x1x4096xf32, #tpu.memory_space<hbm>> -> memref<1x4096xf32, #tpu.memory_space<hbm>>
        tpu.wait_dma2 semaphore(%arg15 : memref<!tpu.dma_semaphore, #tpu.memory_space<semaphore_mem>>) src(%arg12 : memref<1x4096xf32, #tpu.memory_space<vmem>>) dst(%dma_wait3A_403 : memref<1x4096xf32, #tpu.memory_space<hbm>>)
      } else {
      }
      %parallel_loop3A_130 = arith.constant 0 : i32
      %parallel_loop3A_131 = arith.constant 4096 : i32
      %parallel_loop3A_132 = arith.constant 16 : i32
      scf.for %parallel_loop3A_396 = %parallel_loop3A_130 to %parallel_loop3A_131 step %parallel_loop3A_132  : i32 {
        %parallel_loop3A_397 = arith.constant 0 : i32
        %parallel_loop3A_398 = arith.index_cast %parallel_loop3A_397 : i32 to index
        %parallel_loop3A_399 = arith.index_cast %parallel_loop3A_396 : i32 to index
        %parallel_loop3A_400 = tpu.vector_load %arg7[%parallel_loop3A_398, %parallel_loop3A_399] {strides = array<i32>} : memref<1x4096xi32, #tpu.memory_space<vmem>>, vector<16xi32>,
        %parallel_loop3A_401 = tpu.vector_load_idx %arg5[%broadcast_in_dim3A_1, %parallel_loop3A_400] : memref<1x100000xf32, #tpu.memory_space<vmem>>[vector<16xi32>, vector<16xi32>], vector<16xf32>,
        %parallel_loop3A_402 = arith.constant 0 : i32
        %parallel_loop3A_403 = arith.index_cast %parallel_loop3A_402 : i32 to index
        %parallel_loop3A_404 = arith.index_cast %parallel_loop3A_396 : i32 to index
        %parallel_loop3A_405 = tpu.vector_load %arg12[%parallel_loop3A_403, %parallel_loop3A_404] {strides = array<i32>} : memref<1x4096xf32, #tpu.memory_space<vmem>>, vector<16xf32>,
        tpu.vector_store %arg12[%parallel_loop3A_403, %parallel_loop3A_404], %parallel_loop3A_401 {strides = array<i32>} : memref<1x4096xf32, #tpu.memory_space<vmem>>, vector<16xf32>,
      } {sc.loop_unroll_factor = 8 : i64, sc.parallel_access}
      %dma_start3A_133 = arith.constant 0 : i32
      %dma_start3A_134 = tpu.memref_slice %arg4[%add3A_120, %add3A_3, %dma_start3A_133] : memref<50x64x4096xf32, #tpu.memory_space<hbm>> -> memref<1x1x4096xf32, #tpu.memory_space<hbm>>
      %dma_start3A_135 = tpu.memref_squeeze %dma_start3A_134 : memref<1x1x4096xf32, #tpu.memory_space<hbm>> -> memref<1x4096xf32, #tpu.memory_space<hbm>>
      %dma_start3A_136 = arith.constant 0 : i32
      %dma_start3A_137 = tpu.memref_slice %arg4[%add3A_120, %add3A_3, %dma_start3A_136] : memref<50x64x4096xf32, #tpu.memory_space<hbm>> -> memref<1x1x4096xf32, #tpu.memory_space<hbm>>
      %dma_start3A_138 = tpu.memref_squeeze %dma_start3A_137 : memref<1x1x4096xf32, #tpu.memory_space<hbm>> -> memref<1x4096xf32, #tpu.memory_space<hbm>>
      tpu.enqueue_dma source(%arg12 : memref<1x4096xf32, #tpu.memory_space<vmem>>) target(%dma_start3A_138 : memref<1x4096xf32, #tpu.memory_space<hbm>>) target_semaphore(%arg15 : memref<!tpu.dma_semaphore, #tpu.memory_space<semaphore_mem>>)
      %add3A_139 = arith.constant 5 : i32
      %add3A_140 = arith.addi %add3A_120, %add3A_139 : i32
      %sub3A_141 = arith.constant 1 : i32
      %sub3A_142 = arith.subi %add3A_140, %sub3A_141 : i32
      %lt3A_143 = arith.constant 50 : i32
      %lt3A_144 = arith.cmpi slt, %sub3A_142, %lt3A_143 : i32
      %convert_element_type3A_145 = arith.extui %lt3A_144 : i1 to i32
      %cond3A_146 = arith.constant 0 : i32
      %cond3A_147 = arith.cmpi ne, %convert_element_type3A_145, %cond3A_146 : i32
      scf.if %cond3A_147 {
        %add3A_396 = arith.constant 5 : i32
        %add3A_397 = arith.addi %add3A_120, %add3A_396 : i32
        %sub3A_398 = arith.constant 1 : i32
        %sub3A_399 = arith.subi %add3A_397, %sub3A_398 : i32
        %dma_start3A_400 = arith.constant 0 : i32
        %dma_start3A_401 = tpu.memref_slice %arg2[%sub3A_399, %dma_start3A_400] : memref<50x4096xi32, #tpu.memory_space<hbm>> -> memref<1x4096xi32, #tpu.memory_space<hbm>>
        %dma_start3A_402 = arith.constant 0 : i32
        %dma_start3A_403 = tpu.memref_slice %arg2[%sub3A_399, %dma_start3A_402] : memref<50x4096xi32, #tpu.memory_space<hbm>> -> memref<1x4096xi32, #tpu.memory_space<hbm>>
        tpu.enqueue_dma source(%dma_start3A_403 : memref<1x4096xi32, #tpu.memory_space<hbm>>) target(%arg6 : memref<1x4096xi32, #tpu.memory_space<vmem>>) target_semaphore(%arg13 : memref<!tpu.dma_semaphore, #tpu.memory_space<semaphore_mem>>)
      } else {
      }
      %mul3A_148 = arith.constant 10 : i32
      %mul3A_149 = arith.muli %scan3A_91, %mul3A_148 : i32
      %add3A_150 = arith.constant 2 : i32
      %add3A_151 = arith.addi %mul3A_149, %add3A_150 : i32
      %dma_wait3A_152 = arith.constant 0 : i32
      %dma_wait3A_153 = tpu.memref_slice %arg2[%add3A_151, %dma_wait3A_152] : memref<50x4096xi32, #tpu.memory_space<hbm>> -> memref<1x4096xi32, #tpu.memory_space<hbm>>
      %dma_wait3A_154 = arith.constant 0 : i32
      %dma_wait3A_155 = tpu.memref_slice %arg2[%add3A_151, %dma_wait3A_154] : memref<50x4096xi32, #tpu.memory_space<hbm>> -> memref<1x4096xi32, #tpu.memory_space<hbm>>
      tpu.wait_dma2 semaphore(%arg13 : memref<!tpu.dma_semaphore, #tpu.memory_space<semaphore_mem>>) src(%dma_wait3A_155 : memref<1x4096xi32, #tpu.memory_space<hbm>>) dst(%arg8 : memref<1x4096xi32, #tpu.memory_space<vmem>>)
      %ge3A_156 = arith.constant 2 : i32
      %ge3A_157 = arith.cmpi sge, %add3A_151, %ge3A_156 : i32
      %convert_element_type3A_158 = arith.extui %ge3A_157 : i1 to i32
      %cond3A_159 = arith.constant 0 : i32
      %cond3A_160 = arith.cmpi ne, %convert_element_type3A_158, %cond3A_159 : i32
      scf.if %cond3A_160 {
        %sub3A_396 = arith.constant 2 : i32
        %sub3A_397 = arith.subi %add3A_151, %sub3A_396 : i32
        %dma_wait3A_398 = arith.constant 0 : i32
        %dma_wait3A_399 = tpu.memref_slice %arg4[%sub3A_397, %add3A_3, %dma_wait3A_398] : memref<50x64x4096xf32, #tpu.memory_space<hbm>> -> memref<1x1x4096xf32, #tpu.memory_space<hbm>>
        %dma_wait3A_400 = tpu.memref_squeeze %dma_wait3A_399 : memref<1x1x4096xf32, #tpu.memory_space<hbm>> -> memref<1x4096xf32, #tpu.memory_space<hbm>>
        %dma_wait3A_401 = arith.constant 0 : i32
        %dma_wait3A_402 = tpu.memref_slice %arg4[%sub3A_397, %add3A_3, %dma_wait3A_401] : memref<50x64x4096xf32, #tpu.memory_space<hbm>> -> memref<1x1x4096xf32, #tpu.memory_space<hbm>>
        %dma_wait3A_403 = tpu.memref_squeeze %dma_wait3A_402 : memref<1x1x4096xf32, #tpu.memory_space<hbm>> -> memref<1x4096xf32, #tpu.memory_space<hbm>>
        tpu.wait_dma2 semaphore(%arg14 : memref<!tpu.dma_semaphore, #tpu.memory_space<semaphore_mem>>) src(%arg11 : memref<1x4096xf32, #tpu.memory_space<vmem>>) dst(%dma_wait3A_403 : memref<1x4096xf32, #tpu.memory_space<hbm>>)
      } else {
      }
      %parallel_loop3A_161 = arith.constant 0 : i32
      %parallel_loop3A_162 = arith.constant 4096 : i32
      %parallel_loop3A_163 = arith.constant 16 : i32
      scf.for %parallel_loop3A_396 = %parallel_loop3A_161 to %parallel_loop3A_162 step %parallel_loop3A_163  : i32 {
        %parallel_loop3A_397 = arith.constant 0 : i32
        %parallel_loop3A_398 = arith.index_cast %parallel_loop3A_397 : i32 to index
        %parallel_loop3A_399 = arith.index_cast %parallel_loop3A_396 : i32 to index
        %parallel_loop3A_400 = tpu.vector_load %arg8[%parallel_loop3A_398, %parallel_loop3A_399] {strides = array<i32>} : memref<1x4096xi32, #tpu.memory_space<vmem>>, vector<16xi32>,
        %parallel_loop3A_401 = tpu.vector_load_idx %arg5[%broadcast_in_dim3A_1, %parallel_loop3A_400] : memref<1x100000xf32, #tpu.memory_space<vmem>>[vector<16xi32>, vector<16xi32>], vector<16xf32>,
        %parallel_loop3A_402 = arith.constant 0 : i32
        %parallel_loop3A_403 = arith.index_cast %parallel_loop3A_402 : i32 to index
        %parallel_loop3A_404 = arith.index_cast %parallel_loop3A_396 : i32 to index
        %parallel_loop3A_405 = tpu.vector_load %arg11[%parallel_loop3A_403, %parallel_loop3A_404] {strides = array<i32>} : memref<1x4096xf32, #tpu.memory_space<vmem>>, vector<16xf32>,
        tpu.vector_store %arg11[%parallel_loop3A_403, %parallel_loop3A_404], %parallel_loop3A_401 {strides = array<i32>} : memref<1x4096xf32, #tpu.memory_space<vmem>>, vector<16xf32>,
      } {sc.loop_unroll_factor = 8 : i64, sc.parallel_access}
      %dma_start3A_164 = arith.constant 0 : i32
      %dma_start3A_165 = tpu.memref_slice %arg4[%add3A_151, %add3A_3, %dma_start3A_164] : memref<50x64x4096xf32, #tpu.memory_space<hbm>> -> memref<1x1x4096xf32, #tpu.memory_space<hbm>>
      %dma_start3A_166 = tpu.memref_squeeze %dma_start3A_165 : memref<1x1x4096xf32, #tpu.memory_space<hbm>> -> memref<1x4096xf32, #tpu.memory_space<hbm>>
      %dma_start3A_167 = arith.constant 0 : i32
      %dma_start3A_168 = tpu.memref_slice %arg4[%add3A_151, %add3A_3, %dma_start3A_167] : memref<50x64x4096xf32, #tpu.memory_space<hbm>> -> memref<1x1x4096xf32, #tpu.memory_space<hbm>>
      %dma_start3A_169 = tpu.memref_squeeze %dma_start3A_168 : memref<1x1x4096xf32, #tpu.memory_space<hbm>> -> memref<1x4096xf32, #tpu.memory_space<hbm>>
      tpu.enqueue_dma source(%arg11 : memref<1x4096xf32, #tpu.memory_space<vmem>>) target(%dma_start3A_169 : memref<1x4096xf32, #tpu.memory_space<hbm>>) target_semaphore(%arg14 : memref<!tpu.dma_semaphore, #tpu.memory_space<semaphore_mem>>)
      %add3A_170 = arith.constant 5 : i32
      %add3A_171 = arith.addi %add3A_151, %add3A_170 : i32
      %sub3A_172 = arith.constant 1 : i32
      %sub3A_173 = arith.subi %add3A_171, %sub3A_172 : i32
      %lt3A_174 = arith.constant 50 : i32
      %lt3A_175 = arith.cmpi slt, %sub3A_173, %lt3A_174 : i32
      %convert_element_type3A_176 = arith.extui %lt3A_175 : i1 to i32
      %cond3A_177 = arith.constant 0 : i32
      %cond3A_178 = arith.cmpi ne, %convert_element_type3A_176, %cond3A_177 : i32
      scf.if %cond3A_178 {
        %add3A_396 = arith.constant 5 : i32
        %add3A_397 = arith.addi %add3A_151, %add3A_396 : i32
        %sub3A_398 = arith.constant 1 : i32
        %sub3A_399 = arith.subi %add3A_397, %sub3A_398 : i32
        %dma_start3A_400 = arith.constant 0 : i32
        %dma_start3A_401 = tpu.memref_slice %arg2[%sub3A_399, %dma_start3A_400] : memref<50x4096xi32, #tpu.memory_space<hbm>> -> memref<1x4096xi32, #tpu.memory_space<hbm>>
        %dma_start3A_402 = arith.constant 0 : i32
        %dma_start3A_403 = tpu.memref_slice %arg2[%sub3A_399, %dma_start3A_402] : memref<50x4096xi32, #tpu.memory_space<hbm>> -> memref<1x4096xi32, #tpu.memory_space<hbm>>
        tpu.enqueue_dma source(%dma_start3A_403 : memref<1x4096xi32, #tpu.memory_space<hbm>>) target(%arg7 : memref<1x4096xi32, #tpu.memory_space<vmem>>) target_semaphore(%arg13 : memref<!tpu.dma_semaphore, #tpu.memory_space<semaphore_mem>>)
      } else {
      }
      %mul3A_179 = arith.constant 10 : i32
      %mul3A_180 = arith.muli %scan3A_91, %mul3A_179 : i32
      %add3A_181 = arith.constant 3 : i32
      %add3A_182 = arith.addi %mul3A_180, %add3A_181 : i32
      %dma_wait3A_183 = arith.constant 0 : i32
      %dma_wait3A_184 = tpu.memref_slice %arg2[%add3A_182, %dma_wait3A_183] : memref<50x4096xi32, #tpu.memory_space<hbm>> -> memref<1x4096xi32, #tpu.memory_space<hbm>>
      %dma_wait3A_185 = arith.constant 0 : i32
      %dma_wait3A_186 = tpu.memref_slice %arg2[%add3A_182, %dma_wait3A_185] : memref<50x4096xi32, #tpu.memory_space<hbm>> -> memref<1x4096xi32, #tpu.memory_space<hbm>>
      tpu.wait_dma2 semaphore(%arg13 : memref<!tpu.dma_semaphore, #tpu.memory_space<semaphore_mem>>) src(%dma_wait3A_186 : memref<1x4096xi32, #tpu.memory_space<hbm>>) dst(%arg9 : memref<1x4096xi32, #tpu.memory_space<vmem>>)
      %ge3A_187 = arith.constant 2 : i32
      %ge3A_188 = arith.cmpi sge, %add3A_182, %ge3A_187 : i32
      %convert_element_type3A_189 = arith.extui %ge3A_188 : i1 to i32
      %cond3A_190 = arith.constant 0 : i32
      %cond3A_191 = arith.cmpi ne, %convert_element_type3A_189, %cond3A_190 : i32
      scf.if %cond3A_191 {
        %sub3A_396 = arith.constant 2 : i32
        %sub3A_397 = arith.subi %add3A_182, %sub3A_396 : i32
        %dma_wait3A_398 = arith.constant 0 : i32
        %dma_wait3A_399 = tpu.memref_slice %arg4[%sub3A_397, %add3A_3, %dma_wait3A_398] : memref<50x64x4096xf32, #tpu.memory_space<hbm>> -> memref<1x1x4096xf32, #tpu.memory_space<hbm>>
        %dma_wait3A_400 = tpu.memref_squeeze %dma_wait3A_399 : memref<1x1x4096xf32, #tpu.memory_space<hbm>> -> memref<1x4096xf32, #tpu.memory_space<hbm>>
        %dma_wait3A_401 = arith.constant 0 : i32
        %dma_wait3A_402 = tpu.memref_slice %arg4[%sub3A_397, %add3A_3, %dma_wait3A_401] : memref<50x64x4096xf32, #tpu.memory_space<hbm>> -> memref<1x1x4096xf32, #tpu.memory_space<hbm>>
        %dma_wait3A_403 = tpu.memref_squeeze %dma_wait3A_402 : memref<1x1x4096xf32, #tpu.memory_space<hbm>> -> memref<1x4096xf32, #tpu.memory_space<hbm>>
        tpu.wait_dma2 semaphore(%arg15 : memref<!tpu.dma_semaphore, #tpu.memory_space<semaphore_mem>>) src(%arg12 : memref<1x4096xf32, #tpu.memory_space<vmem>>) dst(%dma_wait3A_403 : memref<1x4096xf32, #tpu.memory_space<hbm>>)
      } else {
      }
      %parallel_loop3A_192 = arith.constant 0 : i32
      %parallel_loop3A_193 = arith.constant 4096 : i32
      %parallel_loop3A_194 = arith.constant 16 : i32
      scf.for %parallel_loop3A_396 = %parallel_loop3A_192 to %parallel_loop3A_193 step %parallel_loop3A_194  : i32 {
        %parallel_loop3A_397 = arith.constant 0 : i32
        %parallel_loop3A_398 = arith.index_cast %parallel_loop3A_397 : i32 to index
        %parallel_loop3A_399 = arith.index_cast %parallel_loop3A_396 : i32 to index
        %parallel_loop3A_400 = tpu.vector_load %arg9[%parallel_loop3A_398, %parallel_loop3A_399] {strides = array<i32>} : memref<1x4096xi32, #tpu.memory_space<vmem>>, vector<16xi32>,
        %parallel_loop3A_401 = tpu.vector_load_idx %arg5[%broadcast_in_dim3A_1, %parallel_loop3A_400] : memref<1x100000xf32, #tpu.memory_space<vmem>>[vector<16xi32>, vector<16xi32>], vector<16xf32>,
        %parallel_loop3A_402 = arith.constant 0 : i32
        %parallel_loop3A_403 = arith.index_cast %parallel_loop3A_402 : i32 to index
        %parallel_loop3A_404 = arith.index_cast %parallel_loop3A_396 : i32 to index
        %parallel_loop3A_405 = tpu.vector_load %arg12[%parallel_loop3A_403, %parallel_loop3A_404] {strides = array<i32>} : memref<1x4096xf32, #tpu.memory_space<vmem>>, vector<16xf32>,
        tpu.vector_store %arg12[%parallel_loop3A_403, %parallel_loop3A_404], %parallel_loop3A_401 {strides = array<i32>} : memref<1x4096xf32, #tpu.memory_space<vmem>>, vector<16xf32>,
      } {sc.loop_unroll_factor = 8 : i64, sc.parallel_access}
      %dma_start3A_195 = arith.constant 0 : i32
      %dma_start3A_196 = tpu.memref_slice %arg4[%add3A_182, %add3A_3, %dma_start3A_195] : memref<50x64x4096xf32, #tpu.memory_space<hbm>> -> memref<1x1x4096xf32, #tpu.memory_space<hbm>>
      %dma_start3A_197 = tpu.memref_squeeze %dma_start3A_196 : memref<1x1x4096xf32, #tpu.memory_space<hbm>> -> memref<1x4096xf32, #tpu.memory_space<hbm>>
      %dma_start3A_198 = arith.constant 0 : i32
      %dma_start3A_199 = tpu.memref_slice %arg4[%add3A_182, %add3A_3, %dma_start3A_198] : memref<50x64x4096xf32, #tpu.memory_space<hbm>> -> memref<1x1x4096xf32, #tpu.memory_space<hbm>>
      %dma_start3A_200 = tpu.memref_squeeze %dma_start3A_199 : memref<1x1x4096xf32, #tpu.memory_space<hbm>> -> memref<1x4096xf32, #tpu.memory_space<hbm>>
      tpu.enqueue_dma source(%arg12 : memref<1x4096xf32, #tpu.memory_space<vmem>>) target(%dma_start3A_200 : memref<1x4096xf32, #tpu.memory_space<hbm>>) target_semaphore(%arg15 : memref<!tpu.dma_semaphore, #tpu.memory_space<semaphore_mem>>)
      %add3A_201 = arith.constant 5 : i32
      %add3A_202 = arith.addi %add3A_182, %add3A_201 : i32
      %sub3A_203 = arith.constant 1 : i32
      %sub3A_204 = arith.subi %add3A_202, %sub3A_203 : i32
      %lt3A_205 = arith.constant 50 : i32
      %lt3A_206 = arith.cmpi slt, %sub3A_204, %lt3A_205 : i32
      %convert_element_type3A_207 = arith.extui %lt3A_206 : i1 to i32
      %cond3A_208 = arith.constant 0 : i32
      %cond3A_209 = arith.cmpi ne, %convert_element_type3A_207, %cond3A_208 : i32
      scf.if %cond3A_209 {
        %add3A_396 = arith.constant 5 : i32
        %add3A_397 = arith.addi %add3A_182, %add3A_396 : i32
        %sub3A_398 = arith.constant 1 : i32
        %sub3A_399 = arith.subi %add3A_397, %sub3A_398 : i32
        %dma_start3A_400 = arith.constant 0 : i32
        %dma_start3A_401 = tpu.memref_slice %arg2[%sub3A_399, %dma_start3A_400] : memref<50x4096xi32, #tpu.memory_space<hbm>> -> memref<1x4096xi32, #tpu.memory_space<hbm>>
        %dma_start3A_402 = arith.constant 0 : i32
        %dma_start3A_403 = tpu.memref_slice %arg2[%sub3A_399, %dma_start3A_402] : memref<50x4096xi32, #tpu.memory_space<hbm>> -> memref<1x4096xi32, #tpu.memory_space<hbm>>
        tpu.enqueue_dma source(%dma_start3A_403 : memref<1x4096xi32, #tpu.memory_space<hbm>>) target(%arg8 : memref<1x4096xi32, #tpu.memory_space<vmem>>) target_semaphore(%arg13 : memref<!tpu.dma_semaphore, #tpu.memory_space<semaphore_mem>>)
      } else {
      }
      %mul3A_210 = arith.constant 10 : i32
      %mul3A_211 = arith.muli %scan3A_91, %mul3A_210 : i32
      %add3A_212 = arith.constant 4 : i32
      %add3A_213 = arith.addi %mul3A_211, %add3A_212 : i32
      %dma_wait3A_214 = arith.constant 0 : i32
      %dma_wait3A_215 = tpu.memref_slice %arg2[%add3A_213, %dma_wait3A_214] : memref<50x4096xi32, #tpu.memory_space<hbm>> -> memref<1x4096xi32, #tpu.memory_space<hbm>>
      %dma_wait3A_216 = arith.constant 0 : i32
      %dma_wait3A_217 = tpu.memref_slice %arg2[%add3A_213, %dma_wait3A_216] : memref<50x4096xi32, #tpu.memory_space<hbm>> -> memref<1x4096xi32, #tpu.memory_space<hbm>>
      tpu.wait_dma2 semaphore(%arg13 : memref<!tpu.dma_semaphore, #tpu.memory_space<semaphore_mem>>) src(%dma_wait3A_217 : memref<1x4096xi32, #tpu.memory_space<hbm>>) dst(%arg10 : memref<1x4096xi32, #tpu.memory_space<vmem>>)
      %ge3A_218 = arith.constant 2 : i32
      %ge3A_219 = arith.cmpi sge, %add3A_213, %ge3A_218 : i32
      %convert_element_type3A_220 = arith.extui %ge3A_219 : i1 to i32
      %cond3A_221 = arith.constant 0 : i32
      %cond3A_222 = arith.cmpi ne, %convert_element_type3A_220, %cond3A_221 : i32
      scf.if %cond3A_222 {
        %sub3A_396 = arith.constant 2 : i32
        %sub3A_397 = arith.subi %add3A_213, %sub3A_396 : i32
        %dma_wait3A_398 = arith.constant 0 : i32
        %dma_wait3A_399 = tpu.memref_slice %arg4[%sub3A_397, %add3A_3, %dma_wait3A_398] : memref<50x64x4096xf32, #tpu.memory_space<hbm>> -> memref<1x1x4096xf32, #tpu.memory_space<hbm>>
        %dma_wait3A_400 = tpu.memref_squeeze %dma_wait3A_399 : memref<1x1x4096xf32, #tpu.memory_space<hbm>> -> memref<1x4096xf32, #tpu.memory_space<hbm>>
        %dma_wait3A_401 = arith.constant 0 : i32
        %dma_wait3A_402 = tpu.memref_slice %arg4[%sub3A_397, %add3A_3, %dma_wait3A_401] : memref<50x64x4096xf32, #tpu.memory_space<hbm>> -> memref<1x1x4096xf32, #tpu.memory_space<hbm>>
        %dma_wait3A_403 = tpu.memref_squeeze %dma_wait3A_402 : memref<1x1x4096xf32, #tpu.memory_space<hbm>> -> memref<1x4096xf32, #tpu.memory_space<hbm>>
        tpu.wait_dma2 semaphore(%arg14 : memref<!tpu.dma_semaphore, #tpu.memory_space<semaphore_mem>>) src(%arg11 : memref<1x4096xf32, #tpu.memory_space<vmem>>) dst(%dma_wait3A_403 : memref<1x4096xf32, #tpu.memory_space<hbm>>)
      } else {
      }
      %parallel_loop3A_223 = arith.constant 0 : i32
      %parallel_loop3A_224 = arith.constant 4096 : i32
      %parallel_loop3A_225 = arith.constant 16 : i32
      scf.for %parallel_loop3A_396 = %parallel_loop3A_223 to %parallel_loop3A_224 step %parallel_loop3A_225  : i32 {
        %parallel_loop3A_397 = arith.constant 0 : i32
        %parallel_loop3A_398 = arith.index_cast %parallel_loop3A_397 : i32 to index
        %parallel_loop3A_399 = arith.index_cast %parallel_loop3A_396 : i32 to index
        %parallel_loop3A_400 = tpu.vector_load %arg10[%parallel_loop3A_398, %parallel_loop3A_399] {strides = array<i32>} : memref<1x4096xi32, #tpu.memory_space<vmem>>, vector<16xi32>,
        %parallel_loop3A_401 = tpu.vector_load_idx %arg5[%broadcast_in_dim3A_1, %parallel_loop3A_400] : memref<1x100000xf32, #tpu.memory_space<vmem>>[vector<16xi32>, vector<16xi32>], vector<16xf32>,
        %parallel_loop3A_402 = arith.constant 0 : i32
        %parallel_loop3A_403 = arith.index_cast %parallel_loop3A_402 : i32 to index
        %parallel_loop3A_404 = arith.index_cast %parallel_loop3A_396 : i32 to index
        %parallel_loop3A_405 = tpu.vector_load %arg11[%parallel_loop3A_403, %parallel_loop3A_404] {strides = array<i32>} : memref<1x4096xf32, #tpu.memory_space<vmem>>, vector<16xf32>,
        tpu.vector_store %arg11[%parallel_loop3A_403, %parallel_loop3A_404], %parallel_loop3A_401 {strides = array<i32>} : memref<1x4096xf32, #tpu.memory_space<vmem>>, vector<16xf32>,
      } {sc.loop_unroll_factor = 8 : i64, sc.parallel_access}
      %dma_start3A_226 = arith.constant 0 : i32
      %dma_start3A_227 = tpu.memref_slice %arg4[%add3A_213, %add3A_3, %dma_start3A_226] : memref<50x64x4096xf32, #tpu.memory_space<hbm>> -> memref<1x1x4096xf32, #tpu.memory_space<hbm>>
      %dma_start3A_228 = tpu.memref_squeeze %dma_start3A_227 : memref<1x1x4096xf32, #tpu.memory_space<hbm>> -> memref<1x4096xf32, #tpu.memory_space<hbm>>
      %dma_start3A_229 = arith.constant 0 : i32
      %dma_start3A_230 = tpu.memref_slice %arg4[%add3A_213, %add3A_3, %dma_start3A_229] : memref<50x64x4096xf32, #tpu.memory_space<hbm>> -> memref<1x1x4096xf32, #tpu.memory_space<hbm>>
      %dma_start3A_231 = tpu.memref_squeeze %dma_start3A_230 : memref<1x1x4096xf32, #tpu.memory_space<hbm>> -> memref<1x4096xf32, #tpu.memory_space<hbm>>
      tpu.enqueue_dma source(%arg11 : memref<1x4096xf32, #tpu.memory_space<vmem>>) target(%dma_start3A_231 : memref<1x4096xf32, #tpu.memory_space<hbm>>) target_semaphore(%arg14 : memref<!tpu.dma_semaphore, #tpu.memory_space<semaphore_mem>>)
      %add3A_232 = arith.constant 5 : i32
      %add3A_233 = arith.addi %add3A_213, %add3A_232 : i32
      %sub3A_234 = arith.constant 1 : i32
      %sub3A_235 = arith.subi %add3A_233, %sub3A_234 : i32
      %lt3A_236 = arith.constant 50 : i32
      %lt3A_237 = arith.cmpi slt, %sub3A_235, %lt3A_236 : i32
      %convert_element_type3A_238 = arith.extui %lt3A_237 : i1 to i32
      %cond3A_239 = arith.constant 0 : i32
      %cond3A_240 = arith.cmpi ne, %convert_element_type3A_238, %cond3A_239 : i32
      scf.if %cond3A_240 {
        %add3A_396 = arith.constant 5 : i32
        %add3A_397 = arith.addi %add3A_213, %add3A_396 : i32
        %sub3A_398 = arith.constant 1 : i32
        %sub3A_399 = arith.subi %add3A_397, %sub3A_398 : i32
        %dma_start3A_400 = arith.constant 0 : i32
        %dma_start3A_401 = tpu.memref_slice %arg2[%sub3A_399, %dma_start3A_400] : memref<50x4096xi32, #tpu.memory_space<hbm>> -> memref<1x4096xi32, #tpu.memory_space<hbm>>
        %dma_start3A_402 = arith.constant 0 : i32
        %dma_start3A_403 = tpu.memref_slice %arg2[%sub3A_399, %dma_start3A_402] : memref<50x4096xi32, #tpu.memory_space<hbm>> -> memref<1x4096xi32, #tpu.memory_space<hbm>>
        tpu.enqueue_dma source(%dma_start3A_403 : memref<1x4096xi32, #tpu.memory_space<hbm>>) target(%arg9 : memref<1x4096xi32, #tpu.memory_space<vmem>>) target_semaphore(%arg13 : memref<!tpu.dma_semaphore, #tpu.memory_space<semaphore_mem>>)
      } else {
      }
      %mul3A_241 = arith.constant 10 : i32
      %mul3A_242 = arith.muli %scan3A_91, %mul3A_241 : i32
      %add3A_243 = arith.constant 5 : i32
      %add3A_244 = arith.addi %mul3A_242, %add3A_243 : i32
      %dma_wait3A_245 = arith.constant 0 : i32
      %dma_wait3A_246 = tpu.memref_slice %arg2[%add3A_244, %dma_wait3A_245] : memref<50x4096xi32, #tpu.memory_space<hbm>> -> memref<1x4096xi32, #tpu.memory_space<hbm>>
      %dma_wait3A_247 = arith.constant 0 : i32
      %dma_wait3A_248 = tpu.memref_slice %arg2[%add3A_244, %dma_wait3A_247] : memref<50x4096xi32, #tpu.memory_space<hbm>> -> memref<1x4096xi32, #tpu.memory_space<hbm>>
      tpu.wait_dma2 semaphore(%arg13 : memref<!tpu.dma_semaphore, #tpu.memory_space<semaphore_mem>>) src(%dma_wait3A_248 : memref<1x4096xi32, #tpu.memory_space<hbm>>) dst(%arg6 : memref<1x4096xi32, #tpu.memory_space<vmem>>)
      %ge3A_249 = arith.constant 2 : i32
      %ge3A_250 = arith.cmpi sge, %add3A_244, %ge3A_249 : i32
      %convert_element_type3A_251 = arith.extui %ge3A_250 : i1 to i32
      %cond3A_252 = arith.constant 0 : i32
      %cond3A_253 = arith.cmpi ne, %convert_element_type3A_251, %cond3A_252 : i32
      scf.if %cond3A_253 {
        %sub3A_396 = arith.constant 2 : i32
        %sub3A_397 = arith.subi %add3A_244, %sub3A_396 : i32
        %dma_wait3A_398 = arith.constant 0 : i32
        %dma_wait3A_399 = tpu.memref_slice %arg4[%sub3A_397, %add3A_3, %dma_wait3A_398] : memref<50x64x4096xf32, #tpu.memory_space<hbm>> -> memref<1x1x4096xf32, #tpu.memory_space<hbm>>
        %dma_wait3A_400 = tpu.memref_squeeze %dma_wait3A_399 : memref<1x1x4096xf32, #tpu.memory_space<hbm>> -> memref<1x4096xf32, #tpu.memory_space<hbm>>
        %dma_wait3A_401 = arith.constant 0 : i32
        %dma_wait3A_402 = tpu.memref_slice %arg4[%sub3A_397, %add3A_3, %dma_wait3A_401] : memref<50x64x4096xf32, #tpu.memory_space<hbm>> -> memref<1x1x4096xf32, #tpu.memory_space<hbm>>
        %dma_wait3A_403 = tpu.memref_squeeze %dma_wait3A_402 : memref<1x1x4096xf32, #tpu.memory_space<hbm>> -> memref<1x4096xf32, #tpu.memory_space<hbm>>
        tpu.wait_dma2 semaphore(%arg15 : memref<!tpu.dma_semaphore, #tpu.memory_space<semaphore_mem>>) src(%arg12 : memref<1x4096xf32, #tpu.memory_space<vmem>>) dst(%dma_wait3A_403 : memref<1x4096xf32, #tpu.memory_space<hbm>>)
      } else {
      }
      %parallel_loop3A_254 = arith.constant 0 : i32
      %parallel_loop3A_255 = arith.constant 4096 : i32
      %parallel_loop3A_256 = arith.constant 16 : i32
      scf.for %parallel_loop3A_396 = %parallel_loop3A_254 to %parallel_loop3A_255 step %parallel_loop3A_256  : i32 {
        %parallel_loop3A_397 = arith.constant 0 : i32
        %parallel_loop3A_398 = arith.index_cast %parallel_loop3A_397 : i32 to index
        %parallel_loop3A_399 = arith.index_cast %parallel_loop3A_396 : i32 to index
        %parallel_loop3A_400 = tpu.vector_load %arg6[%parallel_loop3A_398, %parallel_loop3A_399] {strides = array<i32>} : memref<1x4096xi32, #tpu.memory_space<vmem>>, vector<16xi32>,
        %parallel_loop3A_401 = tpu.vector_load_idx %arg5[%broadcast_in_dim3A_1, %parallel_loop3A_400] : memref<1x100000xf32, #tpu.memory_space<vmem>>[vector<16xi32>, vector<16xi32>], vector<16xf32>,
        %parallel_loop3A_402 = arith.constant 0 : i32
        %parallel_loop3A_403 = arith.index_cast %parallel_loop3A_402 : i32 to index
        %parallel_loop3A_404 = arith.index_cast %parallel_loop3A_396 : i32 to index
        %parallel_loop3A_405 = tpu.vector_load %arg12[%parallel_loop3A_403, %parallel_loop3A_404] {strides = array<i32>} : memref<1x4096xf32, #tpu.memory_space<vmem>>, vector<16xf32>,
        tpu.vector_store %arg12[%parallel_loop3A_403, %parallel_loop3A_404], %parallel_loop3A_401 {strides = array<i32>} : memref<1x4096xf32, #tpu.memory_space<vmem>>, vector<16xf32>,
      } {sc.loop_unroll_factor = 8 : i64, sc.parallel_access}
      %dma_start3A_257 = arith.constant 0 : i32
      %dma_start3A_258 = tpu.memref_slice %arg4[%add3A_244, %add3A_3, %dma_start3A_257] : memref<50x64x4096xf32, #tpu.memory_space<hbm>> -> memref<1x1x4096xf32, #tpu.memory_space<hbm>>
      %dma_start3A_259 = tpu.memref_squeeze %dma_start3A_258 : memref<1x1x4096xf32, #tpu.memory_space<hbm>> -> memref<1x4096xf32, #tpu.memory_space<hbm>>
      %dma_start3A_260 = arith.constant 0 : i32
      %dma_start3A_261 = tpu.memref_slice %arg4[%add3A_244, %add3A_3, %dma_start3A_260] : memref<50x64x4096xf32, #tpu.memory_space<hbm>> -> memref<1x1x4096xf32, #tpu.memory_space<hbm>>
      %dma_start3A_262 = tpu.memref_squeeze %dma_start3A_261 : memref<1x1x4096xf32, #tpu.memory_space<hbm>> -> memref<1x4096xf32, #tpu.memory_space<hbm>>
      tpu.enqueue_dma source(%arg12 : memref<1x4096xf32, #tpu.memory_space<vmem>>) target(%dma_start3A_262 : memref<1x4096xf32, #tpu.memory_space<hbm>>) target_semaphore(%arg15 : memref<!tpu.dma_semaphore, #tpu.memory_space<semaphore_mem>>)
      %add3A_263 = arith.constant 5 : i32
      %add3A_264 = arith.addi %add3A_244, %add3A_263 : i32
      %sub3A_265 = arith.constant 1 : i32
      %sub3A_266 = arith.subi %add3A_264, %sub3A_265 : i32
      %lt3A_267 = arith.constant 50 : i32
      %lt3A_268 = arith.cmpi slt, %sub3A_266, %lt3A_267 : i32
      %convert_element_type3A_269 = arith.extui %lt3A_268 : i1 to i32
      %cond3A_270 = arith.constant 0 : i32
      %cond3A_271 = arith.cmpi ne, %convert_element_type3A_269, %cond3A_270 : i32
      scf.if %cond3A_271 {
        %add3A_396 = arith.constant 5 : i32
        %add3A_397 = arith.addi %add3A_244, %add3A_396 : i32
        %sub3A_398 = arith.constant 1 : i32
        %sub3A_399 = arith.subi %add3A_397, %sub3A_398 : i32
        %dma_start3A_400 = arith.constant 0 : i32
        %dma_start3A_401 = tpu.memref_slice %arg2[%sub3A_399, %dma_start3A_400] : memref<50x4096xi32, #tpu.memory_space<hbm>> -> memref<1x4096xi32, #tpu.memory_space<hbm>>
        %dma_start3A_402 = arith.constant 0 : i32
        %dma_start3A_403 = tpu.memref_slice %arg2[%sub3A_399, %dma_start3A_402] : memref<50x4096xi32, #tpu.memory_space<hbm>> -> memref<1x4096xi32, #tpu.memory_space<hbm>>
        tpu.enqueue_dma source(%dma_start3A_403 : memref<1x4096xi32, #tpu.memory_space<hbm>>) target(%arg10 : memref<1x4096xi32, #tpu.memory_space<vmem>>) target_semaphore(%arg13 : memref<!tpu.dma_semaphore, #tpu.memory_space<semaphore_mem>>)
      } else {
      }
      %mul3A_272 = arith.constant 10 : i32
      %mul3A_273 = arith.muli %scan3A_91, %mul3A_272 : i32
      %add3A_274 = arith.constant 6 : i32
      %add3A_275 = arith.addi %mul3A_273, %add3A_274 : i32
      %dma_wait3A_276 = arith.constant 0 : i32
      %dma_wait3A_277 = tpu.memref_slice %arg2[%add3A_275, %dma_wait3A_276] : memref<50x4096xi32, #tpu.memory_space<hbm>> -> memref<1x4096xi32, #tpu.memory_space<hbm>>
      %dma_wait3A_278 = arith.constant 0 : i32
      %dma_wait3A_279 = tpu.memref_slice %arg2[%add3A_275, %dma_wait3A_278] : memref<50x4096xi32, #tpu.memory_space<hbm>> -> memref<1x4096xi32, #tpu.memory_space<hbm>>
      tpu.wait_dma2 semaphore(%arg13 : memref<!tpu.dma_semaphore, #tpu.memory_space<semaphore_mem>>) src(%dma_wait3A_279 : memref<1x4096xi32, #tpu.memory_space<hbm>>) dst(%arg7 : memref<1x4096xi32, #tpu.memory_space<vmem>>)
      %ge3A_280 = arith.constant 2 : i32
      %ge3A_281 = arith.cmpi sge, %add3A_275, %ge3A_280 : i32
      %convert_element_type3A_282 = arith.extui %ge3A_281 : i1 to i32
      %cond3A_283 = arith.constant 0 : i32
      %cond3A_284 = arith.cmpi ne, %convert_element_type3A_282, %cond3A_283 : i32
      scf.if %cond3A_284 {
        %sub3A_396 = arith.constant 2 : i32
        %sub3A_397 = arith.subi %add3A_275, %sub3A_396 : i32
        %dma_wait3A_398 = arith.constant 0 : i32
        %dma_wait3A_399 = tpu.memref_slice %arg4[%sub3A_397, %add3A_3, %dma_wait3A_398] : memref<50x64x4096xf32, #tpu.memory_space<hbm>> -> memref<1x1x4096xf32, #tpu.memory_space<hbm>>
        %dma_wait3A_400 = tpu.memref_squeeze %dma_wait3A_399 : memref<1x1x4096xf32, #tpu.memory_space<hbm>> -> memref<1x4096xf32, #tpu.memory_space<hbm>>
        %dma_wait3A_401 = arith.constant 0 : i32
        %dma_wait3A_402 = tpu.memref_slice %arg4[%sub3A_397, %add3A_3, %dma_wait3A_401] : memref<50x64x4096xf32, #tpu.memory_space<hbm>> -> memref<1x1x4096xf32, #tpu.memory_space<hbm>>
        %dma_wait3A_403 = tpu.memref_squeeze %dma_wait3A_402 : memref<1x1x4096xf32, #tpu.memory_space<hbm>> -> memref<1x4096xf32, #tpu.memory_space<hbm>>
        tpu.wait_dma2 semaphore(%arg14 : memref<!tpu.dma_semaphore, #tpu.memory_space<semaphore_mem>>) src(%arg11 : memref<1x4096xf32, #tpu.memory_space<vmem>>) dst(%dma_wait3A_403 : memref<1x4096xf32, #tpu.memory_space<hbm>>)
      } else {
      }
      %parallel_loop3A_285 = arith.constant 0 : i32
      %parallel_loop3A_286 = arith.constant 4096 : i32
      %parallel_loop3A_287 = arith.constant 16 : i32
      scf.for %parallel_loop3A_396 = %parallel_loop3A_285 to %parallel_loop3A_286 step %parallel_loop3A_287  : i32 {
        %parallel_loop3A_397 = arith.constant 0 : i32
        %parallel_loop3A_398 = arith.index_cast %parallel_loop3A_397 : i32 to index
        %parallel_loop3A_399 = arith.index_cast %parallel_loop3A_396 : i32 to index
        %parallel_loop3A_400 = tpu.vector_load %arg7[%parallel_loop3A_398, %parallel_loop3A_399] {strides = array<i32>} : memref<1x4096xi32, #tpu.memory_space<vmem>>, vector<16xi32>,
        %parallel_loop3A_401 = tpu.vector_load_idx %arg5[%broadcast_in_dim3A_1, %parallel_loop3A_400] : memref<1x100000xf32, #tpu.memory_space<vmem>>[vector<16xi32>, vector<16xi32>], vector<16xf32>,
        %parallel_loop3A_402 = arith.constant 0 : i32
        %parallel_loop3A_403 = arith.index_cast %parallel_loop3A_402 : i32 to index
        %parallel_loop3A_404 = arith.index_cast %parallel_loop3A_396 : i32 to index
        %parallel_loop3A_405 = tpu.vector_load %arg11[%parallel_loop3A_403, %parallel_loop3A_404] {strides = array<i32>} : memref<1x4096xf32, #tpu.memory_space<vmem>>, vector<16xf32>,
        tpu.vector_store %arg11[%parallel_loop3A_403, %parallel_loop3A_404], %parallel_loop3A_401 {strides = array<i32>} : memref<1x4096xf32, #tpu.memory_space<vmem>>, vector<16xf32>,
      } {sc.loop_unroll_factor = 8 : i64, sc.parallel_access}
      %dma_start3A_288 = arith.constant 0 : i32
      %dma_start3A_289 = tpu.memref_slice %arg4[%add3A_275, %add3A_3, %dma_start3A_288] : memref<50x64x4096xf32, #tpu.memory_space<hbm>> -> memref<1x1x4096xf32, #tpu.memory_space<hbm>>
      %dma_start3A_290 = tpu.memref_squeeze %dma_start3A_289 : memref<1x1x4096xf32, #tpu.memory_space<hbm>> -> memref<1x4096xf32, #tpu.memory_space<hbm>>
      %dma_start3A_291 = arith.constant 0 : i32
      %dma_start3A_292 = tpu.memref_slice %arg4[%add3A_275, %add3A_3, %dma_start3A_291] : memref<50x64x4096xf32, #tpu.memory_space<hbm>> -> memref<1x1x4096xf32, #tpu.memory_space<hbm>>
      %dma_start3A_293 = tpu.memref_squeeze %dma_start3A_292 : memref<1x1x4096xf32, #tpu.memory_space<hbm>> -> memref<1x4096xf32, #tpu.memory_space<hbm>>
      tpu.enqueue_dma source(%arg11 : memref<1x4096xf32, #tpu.memory_space<vmem>>) target(%dma_start3A_293 : memref<1x4096xf32, #tpu.memory_space<hbm>>) target_semaphore(%arg14 : memref<!tpu.dma_semaphore, #tpu.memory_space<semaphore_mem>>)
      %add3A_294 = arith.constant 5 : i32
      %add3A_295 = arith.addi %add3A_275, %add3A_294 : i32
      %sub3A_296 = arith.constant 1 : i32
      %sub3A_297 = arith.subi %add3A_295, %sub3A_296 : i32
      %lt3A_298 = arith.constant 50 : i32
      %lt3A_299 = arith.cmpi slt, %sub3A_297, %lt3A_298 : i32
      %convert_element_type3A_300 = arith.extui %lt3A_299 : i1 to i32
      %cond3A_301 = arith.constant 0 : i32
      %cond3A_302 = arith.cmpi ne, %convert_element_type3A_300, %cond3A_301 : i32
      scf.if %cond3A_302 {
        %add3A_396 = arith.constant 5 : i32
        %add3A_397 = arith.addi %add3A_275, %add3A_396 : i32
        %sub3A_398 = arith.constant 1 : i32
        %sub3A_399 = arith.subi %add3A_397, %sub3A_398 : i32
        %dma_start3A_400 = arith.constant 0 : i32
        %dma_start3A_401 = tpu.memref_slice %arg2[%sub3A_399, %dma_start3A_400] : memref<50x4096xi32, #tpu.memory_space<hbm>> -> memref<1x4096xi32, #tpu.memory_space<hbm>>
        %dma_start3A_402 = arith.constant 0 : i32
        %dma_start3A_403 = tpu.memref_slice %arg2[%sub3A_399, %dma_start3A_402] : memref<50x4096xi32, #tpu.memory_space<hbm>> -> memref<1x4096xi32, #tpu.memory_space<hbm>>
        tpu.enqueue_dma source(%dma_start3A_403 : memref<1x4096xi32, #tpu.memory_space<hbm>>) target(%arg6 : memref<1x4096xi32, #tpu.memory_space<vmem>>) target_semaphore(%arg13 : memref<!tpu.dma_semaphore, #tpu.memory_space<semaphore_mem>>)
      } else {
      }
      %mul3A_303 = arith.constant 10 : i32
      %mul3A_304 = arith.muli %scan3A_91, %mul3A_303 : i32
      %add3A_305 = arith.constant 7 : i32
      %add3A_306 = arith.addi %mul3A_304, %add3A_305 : i32
      %dma_wait3A_307 = arith.constant 0 : i32
      %dma_wait3A_308 = tpu.memref_slice %arg2[%add3A_306, %dma_wait3A_307] : memref<50x4096xi32, #tpu.memory_space<hbm>> -> memref<1x4096xi32, #tpu.memory_space<hbm>>
      %dma_wait3A_309 = arith.constant 0 : i32
      %dma_wait3A_310 = tpu.memref_slice %arg2[%add3A_306, %dma_wait3A_309] : memref<50x4096xi32, #tpu.memory_space<hbm>> -> memref<1x4096xi32, #tpu.memory_space<hbm>>
      tpu.wait_dma2 semaphore(%arg13 : memref<!tpu.dma_semaphore, #tpu.memory_space<semaphore_mem>>) src(%dma_wait3A_310 : memref<1x4096xi32, #tpu.memory_space<hbm>>) dst(%arg8 : memref<1x4096xi32, #tpu.memory_space<vmem>>)
      %ge3A_311 = arith.constant 2 : i32
      %ge3A_312 = arith.cmpi sge, %add3A_306, %ge3A_311 : i32
      %convert_element_type3A_313 = arith.extui %ge3A_312 : i1 to i32
      %cond3A_314 = arith.constant 0 : i32
      %cond3A_315 = arith.cmpi ne, %convert_element_type3A_313, %cond3A_314 : i32
      scf.if %cond3A_315 {
        %sub3A_396 = arith.constant 2 : i32
        %sub3A_397 = arith.subi %add3A_306, %sub3A_396 : i32
        %dma_wait3A_398 = arith.constant 0 : i32
        %dma_wait3A_399 = tpu.memref_slice %arg4[%sub3A_397, %add3A_3, %dma_wait3A_398] : memref<50x64x4096xf32, #tpu.memory_space<hbm>> -> memref<1x1x4096xf32, #tpu.memory_space<hbm>>
        %dma_wait3A_400 = tpu.memref_squeeze %dma_wait3A_399 : memref<1x1x4096xf32, #tpu.memory_space<hbm>> -> memref<1x4096xf32, #tpu.memory_space<hbm>>
        %dma_wait3A_401 = arith.constant 0 : i32
        %dma_wait3A_402 = tpu.memref_slice %arg4[%sub3A_397, %add3A_3, %dma_wait3A_401] : memref<50x64x4096xf32, #tpu.memory_space<hbm>> -> memref<1x1x4096xf32, #tpu.memory_space<hbm>>
        %dma_wait3A_403 = tpu.memref_squeeze %dma_wait3A_402 : memref<1x1x4096xf32, #tpu.memory_space<hbm>> -> memref<1x4096xf32, #tpu.memory_space<hbm>>
        tpu.wait_dma2 semaphore(%arg15 : memref<!tpu.dma_semaphore, #tpu.memory_space<semaphore_mem>>) src(%arg12 : memref<1x4096xf32, #tpu.memory_space<vmem>>) dst(%dma_wait3A_403 : memref<1x4096xf32, #tpu.memory_space<hbm>>)
      } else {
      }
      %parallel_loop3A_316 = arith.constant 0 : i32
      %parallel_loop3A_317 = arith.constant 4096 : i32
      %parallel_loop3A_318 = arith.constant 16 : i32
      scf.for %parallel_loop3A_396 = %parallel_loop3A_316 to %parallel_loop3A_317 step %parallel_loop3A_318  : i32 {
        %parallel_loop3A_397 = arith.constant 0 : i32
        %parallel_loop3A_398 = arith.index_cast %parallel_loop3A_397 : i32 to index
        %parallel_loop3A_399 = arith.index_cast %parallel_loop3A_396 : i32 to index
        %parallel_loop3A_400 = tpu.vector_load %arg8[%parallel_loop3A_398, %parallel_loop3A_399] {strides = array<i32>} : memref<1x4096xi32, #tpu.memory_space<vmem>>, vector<16xi32>,
        %parallel_loop3A_401 = tpu.vector_load_idx %arg5[%broadcast_in_dim3A_1, %parallel_loop3A_400] : memref<1x100000xf32, #tpu.memory_space<vmem>>[vector<16xi32>, vector<16xi32>], vector<16xf32>,
        %parallel_loop3A_402 = arith.constant 0 : i32
        %parallel_loop3A_403 = arith.index_cast %parallel_loop3A_402 : i32 to index
        %parallel_loop3A_404 = arith.index_cast %parallel_loop3A_396 : i32 to index
        %parallel_loop3A_405 = tpu.vector_load %arg12[%parallel_loop3A_403, %parallel_loop3A_404] {strides = array<i32>} : memref<1x4096xf32, #tpu.memory_space<vmem>>, vector<16xf32>,
        tpu.vector_store %arg12[%parallel_loop3A_403, %parallel_loop3A_404], %parallel_loop3A_401 {strides = array<i32>} : memref<1x4096xf32, #tpu.memory_space<vmem>>, vector<16xf32>,
      } {sc.loop_unroll_factor = 8 : i64, sc.parallel_access}
      %dma_start3A_319 = arith.constant 0 : i32
      %dma_start3A_320 = tpu.memref_slice %arg4[%add3A_306, %add3A_3, %dma_start3A_319] : memref<50x64x4096xf32, #tpu.memory_space<hbm>> -> memref<1x1x4096xf32, #tpu.memory_space<hbm>>
      %dma_start3A_321 = tpu.memref_squeeze %dma_start3A_320 : memref<1x1x4096xf32, #tpu.memory_space<hbm>> -> memref<1x4096xf32, #tpu.memory_space<hbm>>
      %dma_start3A_322 = arith.constant 0 : i32
      %dma_start3A_323 = tpu.memref_slice %arg4[%add3A_306, %add3A_3, %dma_start3A_322] : memref<50x64x4096xf32, #tpu.memory_space<hbm>> -> memref<1x1x4096xf32, #tpu.memory_space<hbm>>
      %dma_start3A_324 = tpu.memref_squeeze %dma_start3A_323 : memref<1x1x4096xf32, #tpu.memory_space<hbm>> -> memref<1x4096xf32, #tpu.memory_space<hbm>>
      tpu.enqueue_dma source(%arg12 : memref<1x4096xf32, #tpu.memory_space<vmem>>) target(%dma_start3A_324 : memref<1x4096xf32, #tpu.memory_space<hbm>>) target_semaphore(%arg15 : memref<!tpu.dma_semaphore, #tpu.memory_space<semaphore_mem>>)
      %add3A_325 = arith.constant 5 : i32
      %add3A_326 = arith.addi %add3A_306, %add3A_325 : i32
      %sub3A_327 = arith.constant 1 : i32
      %sub3A_328 = arith.subi %add3A_326, %sub3A_327 : i32
      %lt3A_329 = arith.constant 50 : i32
      %lt3A_330 = arith.cmpi slt, %sub3A_328, %lt3A_329 : i32
      %convert_element_type3A_331 = arith.extui %lt3A_330 : i1 to i32
      %cond3A_332 = arith.constant 0 : i32
      %cond3A_333 = arith.cmpi ne, %convert_element_type3A_331, %cond3A_332 : i32
      scf.if %cond3A_333 {
        %add3A_396 = arith.constant 5 : i32
        %add3A_397 = arith.addi %add3A_306, %add3A_396 : i32
        %sub3A_398 = arith.constant 1 : i32
        %sub3A_399 = arith.subi %add3A_397, %sub3A_398 : i32
        %dma_start3A_400 = arith.constant 0 : i32
        %dma_start3A_401 = tpu.memref_slice %arg2[%sub3A_399, %dma_start3A_400] : memref<50x4096xi32, #tpu.memory_space<hbm>> -> memref<1x4096xi32, #tpu.memory_space<hbm>>
        %dma_start3A_402 = arith.constant 0 : i32
        %dma_start3A_403 = tpu.memref_slice %arg2[%sub3A_399, %dma_start3A_402] : memref<50x4096xi32, #tpu.memory_space<hbm>> -> memref<1x4096xi32, #tpu.memory_space<hbm>>
        tpu.enqueue_dma source(%dma_start3A_403 : memref<1x4096xi32, #tpu.memory_space<hbm>>) target(%arg7 : memref<1x4096xi32, #tpu.memory_space<vmem>>) target_semaphore(%arg13 : memref<!tpu.dma_semaphore, #tpu.memory_space<semaphore_mem>>)
      } else {
      }
      %mul3A_334 = arith.constant 10 : i32
      %mul3A_335 = arith.muli %scan3A_91, %mul3A_334 : i32
      %add3A_336 = arith.constant 8 : i32
      %add3A_337 = arith.addi %mul3A_335, %add3A_336 : i32
      %dma_wait3A_338 = arith.constant 0 : i32
      %dma_wait3A_339 = tpu.memref_slice %arg2[%add3A_337, %dma_wait3A_338] : memref<50x4096xi32, #tpu.memory_space<hbm>> -> memref<1x4096xi32, #tpu.memory_space<hbm>>
      %dma_wait3A_340 = arith.constant 0 : i32
      %dma_wait3A_341 = tpu.memref_slice %arg2[%add3A_337, %dma_wait3A_340] : memref<50x4096xi32, #tpu.memory_space<hbm>> -> memref<1x4096xi32, #tpu.memory_space<hbm>>
      tpu.wait_dma2 semaphore(%arg13 : memref<!tpu.dma_semaphore, #tpu.memory_space<semaphore_mem>>) src(%dma_wait3A_341 : memref<1x4096xi32, #tpu.memory_space<hbm>>) dst(%arg9 : memref<1x4096xi32, #tpu.memory_space<vmem>>)
      %ge3A_342 = arith.constant 2 : i32
      %ge3A_343 = arith.cmpi sge, %add3A_337, %ge3A_342 : i32
      %convert_element_type3A_344 = arith.extui %ge3A_343 : i1 to i32
      %cond3A_345 = arith.constant 0 : i32
      %cond3A_346 = arith.cmpi ne, %convert_element_type3A_344, %cond3A_345 : i32
      scf.if %cond3A_346 {
        %sub3A_396 = arith.constant 2 : i32
        %sub3A_397 = arith.subi %add3A_337, %sub3A_396 : i32
        %dma_wait3A_398 = arith.constant 0 : i32
        %dma_wait3A_399 = tpu.memref_slice %arg4[%sub3A_397, %add3A_3, %dma_wait3A_398] : memref<50x64x4096xf32, #tpu.memory_space<hbm>> -> memref<1x1x4096xf32, #tpu.memory_space<hbm>>
        %dma_wait3A_400 = tpu.memref_squeeze %dma_wait3A_399 : memref<1x1x4096xf32, #tpu.memory_space<hbm>> -> memref<1x4096xf32, #tpu.memory_space<hbm>>
        %dma_wait3A_401 = arith.constant 0 : i32
        %dma_wait3A_402 = tpu.memref_slice %arg4[%sub3A_397, %add3A_3, %dma_wait3A_401] : memref<50x64x4096xf32, #tpu.memory_space<hbm>> -> memref<1x1x4096xf32, #tpu.memory_space<hbm>>
        %dma_wait3A_403 = tpu.memref_squeeze %dma_wait3A_402 : memref<1x1x4096xf32, #tpu.memory_space<hbm>> -> memref<1x4096xf32, #tpu.memory_space<hbm>>
        tpu.wait_dma2 semaphore(%arg14 : memref<!tpu.dma_semaphore, #tpu.memory_space<semaphore_mem>>) src(%arg11 : memref<1x4096xf32, #tpu.memory_space<vmem>>) dst(%dma_wait3A_403 : memref<1x4096xf32, #tpu.memory_space<hbm>>)
      } else {
      }
      %parallel_loop3A_347 = arith.constant 0 : i32
      %parallel_loop3A_348 = arith.constant 4096 : i32
      %parallel_loop3A_349 = arith.constant 16 : i32
      scf.for %parallel_loop3A_396 = %parallel_loop3A_347 to %parallel_loop3A_348 step %parallel_loop3A_349  : i32 {
        %parallel_loop3A_397 = arith.constant 0 : i32
        %parallel_loop3A_398 = arith.index_cast %parallel_loop3A_397 : i32 to index
        %parallel_loop3A_399 = arith.index_cast %parallel_loop3A_396 : i32 to index
        %parallel_loop3A_400 = tpu.vector_load %arg9[%parallel_loop3A_398, %parallel_loop3A_399] {strides = array<i32>} : memref<1x4096xi32, #tpu.memory_space<vmem>>, vector<16xi32>,
        %parallel_loop3A_401 = tpu.vector_load_idx %arg5[%broadcast_in_dim3A_1, %parallel_loop3A_400] : memref<1x100000xf32, #tpu.memory_space<vmem>>[vector<16xi32>, vector<16xi32>], vector<16xf32>,
        %parallel_loop3A_402 = arith.constant 0 : i32
        %parallel_loop3A_403 = arith.index_cast %parallel_loop3A_402 : i32 to index
        %parallel_loop3A_404 = arith.index_cast %parallel_loop3A_396 : i32 to index
        %parallel_loop3A_405 = tpu.vector_load %arg11[%parallel_loop3A_403, %parallel_loop3A_404] {strides = array<i32>} : memref<1x4096xf32, #tpu.memory_space<vmem>>, vector<16xf32>,
        tpu.vector_store %arg11[%parallel_loop3A_403, %parallel_loop3A_404], %parallel_loop3A_401 {strides = array<i32>} : memref<1x4096xf32, #tpu.memory_space<vmem>>, vector<16xf32>,
      } {sc.loop_unroll_factor = 8 : i64, sc.parallel_access}
      %dma_start3A_350 = arith.constant 0 : i32
      %dma_start3A_351 = tpu.memref_slice %arg4[%add3A_337, %add3A_3, %dma_start3A_350] : memref<50x64x4096xf32, #tpu.memory_space<hbm>> -> memref<1x1x4096xf32, #tpu.memory_space<hbm>>
      %dma_start3A_352 = tpu.memref_squeeze %dma_start3A_351 : memref<1x1x4096xf32, #tpu.memory_space<hbm>> -> memref<1x4096xf32, #tpu.memory_space<hbm>>
      %dma_start3A_353 = arith.constant 0 : i32
      %dma_start3A_354 = tpu.memref_slice %arg4[%add3A_337, %add3A_3, %dma_start3A_353] : memref<50x64x4096xf32, #tpu.memory_space<hbm>> -> memref<1x1x4096xf32, #tpu.memory_space<hbm>>
      %dma_start3A_355 = tpu.memref_squeeze %dma_start3A_354 : memref<1x1x4096xf32, #tpu.memory_space<hbm>> -> memref<1x4096xf32, #tpu.memory_space<hbm>>
      tpu.enqueue_dma source(%arg11 : memref<1x4096xf32, #tpu.memory_space<vmem>>) target(%dma_start3A_355 : memref<1x4096xf32, #tpu.memory_space<hbm>>) target_semaphore(%arg14 : memref<!tpu.dma_semaphore, #tpu.memory_space<semaphore_mem>>)
      %add3A_356 = arith.constant 5 : i32
      %add3A_357 = arith.addi %add3A_337, %add3A_356 : i32
      %sub3A_358 = arith.constant 1 : i32
      %sub3A_359 = arith.subi %add3A_357, %sub3A_358 : i32
      %lt3A_360 = arith.constant 50 : i32
      %lt3A_361 = arith.cmpi slt, %sub3A_359, %lt3A_360 : i32
      %convert_element_type3A_362 = arith.extui %lt3A_361 : i1 to i32
      %cond3A_363 = arith.constant 0 : i32
      %cond3A_364 = arith.cmpi ne, %convert_element_type3A_362, %cond3A_363 : i32
      scf.if %cond3A_364 {
        %add3A_396 = arith.constant 5 : i32
        %add3A_397 = arith.addi %add3A_337, %add3A_396 : i32
        %sub3A_398 = arith.constant 1 : i32
        %sub3A_399 = arith.subi %add3A_397, %sub3A_398 : i32
        %dma_start3A_400 = arith.constant 0 : i32
        %dma_start3A_401 = tpu.memref_slice %arg2[%sub3A_399, %dma_start3A_400] : memref<50x4096xi32, #tpu.memory_space<hbm>> -> memref<1x4096xi32, #tpu.memory_space<hbm>>
        %dma_start3A_402 = arith.constant 0 : i32
        %dma_start3A_403 = tpu.memref_slice %arg2[%sub3A_399, %dma_start3A_402] : memref<50x4096xi32, #tpu.memory_space<hbm>> -> memref<1x4096xi32, #tpu.memory_space<hbm>>
        tpu.enqueue_dma source(%dma_start3A_403 : memref<1x4096xi32, #tpu.memory_space<hbm>>) target(%arg8 : memref<1x4096xi32, #tpu.memory_space<vmem>>) target_semaphore(%arg13 : memref<!tpu.dma_semaphore, #tpu.memory_space<semaphore_mem>>)
      } else {
      }
      %mul3A_365 = arith.constant 10 : i32
      %mul3A_366 = arith.muli %scan3A_91, %mul3A_365 : i32
      %add3A_367 = arith.constant 9 : i32
      %add3A_368 = arith.addi %mul3A_366, %add3A_367 : i32
      %dma_wait3A_369 = arith.constant 0 : i32
      %dma_wait3A_370 = tpu.memref_slice %arg2[%add3A_368, %dma_wait3A_369] : memref<50x4096xi32, #tpu.memory_space<hbm>> -> memref<1x4096xi32, #tpu.memory_space<hbm>>
      %dma_wait3A_371 = arith.constant 0 : i32
      %dma_wait3A_372 = tpu.memref_slice %arg2[%add3A_368, %dma_wait3A_371] : memref<50x4096xi32, #tpu.memory_space<hbm>> -> memref<1x4096xi32, #tpu.memory_space<hbm>>
      tpu.wait_dma2 semaphore(%arg13 : memref<!tpu.dma_semaphore, #tpu.memory_space<semaphore_mem>>) src(%dma_wait3A_372 : memref<1x4096xi32, #tpu.memory_space<hbm>>) dst(%arg10 : memref<1x4096xi32, #tpu.memory_space<vmem>>)
      %ge3A_373 = arith.constant 2 : i32
      %ge3A_374 = arith.cmpi sge, %add3A_368, %ge3A_373 : i32
      %convert_element_type3A_375 = arith.extui %ge3A_374 : i1 to i32
      %cond3A_376 = arith.constant 0 : i32
      %cond3A_377 = arith.cmpi ne, %convert_element_type3A_375, %cond3A_376 : i32
      scf.if %cond3A_377 {
        %sub3A_396 = arith.constant 2 : i32
        %sub3A_397 = arith.subi %add3A_368, %sub3A_396 : i32
        %dma_wait3A_398 = arith.constant 0 : i32
        %dma_wait3A_399 = tpu.memref_slice %arg4[%sub3A_397, %add3A_3, %dma_wait3A_398] : memref<50x64x4096xf32, #tpu.memory_space<hbm>> -> memref<1x1x4096xf32, #tpu.memory_space<hbm>>
        %dma_wait3A_400 = tpu.memref_squeeze %dma_wait3A_399 : memref<1x1x4096xf32, #tpu.memory_space<hbm>> -> memref<1x4096xf32, #tpu.memory_space<hbm>>
        %dma_wait3A_401 = arith.constant 0 : i32
        %dma_wait3A_402 = tpu.memref_slice %arg4[%sub3A_397, %add3A_3, %dma_wait3A_401] : memref<50x64x4096xf32, #tpu.memory_space<hbm>> -> memref<1x1x4096xf32, #tpu.memory_space<hbm>>
        %dma_wait3A_403 = tpu.memref_squeeze %dma_wait3A_402 : memref<1x1x4096xf32, #tpu.memory_space<hbm>> -> memref<1x4096xf32, #tpu.memory_space<hbm>>
        tpu.wait_dma2 semaphore(%arg15 : memref<!tpu.dma_semaphore, #tpu.memory_space<semaphore_mem>>) src(%arg12 : memref<1x4096xf32, #tpu.memory_space<vmem>>) dst(%dma_wait3A_403 : memref<1x4096xf32, #tpu.memory_space<hbm>>)
      } else {
      }
      %parallel_loop3A_378 = arith.constant 0 : i32
      %parallel_loop3A_379 = arith.constant 4096 : i32
      %parallel_loop3A_380 = arith.constant 16 : i32
      scf.for %parallel_loop3A_396 = %parallel_loop3A_378 to %parallel_loop3A_379 step %parallel_loop3A_380  : i32 {
        %parallel_loop3A_397 = arith.constant 0 : i32
        %parallel_loop3A_398 = arith.index_cast %parallel_loop3A_397 : i32 to index
        %parallel_loop3A_399 = arith.index_cast %parallel_loop3A_396 : i32 to index
        %parallel_loop3A_400 = tpu.vector_load %arg10[%parallel_loop3A_398, %parallel_loop3A_399] {strides = array<i32>} : memref<1x4096xi32, #tpu.memory_space<vmem>>, vector<16xi32>,
        %parallel_loop3A_401 = tpu.vector_load_idx %arg5[%broadcast_in_dim3A_1, %parallel_loop3A_400] : memref<1x100000xf32, #tpu.memory_space<vmem>>[vector<16xi32>, vector<16xi32>], vector<16xf32>,
        %parallel_loop3A_402 = arith.constant 0 : i32
        %parallel_loop3A_403 = arith.index_cast %parallel_loop3A_402 : i32 to index
        %parallel_loop3A_404 = arith.index_cast %parallel_loop3A_396 : i32 to index
        %parallel_loop3A_405 = tpu.vector_load %arg12[%parallel_loop3A_403, %parallel_loop3A_404] {strides = array<i32>} : memref<1x4096xf32, #tpu.memory_space<vmem>>, vector<16xf32>,
        tpu.vector_store %arg12[%parallel_loop3A_403, %parallel_loop3A_404], %parallel_loop3A_401 {strides = array<i32>} : memref<1x4096xf32, #tpu.memory_space<vmem>>, vector<16xf32>,
      } {sc.loop_unroll_factor = 8 : i64, sc.parallel_access}
      %dma_start3A_381 = arith.constant 0 : i32
      %dma_start3A_382 = tpu.memref_slice %arg4[%add3A_368, %add3A_3, %dma_start3A_381] : memref<50x64x4096xf32, #tpu.memory_space<hbm>> -> memref<1x1x4096xf32, #tpu.memory_space<hbm>>
      %dma_start3A_383 = tpu.memref_squeeze %dma_start3A_382 : memref<1x1x4096xf32, #tpu.memory_space<hbm>> -> memref<1x4096xf32, #tpu.memory_space<hbm>>
      %dma_start3A_384 = arith.constant 0 : i32
      %dma_start3A_385 = tpu.memref_slice %arg4[%add3A_368, %add3A_3, %dma_start3A_384] : memref<50x64x4096xf32, #tpu.memory_space<hbm>> -> memref<1x1x4096xf32, #tpu.memory_space<hbm>>
      %dma_start3A_386 = tpu.memref_squeeze %dma_start3A_385 : memref<1x1x4096xf32, #tpu.memory_space<hbm>> -> memref<1x4096xf32, #tpu.memory_space<hbm>>
      tpu.enqueue_dma source(%arg12 : memref<1x4096xf32, #tpu.memory_space<vmem>>) target(%dma_start3A_386 : memref<1x4096xf32, #tpu.memory_space<hbm>>) target_semaphore(%arg15 : memref<!tpu.dma_semaphore, #tpu.memory_space<semaphore_mem>>)
      %add3A_387 = arith.constant 5 : i32
      %add3A_388 = arith.addi %add3A_368, %add3A_387 : i32
      %sub3A_389 = arith.constant 1 : i32
      %sub3A_390 = arith.subi %add3A_388, %sub3A_389 : i32
      %lt3A_391 = arith.constant 50 : i32
      %lt3A_392 = arith.cmpi slt, %sub3A_390, %lt3A_391 : i32
      %convert_element_type3A_393 = arith.extui %lt3A_392 : i1 to i32
      %cond3A_394 = arith.constant 0 : i32
      %cond3A_395 = arith.cmpi ne, %convert_element_type3A_393, %cond3A_394 : i32
      scf.if %cond3A_395 {
        %add3A_396 = arith.constant 5 : i32
        %add3A_397 = arith.addi %add3A_368, %add3A_396 : i32
        %sub3A_398 = arith.constant 1 : i32
        %sub3A_399 = arith.subi %add3A_397, %sub3A_398 : i32
        %dma_start3A_400 = arith.constant 0 : i32
        %dma_start3A_401 = tpu.memref_slice %arg2[%sub3A_399, %dma_start3A_400] : memref<50x4096xi32, #tpu.memory_space<hbm>> -> memref<1x4096xi32, #tpu.memory_space<hbm>>
        %dma_start3A_402 = arith.constant 0 : i32
        %dma_start3A_403 = tpu.memref_slice %arg2[%sub3A_399, %dma_start3A_402] : memref<50x4096xi32, #tpu.memory_space<hbm>> -> memref<1x4096xi32, #tpu.memory_space<hbm>>
        tpu.enqueue_dma source(%dma_start3A_403 : memref<1x4096xi32, #tpu.memory_space<hbm>>) target(%arg9 : memref<1x4096xi32, #tpu.memory_space<vmem>>) target_semaphore(%arg13 : memref<!tpu.dma_semaphore, #tpu.memory_space<semaphore_mem>>)
      } else {
      }
    }
    %scan3A_31 = arith.constant 5 : i32
    %dma_wait3A = arith.constant 48 : i32
    %dma_wait3A_32 = arith.constant 0 : i32
    %dma_wait3A_33 = tpu.memref_slice %arg4[%dma_wait3A, %add3A_3, %dma_wait3A_32] : memref<50x64x4096xf32, #tpu.memory_space<hbm>> -> memref<1x1x4096xf32, #tpu.memory_space<hbm>>
    %dma_wait3A_34 = tpu.memref_squeeze %dma_wait3A_33 : memref<1x1x4096xf32, #tpu.memory_space<hbm>> -> memref<1x4096xf32, #tpu.memory_space<hbm>>
    %dma_wait3A_35 = arith.constant 0 : i32
    %dma_wait3A_36 = tpu.memref_slice %arg4[%dma_wait3A, %add3A_3, %dma_wait3A_35] : memref<50x64x4096xf32, #tpu.memory_space<hbm>> -> memref<1x1x4096xf32, #tpu.memory_space<hbm>>
    %dma_wait3A_37 = tpu.memref_squeeze %dma_wait3A_36 : memref<1x1x4096xf32, #tpu.memory_space<hbm>> -> memref<1x4096xf32, #tpu.memory_space<hbm>>
    tpu.wait_dma2 semaphore(%arg14 : memref<!tpu.dma_semaphore, #tpu.memory_space<semaphore_mem>>) src(%arg11 : memref<1x4096xf32, #tpu.memory_space<vmem>>) dst(%dma_wait3A_37 : memref<1x4096xf32, #tpu.memory_space<hbm>>)
    %dma_wait3A_38 = arith.constant 49 : i32
    %dma_wait3A_39 = arith.constant 0 : i32
    %dma_wait3A_40 = tpu.memref_slice %arg4[%dma_wait3A_38, %add3A_3, %dma_wait3A_39] : memref<50x64x4096xf32, #tpu.memory_space<hbm>> -> memref<1x1x4096xf32, #tpu.memory_space<hbm>>
    %dma_wait3A_41 = tpu.memref_squeeze %dma_wait3A_40 : memref<1x1x4096xf32, #tpu.memory_space<hbm>> -> memref<1x4096xf32, #tpu.memory_space<hbm>>
    %dma_wait3A_42 = arith.constant 0 : i32
    %dma_wait3A_43 = tpu.memref_slice %arg4[%dma_wait3A_38, %add3A_3, %dma_wait3A_42] : memref<50x64x4096xf32, #tpu.memory_space<hbm>> -> memref<1x1x4096xf32, #tpu.memory_space<hbm>>
    %dma_wait3A_44 = tpu.memref_squeeze %dma_wait3A_43 : memref<1x1x4096xf32, #tpu.memory_space<hbm>> -> memref<1x4096xf32, #tpu.memory_space<hbm>>
    tpu.wait_dma2 semaphore(%arg15 : memref<!tpu.dma_semaphore, #tpu.memory_space<semaphore_mem>>) src(%arg12 : memref<1x4096xf32, #tpu.memory_space<vmem>>) dst(%dma_wait3A_44 : memref<1x4096xf32, #tpu.memory_space<hbm>>)
    %add3A_45 = arith.constant 32 : i32
    %add3A_46 = arith.addi %add3A_45, %add3A : i32
    "tpu.region"() ({
      %run_scoped3A = tpu.sem_alloc : memref<!tpu.dma_semaphore, #tpu.memory_space<semaphore_mem>>
      %dma_start3A_91 = arith.constant 0 : i32
      %dma_start3A_92 = tpu.memref_slice %arg3[%add3A_46, %dma_start3A_91] : memref<64x100000xf32, #tpu.memory_space<hbm>> -> memref<1x100000xf32, #tpu.memory_space<hbm>>
      %dma_start3A_93 = arith.constant 0 : i32
      %dma_start3A_94 = tpu.memref_slice %arg3[%add3A_46, %dma_start3A_93] : memref<64x100000xf32, #tpu.memory_space<hbm>> -> memref<1x100000xf32, #tpu.memory_space<hbm>>
      tpu.enqueue_dma source(%dma_start3A_94 : memref<1x100000xf32, #tpu.memory_space<hbm>>) target(%arg5 : memref<1x100000xf32, #tpu.memory_space<vmem>>) target_semaphore(%run_scoped3A : memref<!tpu.dma_semaphore, #tpu.memory_space<semaphore_mem>>)
      %dma_wait3A_95 = arith.constant 0 : i32
      %dma_wait3A_96 = tpu.memref_slice %arg3[%add3A_46, %dma_wait3A_95] : memref<64x100000xf32, #tpu.memory_space<hbm>> -> memref<1x100000xf32, #tpu.memory_space<hbm>>
      %dma_wait3A_97 = arith.constant 0 : i32
      %dma_wait3A_98 = tpu.memref_slice %arg3[%add3A_46, %dma_wait3A_97] : memref<64x100000xf32, #tpu.memory_space<hbm>> -> memref<1x100000xf32, #tpu.memory_space<hbm>>
      tpu.wait_dma2 semaphore(%run_scoped3A : memref<!tpu.dma_semaphore, #tpu.memory_space<semaphore_mem>>) src(%dma_wait3A_98 : memref<1x100000xf32, #tpu.memory_space<hbm>>) dst(%arg5 : memref<1x100000xf32, #tpu.memory_space<vmem>>)
      tpu.yield
    }) : () -> ()
    %dma_start3A_47 = arith.constant 0 : i32
    %dma_start3A_48 = arith.constant 0 : i32
    %dma_start3A_49 = tpu.memref_slice %arg2[%dma_start3A_47, %dma_start3A_48] : memref<50x4096xi32, #tpu.memory_space<hbm>> -> memref<1x4096xi32, #tpu.memory_space<hbm>>
    %dma_start3A_50 = arith.constant 0 : i32
    %dma_start3A_51 = arith.constant 0 : i32
    %dma_start3A_52 = tpu.memref_slice %arg2[%dma_start3A_50, %dma_start3A_51] : memref<50x4096xi32, #tpu.memory_space<hbm>> -> memref<1x4096xi32, #tpu.memory_space<hbm>>
    tpu.enqueue_dma source(%dma_start3A_52 : memref<1x4096xi32, #tpu.memory_space<hbm>>) target(%arg6 : memref<1x4096xi32, #tpu.memory_space<vmem>>) target_semaphore(%arg13 : memref<!tpu.dma_semaphore, #tpu.memory_space<semaphore_mem>>)
    %dma_start3A_53 = arith.constant 1 : i32
    %dma_start3A_54 = arith.constant 0 : i32
    %dma_start3A_55 = tpu.memref_slice %arg2[%dma_start3A_53, %dma_start3A_54] : memref<50x4096xi32, #tpu.memory_space<hbm>> -> memref<1x4096xi32, #tpu.memory_space<hbm>>
    %dma_start3A_56 = arith.constant 1 : i32
    %dma_start3A_57 = arith.constant 0 : i32
    %dma_start3A_58 = tpu.memref_slice %arg2[%dma_start3A_56, %dma_start3A_57] : memref<50x4096xi32, #tpu.memory_space<hbm>> -> memref<1x4096xi32, #tpu.memory_space<hbm>>
    tpu.enqueue_dma source(%dma_start3A_58 : memref<1x4096xi32, #tpu.memory_space<hbm>>) target(%arg7 : memref<1x4096xi32, #tpu.memory_space<vmem>>) target_semaphore(%arg13 : memref<!tpu.dma_semaphore, #tpu.memory_space<semaphore_mem>>)
    %dma_start3A_59 = arith.constant 2 : i32
    %dma_start3A_60 = arith.constant 0 : i32
    %dma_start3A_61 = tpu.memref_slice %arg2[%dma_start3A_59, %dma_start3A_60] : memref<50x4096xi32, #tpu.memory_space<hbm>> -> memref<1x4096xi32, #tpu.memory_space<hbm>>
    %dma_start3A_62 = arith.constant 2 : i32
    %dma_start3A_63 = arith.constant 0 : i32
    %dma_start3A_64 = tpu.memref_slice %arg2[%dma_start3A_62, %dma_start3A_63] : memref<50x4096xi32, #tpu.memory_space<hbm>> -> memref<1x4096xi32, #tpu.memory_space<hbm>>
    tpu.enqueue_dma source(%dma_start3A_64 : memref<1x4096xi32, #tpu.memory_space<hbm>>) target(%arg8 : memref<1x4096xi32, #tpu.memory_space<vmem>>) target_semaphore(%arg13 : memref<!tpu.dma_semaphore, #tpu.memory_space<semaphore_mem>>)
    %dma_start3A_65 = arith.constant 3 : i32
    %dma_start3A_66 = arith.constant 0 : i32
    %dma_start3A_67 = tpu.memref_slice %arg2[%dma_start3A_65, %dma_start3A_66] : memref<50x4096xi32, #tpu.memory_space<hbm>> -> memref<1x4096xi32, #tpu.memory_space<hbm>>
    %dma_start3A_68 = arith.constant 3 : i32
    %dma_start3A_69 = arith.constant 0 : i32
    %dma_start3A_70 = tpu.memref_slice %arg2[%dma_start3A_68, %dma_start3A_69] : memref<50x4096xi32, #tpu.memory_space<hbm>> -> memref<1x4096xi32, #tpu.memory_space<hbm>>
    tpu.enqueue_dma source(%dma_start3A_70 : memref<1x4096xi32, #tpu.memory_space<hbm>>) target(%arg9 : memref<1x4096xi32, #tpu.memory_space<vmem>>) target_semaphore(%arg13 : memref<!tpu.dma_semaphore, #tpu.memory_space<semaphore_mem>>)
    %scan3A_71 = arith.constant 0 : i32
    %scan3A_72 = arith.constant 0 : i32
    %scan3A_73 = arith.constant 5 : i32
    %scan3A_74 = arith.addi %scan3A_72, %scan3A_73 : i32
    %scan3A_75 = arith.constant 1 : i32
    scf.for %scan3A_91 = %scan3A_72 to %scan3A_74 step %scan3A_75  : i32 {
      %mul3A_92 = arith.constant 10 : i32
      %mul3A_93 = arith.muli %scan3A_91, %mul3A_92 : i32
      %add3A_94 = arith.constant 0 : i32
      %add3A_95 = arith.addi %mul3A_93, %add3A_94 : i32
      %dma_wait3A_96 = arith.constant 0 : i32
      %dma_wait3A_97 = tpu.memref_slice %arg2[%add3A_95, %dma_wait3A_96] : memref<50x4096xi32, #tpu.memory_space<hbm>> -> memref<1x4096xi32, #tpu.memory_space<hbm>>
      %dma_wait3A_98 = arith.constant 0 : i32
      %dma_wait3A_99 = tpu.memref_slice %arg2[%add3A_95, %dma_wait3A_98] : memref<50x4096xi32, #tpu.memory_space<hbm>> -> memref<1x4096xi32, #tpu.memory_space<hbm>>
      tpu.wait_dma2 semaphore(%arg13 : memref<!tpu.dma_semaphore, #tpu.memory_space<semaphore_mem>>) src(%dma_wait3A_99 : memref<1x4096xi32, #tpu.memory_space<hbm>>) dst(%arg6 : memref<1x4096xi32, #tpu.memory_space<vmem>>)
      %ge3A = arith.constant 2 : i32
      %ge3A_100 = arith.cmpi sge, %add3A_95, %ge3A : i32
      %convert_element_type3A = arith.extui %ge3A_100 : i1 to i32
      %cond3A = arith.constant 0 : i32
      %cond3A_101 = arith.cmpi ne, %convert_element_type3A, %cond3A : i32
      scf.if %cond3A_101 {
        %sub3A_396 = arith.constant 2 : i32
        %sub3A_397 = arith.subi %add3A_95, %sub3A_396 : i32
        %dma_wait3A_398 = arith.constant 0 : i32
        %dma_wait3A_399 = tpu.memref_slice %arg4[%sub3A_397, %add3A_46, %dma_wait3A_398] : memref<50x64x4096xf32, #tpu.memory_space<hbm>> -> memref<1x1x4096xf32, #tpu.memory_space<hbm>>
        %dma_wait3A_400 = tpu.memref_squeeze %dma_wait3A_399 : memref<1x1x4096xf32, #tpu.memory_space<hbm>> -> memref<1x4096xf32, #tpu.memory_space<hbm>>
        %dma_wait3A_401 = arith.constant 0 : i32
        %dma_wait3A_402 = tpu.memref_slice %arg4[%sub3A_397, %add3A_46, %dma_wait3A_401] : memref<50x64x4096xf32, #tpu.memory_space<hbm>> -> memref<1x1x4096xf32, #tpu.memory_space<hbm>>
        %dma_wait3A_403 = tpu.memref_squeeze %dma_wait3A_402 : memref<1x1x4096xf32, #tpu.memory_space<hbm>> -> memref<1x4096xf32, #tpu.memory_space<hbm>>
        tpu.wait_dma2 semaphore(%arg14 : memref<!tpu.dma_semaphore, #tpu.memory_space<semaphore_mem>>) src(%arg11 : memref<1x4096xf32, #tpu.memory_space<vmem>>) dst(%dma_wait3A_403 : memref<1x4096xf32, #tpu.memory_space<hbm>>)
      } else {
      }
      %parallel_loop3A = arith.constant 0 : i32
      %parallel_loop3A_102 = arith.constant 4096 : i32
      %parallel_loop3A_103 = arith.constant 16 : i32
      scf.for %parallel_loop3A_396 = %parallel_loop3A to %parallel_loop3A_102 step %parallel_loop3A_103  : i32 {
        %parallel_loop3A_397 = arith.constant 0 : i32
        %parallel_loop3A_398 = arith.index_cast %parallel_loop3A_397 : i32 to index
        %parallel_loop3A_399 = arith.index_cast %parallel_loop3A_396 : i32 to index
        %parallel_loop3A_400 = tpu.vector_load %arg6[%parallel_loop3A_398, %parallel_loop3A_399] {strides = array<i32>} : memref<1x4096xi32, #tpu.memory_space<vmem>>, vector<16xi32>,
        %parallel_loop3A_401 = tpu.vector_load_idx %arg5[%broadcast_in_dim3A_1, %parallel_loop3A_400] : memref<1x100000xf32, #tpu.memory_space<vmem>>[vector<16xi32>, vector<16xi32>], vector<16xf32>,
        %parallel_loop3A_402 = arith.constant 0 : i32
        %parallel_loop3A_403 = arith.index_cast %parallel_loop3A_402 : i32 to index
        %parallel_loop3A_404 = arith.index_cast %parallel_loop3A_396 : i32 to index
        %parallel_loop3A_405 = tpu.vector_load %arg11[%parallel_loop3A_403, %parallel_loop3A_404] {strides = array<i32>} : memref<1x4096xf32, #tpu.memory_space<vmem>>, vector<16xf32>,
        tpu.vector_store %arg11[%parallel_loop3A_403, %parallel_loop3A_404], %parallel_loop3A_401 {strides = array<i32>} : memref<1x4096xf32, #tpu.memory_space<vmem>>, vector<16xf32>,
      } {sc.loop_unroll_factor = 8 : i64, sc.parallel_access}
      %dma_start3A_104 = arith.constant 0 : i32
      %dma_start3A_105 = tpu.memref_slice %arg4[%add3A_95, %add3A_46, %dma_start3A_104] : memref<50x64x4096xf32, #tpu.memory_space<hbm>> -> memref<1x1x4096xf32, #tpu.memory_space<hbm>>
      %dma_start3A_106 = tpu.memref_squeeze %dma_start3A_105 : memref<1x1x4096xf32, #tpu.memory_space<hbm>> -> memref<1x4096xf32, #tpu.memory_space<hbm>>
      %dma_start3A_107 = arith.constant 0 : i32
      %dma_start3A_108 = tpu.memref_slice %arg4[%add3A_95, %add3A_46, %dma_start3A_107] : memref<50x64x4096xf32, #tpu.memory_space<hbm>> -> memref<1x1x4096xf32, #tpu.memory_space<hbm>>
      %dma_start3A_109 = tpu.memref_squeeze %dma_start3A_108 : memref<1x1x4096xf32, #tpu.memory_space<hbm>> -> memref<1x4096xf32, #tpu.memory_space<hbm>>
      tpu.enqueue_dma source(%arg11 : memref<1x4096xf32, #tpu.memory_space<vmem>>) target(%dma_start3A_109 : memref<1x4096xf32, #tpu.memory_space<hbm>>) target_semaphore(%arg14 : memref<!tpu.dma_semaphore, #tpu.memory_space<semaphore_mem>>)
      %add3A_110 = arith.constant 5 : i32
      %add3A_111 = arith.addi %add3A_95, %add3A_110 : i32
      %sub3A = arith.constant 1 : i32
      %sub3A_112 = arith.subi %add3A_111, %sub3A : i32
      %lt3A = arith.constant 50 : i32
      %lt3A_113 = arith.cmpi slt, %sub3A_112, %lt3A : i32
      %convert_element_type3A_114 = arith.extui %lt3A_113 : i1 to i32
      %cond3A_115 = arith.constant 0 : i32
      %cond3A_116 = arith.cmpi ne, %convert_element_type3A_114, %cond3A_115 : i32
      scf.if %cond3A_116 {
        %add3A_396 = arith.constant 5 : i32
        %add3A_397 = arith.addi %add3A_95, %add3A_396 : i32
        %sub3A_398 = arith.constant 1 : i32
        %sub3A_399 = arith.subi %add3A_397, %sub3A_398 : i32
        %dma_start3A_400 = arith.constant 0 : i32
        %dma_start3A_401 = tpu.memref_slice %arg2[%sub3A_399, %dma_start3A_400] : memref<50x4096xi32, #tpu.memory_space<hbm>> -> memref<1x4096xi32, #tpu.memory_space<hbm>>
        %dma_start3A_402 = arith.constant 0 : i32
        %dma_start3A_403 = tpu.memref_slice %arg2[%sub3A_399, %dma_start3A_402] : memref<50x4096xi32, #tpu.memory_space<hbm>> -> memref<1x4096xi32, #tpu.memory_space<hbm>>
        tpu.enqueue_dma source(%dma_start3A_403 : memref<1x4096xi32, #tpu.memory_space<hbm>>) target(%arg10 : memref<1x4096xi32, #tpu.memory_space<vmem>>) target_semaphore(%arg13 : memref<!tpu.dma_semaphore, #tpu.memory_space<semaphore_mem>>)
      } else {
      }
      %mul3A_117 = arith.constant 10 : i32
      %mul3A_118 = arith.muli %scan3A_91, %mul3A_117 : i32
      %add3A_119 = arith.constant 1 : i32
      %add3A_120 = arith.addi %mul3A_118, %add3A_119 : i32
      %dma_wait3A_121 = arith.constant 0 : i32
      %dma_wait3A_122 = tpu.memref_slice %arg2[%add3A_120, %dma_wait3A_121] : memref<50x4096xi32, #tpu.memory_space<hbm>> -> memref<1x4096xi32, #tpu.memory_space<hbm>>
      %dma_wait3A_123 = arith.constant 0 : i32
      %dma_wait3A_124 = tpu.memref_slice %arg2[%add3A_120, %dma_wait3A_123] : memref<50x4096xi32, #tpu.memory_space<hbm>> -> memref<1x4096xi32, #tpu.memory_space<hbm>>
      tpu.wait_dma2 semaphore(%arg13 : memref<!tpu.dma_semaphore, #tpu.memory_space<semaphore_mem>>) src(%dma_wait3A_124 : memref<1x4096xi32, #tpu.memory_space<hbm>>) dst(%arg7 : memref<1x4096xi32, #tpu.memory_space<vmem>>)
      %ge3A_125 = arith.constant 2 : i32
      %ge3A_126 = arith.cmpi sge, %add3A_120, %ge3A_125 : i32
      %convert_element_type3A_127 = arith.extui %ge3A_126 : i1 to i32
      %cond3A_128 = arith.constant 0 : i32
      %cond3A_129 = arith.cmpi ne, %convert_element_type3A_127, %cond3A_128 : i32
      scf.if %cond3A_129 {
        %sub3A_396 = arith.constant 2 : i32
        %sub3A_397 = arith.subi %add3A_120, %sub3A_396 : i32
        %dma_wait3A_398 = arith.constant 0 : i32
        %dma_wait3A_399 = tpu.memref_slice %arg4[%sub3A_397, %add3A_46, %dma_wait3A_398] : memref<50x64x4096xf32, #tpu.memory_space<hbm>> -> memref<1x1x4096xf32, #tpu.memory_space<hbm>>
        %dma_wait3A_400 = tpu.memref_squeeze %dma_wait3A_399 : memref<1x1x4096xf32, #tpu.memory_space<hbm>> -> memref<1x4096xf32, #tpu.memory_space<hbm>>
        %dma_wait3A_401 = arith.constant 0 : i32
        %dma_wait3A_402 = tpu.memref_slice %arg4[%sub3A_397, %add3A_46, %dma_wait3A_401] : memref<50x64x4096xf32, #tpu.memory_space<hbm>> -> memref<1x1x4096xf32, #tpu.memory_space<hbm>>
        %dma_wait3A_403 = tpu.memref_squeeze %dma_wait3A_402 : memref<1x1x4096xf32, #tpu.memory_space<hbm>> -> memref<1x4096xf32, #tpu.memory_space<hbm>>
        tpu.wait_dma2 semaphore(%arg15 : memref<!tpu.dma_semaphore, #tpu.memory_space<semaphore_mem>>) src(%arg12 : memref<1x4096xf32, #tpu.memory_space<vmem>>) dst(%dma_wait3A_403 : memref<1x4096xf32, #tpu.memory_space<hbm>>)
      } else {
      }
      %parallel_loop3A_130 = arith.constant 0 : i32
      %parallel_loop3A_131 = arith.constant 4096 : i32
      %parallel_loop3A_132 = arith.constant 16 : i32
      scf.for %parallel_loop3A_396 = %parallel_loop3A_130 to %parallel_loop3A_131 step %parallel_loop3A_132  : i32 {
        %parallel_loop3A_397 = arith.constant 0 : i32
        %parallel_loop3A_398 = arith.index_cast %parallel_loop3A_397 : i32 to index
        %parallel_loop3A_399 = arith.index_cast %parallel_loop3A_396 : i32 to index
        %parallel_loop3A_400 = tpu.vector_load %arg7[%parallel_loop3A_398, %parallel_loop3A_399] {strides = array<i32>} : memref<1x4096xi32, #tpu.memory_space<vmem>>, vector<16xi32>,
        %parallel_loop3A_401 = tpu.vector_load_idx %arg5[%broadcast_in_dim3A_1, %parallel_loop3A_400] : memref<1x100000xf32, #tpu.memory_space<vmem>>[vector<16xi32>, vector<16xi32>], vector<16xf32>,
        %parallel_loop3A_402 = arith.constant 0 : i32
        %parallel_loop3A_403 = arith.index_cast %parallel_loop3A_402 : i32 to index
        %parallel_loop3A_404 = arith.index_cast %parallel_loop3A_396 : i32 to index
        %parallel_loop3A_405 = tpu.vector_load %arg12[%parallel_loop3A_403, %parallel_loop3A_404] {strides = array<i32>} : memref<1x4096xf32, #tpu.memory_space<vmem>>, vector<16xf32>,
        tpu.vector_store %arg12[%parallel_loop3A_403, %parallel_loop3A_404], %parallel_loop3A_401 {strides = array<i32>} : memref<1x4096xf32, #tpu.memory_space<vmem>>, vector<16xf32>,
      } {sc.loop_unroll_factor = 8 : i64, sc.parallel_access}
      %dma_start3A_133 = arith.constant 0 : i32
      %dma_start3A_134 = tpu.memref_slice %arg4[%add3A_120, %add3A_46, %dma_start3A_133] : memref<50x64x4096xf32, #tpu.memory_space<hbm>> -> memref<1x1x4096xf32, #tpu.memory_space<hbm>>
      %dma_start3A_135 = tpu.memref_squeeze %dma_start3A_134 : memref<1x1x4096xf32, #tpu.memory_space<hbm>> -> memref<1x4096xf32, #tpu.memory_space<hbm>>
      %dma_start3A_136 = arith.constant 0 : i32
      %dma_start3A_137 = tpu.memref_slice %arg4[%add3A_120, %add3A_46, %dma_start3A_136] : memref<50x64x4096xf32, #tpu.memory_space<hbm>> -> memref<1x1x4096xf32, #tpu.memory_space<hbm>>
      %dma_start3A_138 = tpu.memref_squeeze %dma_start3A_137 : memref<1x1x4096xf32, #tpu.memory_space<hbm>> -> memref<1x4096xf32, #tpu.memory_space<hbm>>
      tpu.enqueue_dma source(%arg12 : memref<1x4096xf32, #tpu.memory_space<vmem>>) target(%dma_start3A_138 : memref<1x4096xf32, #tpu.memory_space<hbm>>) target_semaphore(%arg15 : memref<!tpu.dma_semaphore, #tpu.memory_space<semaphore_mem>>)
      %add3A_139 = arith.constant 5 : i32
      %add3A_140 = arith.addi %add3A_120, %add3A_139 : i32
      %sub3A_141 = arith.constant 1 : i32
      %sub3A_142 = arith.subi %add3A_140, %sub3A_141 : i32
      %lt3A_143 = arith.constant 50 : i32
      %lt3A_144 = arith.cmpi slt, %sub3A_142, %lt3A_143 : i32
      %convert_element_type3A_145 = arith.extui %lt3A_144 : i1 to i32
      %cond3A_146 = arith.constant 0 : i32
      %cond3A_147 = arith.cmpi ne, %convert_element_type3A_145, %cond3A_146 : i32
      scf.if %cond3A_147 {
        %add3A_396 = arith.constant 5 : i32
        %add3A_397 = arith.addi %add3A_120, %add3A_396 : i32
        %sub3A_398 = arith.constant 1 : i32
        %sub3A_399 = arith.subi %add3A_397, %sub3A_398 : i32
        %dma_start3A_400 = arith.constant 0 : i32
        %dma_start3A_401 = tpu.memref_slice %arg2[%sub3A_399, %dma_start3A_400] : memref<50x4096xi32, #tpu.memory_space<hbm>> -> memref<1x4096xi32, #tpu.memory_space<hbm>>
        %dma_start3A_402 = arith.constant 0 : i32
        %dma_start3A_403 = tpu.memref_slice %arg2[%sub3A_399, %dma_start3A_402] : memref<50x4096xi32, #tpu.memory_space<hbm>> -> memref<1x4096xi32, #tpu.memory_space<hbm>>
        tpu.enqueue_dma source(%dma_start3A_403 : memref<1x4096xi32, #tpu.memory_space<hbm>>) target(%arg6 : memref<1x4096xi32, #tpu.memory_space<vmem>>) target_semaphore(%arg13 : memref<!tpu.dma_semaphore, #tpu.memory_space<semaphore_mem>>)
      } else {
      }
      %mul3A_148 = arith.constant 10 : i32
      %mul3A_149 = arith.muli %scan3A_91, %mul3A_148 : i32
      %add3A_150 = arith.constant 2 : i32
      %add3A_151 = arith.addi %mul3A_149, %add3A_150 : i32
      %dma_wait3A_152 = arith.constant 0 : i32
      %dma_wait3A_153 = tpu.memref_slice %arg2[%add3A_151, %dma_wait3A_152] : memref<50x4096xi32, #tpu.memory_space<hbm>> -> memref<1x4096xi32, #tpu.memory_space<hbm>>
      %dma_wait3A_154 = arith.constant 0 : i32
      %dma_wait3A_155 = tpu.memref_slice %arg2[%add3A_151, %dma_wait3A_154] : memref<50x4096xi32, #tpu.memory_space<hbm>> -> memref<1x4096xi32, #tpu.memory_space<hbm>>
      tpu.wait_dma2 semaphore(%arg13 : memref<!tpu.dma_semaphore, #tpu.memory_space<semaphore_mem>>) src(%dma_wait3A_155 : memref<1x4096xi32, #tpu.memory_space<hbm>>) dst(%arg8 : memref<1x4096xi32, #tpu.memory_space<vmem>>)
      %ge3A_156 = arith.constant 2 : i32
      %ge3A_157 = arith.cmpi sge, %add3A_151, %ge3A_156 : i32
      %convert_element_type3A_158 = arith.extui %ge3A_157 : i1 to i32
      %cond3A_159 = arith.constant 0 : i32
      %cond3A_160 = arith.cmpi ne, %convert_element_type3A_158, %cond3A_159 : i32
      scf.if %cond3A_160 {
        %sub3A_396 = arith.constant 2 : i32
        %sub3A_397 = arith.subi %add3A_151, %sub3A_396 : i32
        %dma_wait3A_398 = arith.constant 0 : i32
        %dma_wait3A_399 = tpu.memref_slice %arg4[%sub3A_397, %add3A_46, %dma_wait3A_398] : memref<50x64x4096xf32, #tpu.memory_space<hbm>> -> memref<1x1x4096xf32, #tpu.memory_space<hbm>>
        %dma_wait3A_400 = tpu.memref_squeeze %dma_wait3A_399 : memref<1x1x4096xf32, #tpu.memory_space<hbm>> -> memref<1x4096xf32, #tpu.memory_space<hbm>>
        %dma_wait3A_401 = arith.constant 0 : i32
        %dma_wait3A_402 = tpu.memref_slice %arg4[%sub3A_397, %add3A_46, %dma_wait3A_401] : memref<50x64x4096xf32, #tpu.memory_space<hbm>> -> memref<1x1x4096xf32, #tpu.memory_space<hbm>>
        %dma_wait3A_403 = tpu.memref_squeeze %dma_wait3A_402 : memref<1x1x4096xf32, #tpu.memory_space<hbm>> -> memref<1x4096xf32, #tpu.memory_space<hbm>>
        tpu.wait_dma2 semaphore(%arg14 : memref<!tpu.dma_semaphore, #tpu.memory_space<semaphore_mem>>) src(%arg11 : memref<1x4096xf32, #tpu.memory_space<vmem>>) dst(%dma_wait3A_403 : memref<1x4096xf32, #tpu.memory_space<hbm>>)
      } else {
      }
      %parallel_loop3A_161 = arith.constant 0 : i32
      %parallel_loop3A_162 = arith.constant 4096 : i32
      %parallel_loop3A_163 = arith.constant 16 : i32
      scf.for %parallel_loop3A_396 = %parallel_loop3A_161 to %parallel_loop3A_162 step %parallel_loop3A_163  : i32 {
        %parallel_loop3A_397 = arith.constant 0 : i32
        %parallel_loop3A_398 = arith.index_cast %parallel_loop3A_397 : i32 to index
        %parallel_loop3A_399 = arith.index_cast %parallel_loop3A_396 : i32 to index
        %parallel_loop3A_400 = tpu.vector_load %arg8[%parallel_loop3A_398, %parallel_loop3A_399] {strides = array<i32>} : memref<1x4096xi32, #tpu.memory_space<vmem>>, vector<16xi32>,
        %parallel_loop3A_401 = tpu.vector_load_idx %arg5[%broadcast_in_dim3A_1, %parallel_loop3A_400] : memref<1x100000xf32, #tpu.memory_space<vmem>>[vector<16xi32>, vector<16xi32>], vector<16xf32>,
        %parallel_loop3A_402 = arith.constant 0 : i32
        %parallel_loop3A_403 = arith.index_cast %parallel_loop3A_402 : i32 to index
        %parallel_loop3A_404 = arith.index_cast %parallel_loop3A_396 : i32 to index
        %parallel_loop3A_405 = tpu.vector_load %arg11[%parallel_loop3A_403, %parallel_loop3A_404] {strides = array<i32>} : memref<1x4096xf32, #tpu.memory_space<vmem>>, vector<16xf32>,
        tpu.vector_store %arg11[%parallel_loop3A_403, %parallel_loop3A_404], %parallel_loop3A_401 {strides = array<i32>} : memref<1x4096xf32, #tpu.memory_space<vmem>>, vector<16xf32>,
      } {sc.loop_unroll_factor = 8 : i64, sc.parallel_access}
      %dma_start3A_164 = arith.constant 0 : i32
      %dma_start3A_165 = tpu.memref_slice %arg4[%add3A_151, %add3A_46, %dma_start3A_164] : memref<50x64x4096xf32, #tpu.memory_space<hbm>> -> memref<1x1x4096xf32, #tpu.memory_space<hbm>>
      %dma_start3A_166 = tpu.memref_squeeze %dma_start3A_165 : memref<1x1x4096xf32, #tpu.memory_space<hbm>> -> memref<1x4096xf32, #tpu.memory_space<hbm>>
      %dma_start3A_167 = arith.constant 0 : i32
      %dma_start3A_168 = tpu.memref_slice %arg4[%add3A_151, %add3A_46, %dma_start3A_167] : memref<50x64x4096xf32, #tpu.memory_space<hbm>> -> memref<1x1x4096xf32, #tpu.memory_space<hbm>>
      %dma_start3A_169 = tpu.memref_squeeze %dma_start3A_168 : memref<1x1x4096xf32, #tpu.memory_space<hbm>> -> memref<1x4096xf32, #tpu.memory_space<hbm>>
      tpu.enqueue_dma source(%arg11 : memref<1x4096xf32, #tpu.memory_space<vmem>>) target(%dma_start3A_169 : memref<1x4096xf32, #tpu.memory_space<hbm>>) target_semaphore(%arg14 : memref<!tpu.dma_semaphore, #tpu.memory_space<semaphore_mem>>)
      %add3A_170 = arith.constant 5 : i32
      %add3A_171 = arith.addi %add3A_151, %add3A_170 : i32
      %sub3A_172 = arith.constant 1 : i32
      %sub3A_173 = arith.subi %add3A_171, %sub3A_172 : i32
      %lt3A_174 = arith.constant 50 : i32
      %lt3A_175 = arith.cmpi slt, %sub3A_173, %lt3A_174 : i32
      %convert_element_type3A_176 = arith.extui %lt3A_175 : i1 to i32
      %cond3A_177 = arith.constant 0 : i32
      %cond3A_178 = arith.cmpi ne, %convert_element_type3A_176, %cond3A_177 : i32
      scf.if %cond3A_178 {
        %add3A_396 = arith.constant 5 : i32
        %add3A_397 = arith.addi %add3A_151, %add3A_396 : i32
        %sub3A_398 = arith.constant 1 : i32
        %sub3A_399 = arith.subi %add3A_397, %sub3A_398 : i32
        %dma_start3A_400 = arith.constant 0 : i32
        %dma_start3A_401 = tpu.memref_slice %arg2[%sub3A_399, %dma_start3A_400] : memref<50x4096xi32, #tpu.memory_space<hbm>> -> memref<1x4096xi32, #tpu.memory_space<hbm>>
        %dma_start3A_402 = arith.constant 0 : i32
        %dma_start3A_403 = tpu.memref_slice %arg2[%sub3A_399, %dma_start3A_402] : memref<50x4096xi32, #tpu.memory_space<hbm>> -> memref<1x4096xi32, #tpu.memory_space<hbm>>
        tpu.enqueue_dma source(%dma_start3A_403 : memref<1x4096xi32, #tpu.memory_space<hbm>>) target(%arg7 : memref<1x4096xi32, #tpu.memory_space<vmem>>) target_semaphore(%arg13 : memref<!tpu.dma_semaphore, #tpu.memory_space<semaphore_mem>>)
      } else {
      }
      %mul3A_179 = arith.constant 10 : i32
      %mul3A_180 = arith.muli %scan3A_91, %mul3A_179 : i32
      %add3A_181 = arith.constant 3 : i32
      %add3A_182 = arith.addi %mul3A_180, %add3A_181 : i32
      %dma_wait3A_183 = arith.constant 0 : i32
      %dma_wait3A_184 = tpu.memref_slice %arg2[%add3A_182, %dma_wait3A_183] : memref<50x4096xi32, #tpu.memory_space<hbm>> -> memref<1x4096xi32, #tpu.memory_space<hbm>>
      %dma_wait3A_185 = arith.constant 0 : i32
      %dma_wait3A_186 = tpu.memref_slice %arg2[%add3A_182, %dma_wait3A_185] : memref<50x4096xi32, #tpu.memory_space<hbm>> -> memref<1x4096xi32, #tpu.memory_space<hbm>>
      tpu.wait_dma2 semaphore(%arg13 : memref<!tpu.dma_semaphore, #tpu.memory_space<semaphore_mem>>) src(%dma_wait3A_186 : memref<1x4096xi32, #tpu.memory_space<hbm>>) dst(%arg9 : memref<1x4096xi32, #tpu.memory_space<vmem>>)
      %ge3A_187 = arith.constant 2 : i32
      %ge3A_188 = arith.cmpi sge, %add3A_182, %ge3A_187 : i32
      %convert_element_type3A_189 = arith.extui %ge3A_188 : i1 to i32
      %cond3A_190 = arith.constant 0 : i32
      %cond3A_191 = arith.cmpi ne, %convert_element_type3A_189, %cond3A_190 : i32
      scf.if %cond3A_191 {
        %sub3A_396 = arith.constant 2 : i32
        %sub3A_397 = arith.subi %add3A_182, %sub3A_396 : i32
        %dma_wait3A_398 = arith.constant 0 : i32
        %dma_wait3A_399 = tpu.memref_slice %arg4[%sub3A_397, %add3A_46, %dma_wait3A_398] : memref<50x64x4096xf32, #tpu.memory_space<hbm>> -> memref<1x1x4096xf32, #tpu.memory_space<hbm>>
        %dma_wait3A_400 = tpu.memref_squeeze %dma_wait3A_399 : memref<1x1x4096xf32, #tpu.memory_space<hbm>> -> memref<1x4096xf32, #tpu.memory_space<hbm>>
        %dma_wait3A_401 = arith.constant 0 : i32
        %dma_wait3A_402 = tpu.memref_slice %arg4[%sub3A_397, %add3A_46, %dma_wait3A_401] : memref<50x64x4096xf32, #tpu.memory_space<hbm>> -> memref<1x1x4096xf32, #tpu.memory_space<hbm>>
        %dma_wait3A_403 = tpu.memref_squeeze %dma_wait3A_402 : memref<1x1x4096xf32, #tpu.memory_space<hbm>> -> memref<1x4096xf32, #tpu.memory_space<hbm>>
        tpu.wait_dma2 semaphore(%arg15 : memref<!tpu.dma_semaphore, #tpu.memory_space<semaphore_mem>>) src(%arg12 : memref<1x4096xf32, #tpu.memory_space<vmem>>) dst(%dma_wait3A_403 : memref<1x4096xf32, #tpu.memory_space<hbm>>)
      } else {
      }
      %parallel_loop3A_192 = arith.constant 0 : i32
      %parallel_loop3A_193 = arith.constant 4096 : i32
      %parallel_loop3A_194 = arith.constant 16 : i32
      scf.for %parallel_loop3A_396 = %parallel_loop3A_192 to %parallel_loop3A_193 step %parallel_loop3A_194  : i32 {
        %parallel_loop3A_397 = arith.constant 0 : i32
        %parallel_loop3A_398 = arith.index_cast %parallel_loop3A_397 : i32 to index
        %parallel_loop3A_399 = arith.index_cast %parallel_loop3A_396 : i32 to index
        %parallel_loop3A_400 = tpu.vector_load %arg9[%parallel_loop3A_398, %parallel_loop3A_399] {strides = array<i32>} : memref<1x4096xi32, #tpu.memory_space<vmem>>, vector<16xi32>,
        %parallel_loop3A_401 = tpu.vector_load_idx %arg5[%broadcast_in_dim3A_1, %parallel_loop3A_400] : memref<1x100000xf32, #tpu.memory_space<vmem>>[vector<16xi32>, vector<16xi32>], vector<16xf32>,
        %parallel_loop3A_402 = arith.constant 0 : i32
        %parallel_loop3A_403 = arith.index_cast %parallel_loop3A_402 : i32 to index
        %parallel_loop3A_404 = arith.index_cast %parallel_loop3A_396 : i32 to index
        %parallel_loop3A_405 = tpu.vector_load %arg12[%parallel_loop3A_403, %parallel_loop3A_404] {strides = array<i32>} : memref<1x4096xf32, #tpu.memory_space<vmem>>, vector<16xf32>,
        tpu.vector_store %arg12[%parallel_loop3A_403, %parallel_loop3A_404], %parallel_loop3A_401 {strides = array<i32>} : memref<1x4096xf32, #tpu.memory_space<vmem>>, vector<16xf32>,
      } {sc.loop_unroll_factor = 8 : i64, sc.parallel_access}
      %dma_start3A_195 = arith.constant 0 : i32
      %dma_start3A_196 = tpu.memref_slice %arg4[%add3A_182, %add3A_46, %dma_start3A_195] : memref<50x64x4096xf32, #tpu.memory_space<hbm>> -> memref<1x1x4096xf32, #tpu.memory_space<hbm>>
      %dma_start3A_197 = tpu.memref_squeeze %dma_start3A_196 : memref<1x1x4096xf32, #tpu.memory_space<hbm>> -> memref<1x4096xf32, #tpu.memory_space<hbm>>
      %dma_start3A_198 = arith.constant 0 : i32
      %dma_start3A_199 = tpu.memref_slice %arg4[%add3A_182, %add3A_46, %dma_start3A_198] : memref<50x64x4096xf32, #tpu.memory_space<hbm>> -> memref<1x1x4096xf32, #tpu.memory_space<hbm>>
      %dma_start3A_200 = tpu.memref_squeeze %dma_start3A_199 : memref<1x1x4096xf32, #tpu.memory_space<hbm>> -> memref<1x4096xf32, #tpu.memory_space<hbm>>
      tpu.enqueue_dma source(%arg12 : memref<1x4096xf32, #tpu.memory_space<vmem>>) target(%dma_start3A_200 : memref<1x4096xf32, #tpu.memory_space<hbm>>) target_semaphore(%arg15 : memref<!tpu.dma_semaphore, #tpu.memory_space<semaphore_mem>>)
      %add3A_201 = arith.constant 5 : i32
      %add3A_202 = arith.addi %add3A_182, %add3A_201 : i32
      %sub3A_203 = arith.constant 1 : i32
      %sub3A_204 = arith.subi %add3A_202, %sub3A_203 : i32
      %lt3A_205 = arith.constant 50 : i32
      %lt3A_206 = arith.cmpi slt, %sub3A_204, %lt3A_205 : i32
      %convert_element_type3A_207 = arith.extui %lt3A_206 : i1 to i32
      %cond3A_208 = arith.constant 0 : i32
      %cond3A_209 = arith.cmpi ne, %convert_element_type3A_207, %cond3A_208 : i32
      scf.if %cond3A_209 {
        %add3A_396 = arith.constant 5 : i32
        %add3A_397 = arith.addi %add3A_182, %add3A_396 : i32
        %sub3A_398 = arith.constant 1 : i32
        %sub3A_399 = arith.subi %add3A_397, %sub3A_398 : i32
        %dma_start3A_400 = arith.constant 0 : i32
        %dma_start3A_401 = tpu.memref_slice %arg2[%sub3A_399, %dma_start3A_400] : memref<50x4096xi32, #tpu.memory_space<hbm>> -> memref<1x4096xi32, #tpu.memory_space<hbm>>
        %dma_start3A_402 = arith.constant 0 : i32
        %dma_start3A_403 = tpu.memref_slice %arg2[%sub3A_399, %dma_start3A_402] : memref<50x4096xi32, #tpu.memory_space<hbm>> -> memref<1x4096xi32, #tpu.memory_space<hbm>>
        tpu.enqueue_dma source(%dma_start3A_403 : memref<1x4096xi32, #tpu.memory_space<hbm>>) target(%arg8 : memref<1x4096xi32, #tpu.memory_space<vmem>>) target_semaphore(%arg13 : memref<!tpu.dma_semaphore, #tpu.memory_space<semaphore_mem>>)
      } else {
      }
      %mul3A_210 = arith.constant 10 : i32
      %mul3A_211 = arith.muli %scan3A_91, %mul3A_210 : i32
      %add3A_212 = arith.constant 4 : i32
      %add3A_213 = arith.addi %mul3A_211, %add3A_212 : i32
      %dma_wait3A_214 = arith.constant 0 : i32
      %dma_wait3A_215 = tpu.memref_slice %arg2[%add3A_213, %dma_wait3A_214] : memref<50x4096xi32, #tpu.memory_space<hbm>> -> memref<1x4096xi32, #tpu.memory_space<hbm>>
      %dma_wait3A_216 = arith.constant 0 : i32
      %dma_wait3A_217 = tpu.memref_slice %arg2[%add3A_213, %dma_wait3A_216] : memref<50x4096xi32, #tpu.memory_space<hbm>> -> memref<1x4096xi32, #tpu.memory_space<hbm>>
      tpu.wait_dma2 semaphore(%arg13 : memref<!tpu.dma_semaphore, #tpu.memory_space<semaphore_mem>>) src(%dma_wait3A_217 : memref<1x4096xi32, #tpu.memory_space<hbm>>) dst(%arg10 : memref<1x4096xi32, #tpu.memory_space<vmem>>)
      %ge3A_218 = arith.constant 2 : i32
      %ge3A_219 = arith.cmpi sge, %add3A_213, %ge3A_218 : i32
      %convert_element_type3A_220 = arith.extui %ge3A_219 : i1 to i32
      %cond3A_221 = arith.constant 0 : i32
      %cond3A_222 = arith.cmpi ne, %convert_element_type3A_220, %cond3A_221 : i32
      scf.if %cond3A_222 {
        %sub3A_396 = arith.constant 2 : i32
        %sub3A_397 = arith.subi %add3A_213, %sub3A_396 : i32
        %dma_wait3A_398 = arith.constant 0 : i32
        %dma_wait3A_399 = tpu.memref_slice %arg4[%sub3A_397, %add3A_46, %dma_wait3A_398] : memref<50x64x4096xf32, #tpu.memory_space<hbm>> -> memref<1x1x4096xf32, #tpu.memory_space<hbm>>
        %dma_wait3A_400 = tpu.memref_squeeze %dma_wait3A_399 : memref<1x1x4096xf32, #tpu.memory_space<hbm>> -> memref<1x4096xf32, #tpu.memory_space<hbm>>
        %dma_wait3A_401 = arith.constant 0 : i32
        %dma_wait3A_402 = tpu.memref_slice %arg4[%sub3A_397, %add3A_46, %dma_wait3A_401] : memref<50x64x4096xf32, #tpu.memory_space<hbm>> -> memref<1x1x4096xf32, #tpu.memory_space<hbm>>
        %dma_wait3A_403 = tpu.memref_squeeze %dma_wait3A_402 : memref<1x1x4096xf32, #tpu.memory_space<hbm>> -> memref<1x4096xf32, #tpu.memory_space<hbm>>
        tpu.wait_dma2 semaphore(%arg14 : memref<!tpu.dma_semaphore, #tpu.memory_space<semaphore_mem>>) src(%arg11 : memref<1x4096xf32, #tpu.memory_space<vmem>>) dst(%dma_wait3A_403 : memref<1x4096xf32, #tpu.memory_space<hbm>>)
      } else {
      }
      %parallel_loop3A_223 = arith.constant 0 : i32
      %parallel_loop3A_224 = arith.constant 4096 : i32
      %parallel_loop3A_225 = arith.constant 16 : i32
      scf.for %parallel_loop3A_396 = %parallel_loop3A_223 to %parallel_loop3A_224 step %parallel_loop3A_225  : i32 {
        %parallel_loop3A_397 = arith.constant 0 : i32
        %parallel_loop3A_398 = arith.index_cast %parallel_loop3A_397 : i32 to index
        %parallel_loop3A_399 = arith.index_cast %parallel_loop3A_396 : i32 to index
        %parallel_loop3A_400 = tpu.vector_load %arg10[%parallel_loop3A_398, %parallel_loop3A_399] {strides = array<i32>} : memref<1x4096xi32, #tpu.memory_space<vmem>>, vector<16xi32>,
        %parallel_loop3A_401 = tpu.vector_load_idx %arg5[%broadcast_in_dim3A_1, %parallel_loop3A_400] : memref<1x100000xf32, #tpu.memory_space<vmem>>[vector<16xi32>, vector<16xi32>], vector<16xf32>,
        %parallel_loop3A_402 = arith.constant 0 : i32
        %parallel_loop3A_403 = arith.index_cast %parallel_loop3A_402 : i32 to index
        %parallel_loop3A_404 = arith.index_cast %parallel_loop3A_396 : i32 to index
        %parallel_loop3A_405 = tpu.vector_load %arg11[%parallel_loop3A_403, %parallel_loop3A_404] {strides = array<i32>} : memref<1x4096xf32, #tpu.memory_space<vmem>>, vector<16xf32>,
        tpu.vector_store %arg11[%parallel_loop3A_403, %parallel_loop3A_404], %parallel_loop3A_401 {strides = array<i32>} : memref<1x4096xf32, #tpu.memory_space<vmem>>, vector<16xf32>,
      } {sc.loop_unroll_factor = 8 : i64, sc.parallel_access}
      %dma_start3A_226 = arith.constant 0 : i32
      %dma_start3A_227 = tpu.memref_slice %arg4[%add3A_213, %add3A_46, %dma_start3A_226] : memref<50x64x4096xf32, #tpu.memory_space<hbm>> -> memref<1x1x4096xf32, #tpu.memory_space<hbm>>
      %dma_start3A_228 = tpu.memref_squeeze %dma_start3A_227 : memref<1x1x4096xf32, #tpu.memory_space<hbm>> -> memref<1x4096xf32, #tpu.memory_space<hbm>>
      %dma_start3A_229 = arith.constant 0 : i32
      %dma_start3A_230 = tpu.memref_slice %arg4[%add3A_213, %add3A_46, %dma_start3A_229] : memref<50x64x4096xf32, #tpu.memory_space<hbm>> -> memref<1x1x4096xf32, #tpu.memory_space<hbm>>
      %dma_start3A_231 = tpu.memref_squeeze %dma_start3A_230 : memref<1x1x4096xf32, #tpu.memory_space<hbm>> -> memref<1x4096xf32, #tpu.memory_space<hbm>>
      tpu.enqueue_dma source(%arg11 : memref<1x4096xf32, #tpu.memory_space<vmem>>) target(%dma_start3A_231 : memref<1x4096xf32, #tpu.memory_space<hbm>>) target_semaphore(%arg14 : memref<!tpu.dma_semaphore, #tpu.memory_space<semaphore_mem>>)
      %add3A_232 = arith.constant 5 : i32
      %add3A_233 = arith.addi %add3A_213, %add3A_232 : i32
      %sub3A_234 = arith.constant 1 : i32
      %sub3A_235 = arith.subi %add3A_233, %sub3A_234 : i32
      %lt3A_236 = arith.constant 50 : i32
      %lt3A_237 = arith.cmpi slt, %sub3A_235, %lt3A_236 : i32
      %convert_element_type3A_238 = arith.extui %lt3A_237 : i1 to i32
      %cond3A_239 = arith.constant 0 : i32
      %cond3A_240 = arith.cmpi ne, %convert_element_type3A_238, %cond3A_239 : i32
      scf.if %cond3A_240 {
        %add3A_396 = arith.constant 5 : i32
        %add3A_397 = arith.addi %add3A_213, %add3A_396 : i32
        %sub3A_398 = arith.constant 1 : i32
        %sub3A_399 = arith.subi %add3A_397, %sub3A_398 : i32
        %dma_start3A_400 = arith.constant 0 : i32
        %dma_start3A_401 = tpu.memref_slice %arg2[%sub3A_399, %dma_start3A_400] : memref<50x4096xi32, #tpu.memory_space<hbm>> -> memref<1x4096xi32, #tpu.memory_space<hbm>>
        %dma_start3A_402 = arith.constant 0 : i32
        %dma_start3A_403 = tpu.memref_slice %arg2[%sub3A_399, %dma_start3A_402] : memref<50x4096xi32, #tpu.memory_space<hbm>> -> memref<1x4096xi32, #tpu.memory_space<hbm>>
        tpu.enqueue_dma source(%dma_start3A_403 : memref<1x4096xi32, #tpu.memory_space<hbm>>) target(%arg9 : memref<1x4096xi32, #tpu.memory_space<vmem>>) target_semaphore(%arg13 : memref<!tpu.dma_semaphore, #tpu.memory_space<semaphore_mem>>)
      } else {
      }
      %mul3A_241 = arith.constant 10 : i32
      %mul3A_242 = arith.muli %scan3A_91, %mul3A_241 : i32
      %add3A_243 = arith.constant 5 : i32
      %add3A_244 = arith.addi %mul3A_242, %add3A_243 : i32
      %dma_wait3A_245 = arith.constant 0 : i32
      %dma_wait3A_246 = tpu.memref_slice %arg2[%add3A_244, %dma_wait3A_245] : memref<50x4096xi32, #tpu.memory_space<hbm>> -> memref<1x4096xi32, #tpu.memory_space<hbm>>
      %dma_wait3A_247 = arith.constant 0 : i32
      %dma_wait3A_248 = tpu.memref_slice %arg2[%add3A_244, %dma_wait3A_247] : memref<50x4096xi32, #tpu.memory_space<hbm>> -> memref<1x4096xi32, #tpu.memory_space<hbm>>
      tpu.wait_dma2 semaphore(%arg13 : memref<!tpu.dma_semaphore, #tpu.memory_space<semaphore_mem>>) src(%dma_wait3A_248 : memref<1x4096xi32, #tpu.memory_space<hbm>>) dst(%arg6 : memref<1x4096xi32, #tpu.memory_space<vmem>>)
      %ge3A_249 = arith.constant 2 : i32
      %ge3A_250 = arith.cmpi sge, %add3A_244, %ge3A_249 : i32
      %convert_element_type3A_251 = arith.extui %ge3A_250 : i1 to i32
      %cond3A_252 = arith.constant 0 : i32
      %cond3A_253 = arith.cmpi ne, %convert_element_type3A_251, %cond3A_252 : i32
      scf.if %cond3A_253 {
        %sub3A_396 = arith.constant 2 : i32
        %sub3A_397 = arith.subi %add3A_244, %sub3A_396 : i32
        %dma_wait3A_398 = arith.constant 0 : i32
        %dma_wait3A_399 = tpu.memref_slice %arg4[%sub3A_397, %add3A_46, %dma_wait3A_398] : memref<50x64x4096xf32, #tpu.memory_space<hbm>> -> memref<1x1x4096xf32, #tpu.memory_space<hbm>>
        %dma_wait3A_400 = tpu.memref_squeeze %dma_wait3A_399 : memref<1x1x4096xf32, #tpu.memory_space<hbm>> -> memref<1x4096xf32, #tpu.memory_space<hbm>>
        %dma_wait3A_401 = arith.constant 0 : i32
        %dma_wait3A_402 = tpu.memref_slice %arg4[%sub3A_397, %add3A_46, %dma_wait3A_401] : memref<50x64x4096xf32, #tpu.memory_space<hbm>> -> memref<1x1x4096xf32, #tpu.memory_space<hbm>>
        %dma_wait3A_403 = tpu.memref_squeeze %dma_wait3A_402 : memref<1x1x4096xf32, #tpu.memory_space<hbm>> -> memref<1x4096xf32, #tpu.memory_space<hbm>>
        tpu.wait_dma2 semaphore(%arg15 : memref<!tpu.dma_semaphore, #tpu.memory_space<semaphore_mem>>) src(%arg12 : memref<1x4096xf32, #tpu.memory_space<vmem>>) dst(%dma_wait3A_403 : memref<1x4096xf32, #tpu.memory_space<hbm>>)
      } else {
      }
      %parallel_loop3A_254 = arith.constant 0 : i32
      %parallel_loop3A_255 = arith.constant 4096 : i32
      %parallel_loop3A_256 = arith.constant 16 : i32
      scf.for %parallel_loop3A_396 = %parallel_loop3A_254 to %parallel_loop3A_255 step %parallel_loop3A_256  : i32 {
        %parallel_loop3A_397 = arith.constant 0 : i32
        %parallel_loop3A_398 = arith.index_cast %parallel_loop3A_397 : i32 to index
        %parallel_loop3A_399 = arith.index_cast %parallel_loop3A_396 : i32 to index
        %parallel_loop3A_400 = tpu.vector_load %arg6[%parallel_loop3A_398, %parallel_loop3A_399] {strides = array<i32>} : memref<1x4096xi32, #tpu.memory_space<vmem>>, vector<16xi32>,
        %parallel_loop3A_401 = tpu.vector_load_idx %arg5[%broadcast_in_dim3A_1, %parallel_loop3A_400] : memref<1x100000xf32, #tpu.memory_space<vmem>>[vector<16xi32>, vector<16xi32>], vector<16xf32>,
        %parallel_loop3A_402 = arith.constant 0 : i32
        %parallel_loop3A_403 = arith.index_cast %parallel_loop3A_402 : i32 to index
        %parallel_loop3A_404 = arith.index_cast %parallel_loop3A_396 : i32 to index
        %parallel_loop3A_405 = tpu.vector_load %arg12[%parallel_loop3A_403, %parallel_loop3A_404] {strides = array<i32>} : memref<1x4096xf32, #tpu.memory_space<vmem>>, vector<16xf32>,
        tpu.vector_store %arg12[%parallel_loop3A_403, %parallel_loop3A_404], %parallel_loop3A_401 {strides = array<i32>} : memref<1x4096xf32, #tpu.memory_space<vmem>>, vector<16xf32>,
      } {sc.loop_unroll_factor = 8 : i64, sc.parallel_access}
      %dma_start3A_257 = arith.constant 0 : i32
      %dma_start3A_258 = tpu.memref_slice %arg4[%add3A_244, %add3A_46, %dma_start3A_257] : memref<50x64x4096xf32, #tpu.memory_space<hbm>> -> memref<1x1x4096xf32, #tpu.memory_space<hbm>>
      %dma_start3A_259 = tpu.memref_squeeze %dma_start3A_258 : memref<1x1x4096xf32, #tpu.memory_space<hbm>> -> memref<1x4096xf32, #tpu.memory_space<hbm>>
      %dma_start3A_260 = arith.constant 0 : i32
      %dma_start3A_261 = tpu.memref_slice %arg4[%add3A_244, %add3A_46, %dma_start3A_260] : memref<50x64x4096xf32, #tpu.memory_space<hbm>> -> memref<1x1x4096xf32, #tpu.memory_space<hbm>>
      %dma_start3A_262 = tpu.memref_squeeze %dma_start3A_261 : memref<1x1x4096xf32, #tpu.memory_space<hbm>> -> memref<1x4096xf32, #tpu.memory_space<hbm>>
      tpu.enqueue_dma source(%arg12 : memref<1x4096xf32, #tpu.memory_space<vmem>>) target(%dma_start3A_262 : memref<1x4096xf32, #tpu.memory_space<hbm>>) target_semaphore(%arg15 : memref<!tpu.dma_semaphore, #tpu.memory_space<semaphore_mem>>)
      %add3A_263 = arith.constant 5 : i32
      %add3A_264 = arith.addi %add3A_244, %add3A_263 : i32
      %sub3A_265 = arith.constant 1 : i32
      %sub3A_266 = arith.subi %add3A_264, %sub3A_265 : i32
      %lt3A_267 = arith.constant 50 : i32
      %lt3A_268 = arith.cmpi slt, %sub3A_266, %lt3A_267 : i32
      %convert_element_type3A_269 = arith.extui %lt3A_268 : i1 to i32
      %cond3A_270 = arith.constant 0 : i32
      %cond3A_271 = arith.cmpi ne, %convert_element_type3A_269, %cond3A_270 : i32
      scf.if %cond3A_271 {
        %add3A_396 = arith.constant 5 : i32
        %add3A_397 = arith.addi %add3A_244, %add3A_396 : i32
        %sub3A_398 = arith.constant 1 : i32
        %sub3A_399 = arith.subi %add3A_397, %sub3A_398 : i32
        %dma_start3A_400 = arith.constant 0 : i32
        %dma_start3A_401 = tpu.memref_slice %arg2[%sub3A_399, %dma_start3A_400] : memref<50x4096xi32, #tpu.memory_space<hbm>> -> memref<1x4096xi32, #tpu.memory_space<hbm>>
        %dma_start3A_402 = arith.constant 0 : i32
        %dma_start3A_403 = tpu.memref_slice %arg2[%sub3A_399, %dma_start3A_402] : memref<50x4096xi32, #tpu.memory_space<hbm>> -> memref<1x4096xi32, #tpu.memory_space<hbm>>
        tpu.enqueue_dma source(%dma_start3A_403 : memref<1x4096xi32, #tpu.memory_space<hbm>>) target(%arg10 : memref<1x4096xi32, #tpu.memory_space<vmem>>) target_semaphore(%arg13 : memref<!tpu.dma_semaphore, #tpu.memory_space<semaphore_mem>>)
      } else {
      }
      %mul3A_272 = arith.constant 10 : i32
      %mul3A_273 = arith.muli %scan3A_91, %mul3A_272 : i32
      %add3A_274 = arith.constant 6 : i32
      %add3A_275 = arith.addi %mul3A_273, %add3A_274 : i32
      %dma_wait3A_276 = arith.constant 0 : i32
      %dma_wait3A_277 = tpu.memref_slice %arg2[%add3A_275, %dma_wait3A_276] : memref<50x4096xi32, #tpu.memory_space<hbm>> -> memref<1x4096xi32, #tpu.memory_space<hbm>>
      %dma_wait3A_278 = arith.constant 0 : i32
      %dma_wait3A_279 = tpu.memref_slice %arg2[%add3A_275, %dma_wait3A_278] : memref<50x4096xi32, #tpu.memory_space<hbm>> -> memref<1x4096xi32, #tpu.memory_space<hbm>>
      tpu.wait_dma2 semaphore(%arg13 : memref<!tpu.dma_semaphore, #tpu.memory_space<semaphore_mem>>) src(%dma_wait3A_279 : memref<1x4096xi32, #tpu.memory_space<hbm>>) dst(%arg7 : memref<1x4096xi32, #tpu.memory_space<vmem>>)
      %ge3A_280 = arith.constant 2 : i32
      %ge3A_281 = arith.cmpi sge, %add3A_275, %ge3A_280 : i32
      %convert_element_type3A_282 = arith.extui %ge3A_281 : i1 to i32
      %cond3A_283 = arith.constant 0 : i32
      %cond3A_284 = arith.cmpi ne, %convert_element_type3A_282, %cond3A_283 : i32
      scf.if %cond3A_284 {
        %sub3A_396 = arith.constant 2 : i32
        %sub3A_397 = arith.subi %add3A_275, %sub3A_396 : i32
        %dma_wait3A_398 = arith.constant 0 : i32
        %dma_wait3A_399 = tpu.memref_slice %arg4[%sub3A_397, %add3A_46, %dma_wait3A_398] : memref<50x64x4096xf32, #tpu.memory_space<hbm>> -> memref<1x1x4096xf32, #tpu.memory_space<hbm>>
        %dma_wait3A_400 = tpu.memref_squeeze %dma_wait3A_399 : memref<1x1x4096xf32, #tpu.memory_space<hbm>> -> memref<1x4096xf32, #tpu.memory_space<hbm>>
        %dma_wait3A_401 = arith.constant 0 : i32
        %dma_wait3A_402 = tpu.memref_slice %arg4[%sub3A_397, %add3A_46, %dma_wait3A_401] : memref<50x64x4096xf32, #tpu.memory_space<hbm>> -> memref<1x1x4096xf32, #tpu.memory_space<hbm>>
        %dma_wait3A_403 = tpu.memref_squeeze %dma_wait3A_402 : memref<1x1x4096xf32, #tpu.memory_space<hbm>> -> memref<1x4096xf32, #tpu.memory_space<hbm>>
        tpu.wait_dma2 semaphore(%arg14 : memref<!tpu.dma_semaphore, #tpu.memory_space<semaphore_mem>>) src(%arg11 : memref<1x4096xf32, #tpu.memory_space<vmem>>) dst(%dma_wait3A_403 : memref<1x4096xf32, #tpu.memory_space<hbm>>)
      } else {
      }
      %parallel_loop3A_285 = arith.constant 0 : i32
      %parallel_loop3A_286 = arith.constant 4096 : i32
      %parallel_loop3A_287 = arith.constant 16 : i32
      scf.for %parallel_loop3A_396 = %parallel_loop3A_285 to %parallel_loop3A_286 step %parallel_loop3A_287  : i32 {
        %parallel_loop3A_397 = arith.constant 0 : i32
        %parallel_loop3A_398 = arith.index_cast %parallel_loop3A_397 : i32 to index
        %parallel_loop3A_399 = arith.index_cast %parallel_loop3A_396 : i32 to index
        %parallel_loop3A_400 = tpu.vector_load %arg7[%parallel_loop3A_398, %parallel_loop3A_399] {strides = array<i32>} : memref<1x4096xi32, #tpu.memory_space<vmem>>, vector<16xi32>,
        %parallel_loop3A_401 = tpu.vector_load_idx %arg5[%broadcast_in_dim3A_1, %parallel_loop3A_400] : memref<1x100000xf32, #tpu.memory_space<vmem>>[vector<16xi32>, vector<16xi32>], vector<16xf32>,
        %parallel_loop3A_402 = arith.constant 0 : i32
        %parallel_loop3A_403 = arith.index_cast %parallel_loop3A_402 : i32 to index
        %parallel_loop3A_404 = arith.index_cast %parallel_loop3A_396 : i32 to index
        %parallel_loop3A_405 = tpu.vector_load %arg11[%parallel_loop3A_403, %parallel_loop3A_404] {strides = array<i32>} : memref<1x4096xf32, #tpu.memory_space<vmem>>, vector<16xf32>,
        tpu.vector_store %arg11[%parallel_loop3A_403, %parallel_loop3A_404], %parallel_loop3A_401 {strides = array<i32>} : memref<1x4096xf32, #tpu.memory_space<vmem>>, vector<16xf32>,
      } {sc.loop_unroll_factor = 8 : i64, sc.parallel_access}
      %dma_start3A_288 = arith.constant 0 : i32
      %dma_start3A_289 = tpu.memref_slice %arg4[%add3A_275, %add3A_46, %dma_start3A_288] : memref<50x64x4096xf32, #tpu.memory_space<hbm>> -> memref<1x1x4096xf32, #tpu.memory_space<hbm>>
      %dma_start3A_290 = tpu.memref_squeeze %dma_start3A_289 : memref<1x1x4096xf32, #tpu.memory_space<hbm>> -> memref<1x4096xf32, #tpu.memory_space<hbm>>
      %dma_start3A_291 = arith.constant 0 : i32
      %dma_start3A_292 = tpu.memref_slice %arg4[%add3A_275, %add3A_46, %dma_start3A_291] : memref<50x64x4096xf32, #tpu.memory_space<hbm>> -> memref<1x1x4096xf32, #tpu.memory_space<hbm>>
      %dma_start3A_293 = tpu.memref_squeeze %dma_start3A_292 : memref<1x1x4096xf32, #tpu.memory_space<hbm>> -> memref<1x4096xf32, #tpu.memory_space<hbm>>
      tpu.enqueue_dma source(%arg11 : memref<1x4096xf32, #tpu.memory_space<vmem>>) target(%dma_start3A_293 : memref<1x4096xf32, #tpu.memory_space<hbm>>) target_semaphore(%arg14 : memref<!tpu.dma_semaphore, #tpu.memory_space<semaphore_mem>>)
      %add3A_294 = arith.constant 5 : i32
      %add3A_295 = arith.addi %add3A_275, %add3A_294 : i32
      %sub3A_296 = arith.constant 1 : i32
      %sub3A_297 = arith.subi %add3A_295, %sub3A_296 : i32
      %lt3A_298 = arith.constant 50 : i32
      %lt3A_299 = arith.cmpi slt, %sub3A_297, %lt3A_298 : i32
      %convert_element_type3A_300 = arith.extui %lt3A_299 : i1 to i32
      %cond3A_301 = arith.constant 0 : i32
      %cond3A_302 = arith.cmpi ne, %convert_element_type3A_300, %cond3A_301 : i32
      scf.if %cond3A_302 {
        %add3A_396 = arith.constant 5 : i32
        %add3A_397 = arith.addi %add3A_275, %add3A_396 : i32
        %sub3A_398 = arith.constant 1 : i32
        %sub3A_399 = arith.subi %add3A_397, %sub3A_398 : i32
        %dma_start3A_400 = arith.constant 0 : i32
        %dma_start3A_401 = tpu.memref_slice %arg2[%sub3A_399, %dma_start3A_400] : memref<50x4096xi32, #tpu.memory_space<hbm>> -> memref<1x4096xi32, #tpu.memory_space<hbm>>
        %dma_start3A_402 = arith.constant 0 : i32
        %dma_start3A_403 = tpu.memref_slice %arg2[%sub3A_399, %dma_start3A_402] : memref<50x4096xi32, #tpu.memory_space<hbm>> -> memref<1x4096xi32, #tpu.memory_space<hbm>>
        tpu.enqueue_dma source(%dma_start3A_403 : memref<1x4096xi32, #tpu.memory_space<hbm>>) target(%arg6 : memref<1x4096xi32, #tpu.memory_space<vmem>>) target_semaphore(%arg13 : memref<!tpu.dma_semaphore, #tpu.memory_space<semaphore_mem>>)
      } else {
      }
      %mul3A_303 = arith.constant 10 : i32
      %mul3A_304 = arith.muli %scan3A_91, %mul3A_303 : i32
      %add3A_305 = arith.constant 7 : i32
      %add3A_306 = arith.addi %mul3A_304, %add3A_305 : i32
      %dma_wait3A_307 = arith.constant 0 : i32
      %dma_wait3A_308 = tpu.memref_slice %arg2[%add3A_306, %dma_wait3A_307] : memref<50x4096xi32, #tpu.memory_space<hbm>> -> memref<1x4096xi32, #tpu.memory_space<hbm>>
      %dma_wait3A_309 = arith.constant 0 : i32
      %dma_wait3A_310 = tpu.memref_slice %arg2[%add3A_306, %dma_wait3A_309] : memref<50x4096xi32, #tpu.memory_space<hbm>> -> memref<1x4096xi32, #tpu.memory_space<hbm>>
      tpu.wait_dma2 semaphore(%arg13 : memref<!tpu.dma_semaphore, #tpu.memory_space<semaphore_mem>>) src(%dma_wait3A_310 : memref<1x4096xi32, #tpu.memory_space<hbm>>) dst(%arg8 : memref<1x4096xi32, #tpu.memory_space<vmem>>)
      %ge3A_311 = arith.constant 2 : i32
      %ge3A_312 = arith.cmpi sge, %add3A_306, %ge3A_311 : i32
      %convert_element_type3A_313 = arith.extui %ge3A_312 : i1 to i32
      %cond3A_314 = arith.constant 0 : i32
      %cond3A_315 = arith.cmpi ne, %convert_element_type3A_313, %cond3A_314 : i32
      scf.if %cond3A_315 {
        %sub3A_396 = arith.constant 2 : i32
        %sub3A_397 = arith.subi %add3A_306, %sub3A_396 : i32
        %dma_wait3A_398 = arith.constant 0 : i32
        %dma_wait3A_399 = tpu.memref_slice %arg4[%sub3A_397, %add3A_46, %dma_wait3A_398] : memref<50x64x4096xf32, #tpu.memory_space<hbm>> -> memref<1x1x4096xf32, #tpu.memory_space<hbm>>
        %dma_wait3A_400 = tpu.memref_squeeze %dma_wait3A_399 : memref<1x1x4096xf32, #tpu.memory_space<hbm>> -> memref<1x4096xf32, #tpu.memory_space<hbm>>
        %dma_wait3A_401 = arith.constant 0 : i32
        %dma_wait3A_402 = tpu.memref_slice %arg4[%sub3A_397, %add3A_46, %dma_wait3A_401] : memref<50x64x4096xf32, #tpu.memory_space<hbm>> -> memref<1x1x4096xf32, #tpu.memory_space<hbm>>
        %dma_wait3A_403 = tpu.memref_squeeze %dma_wait3A_402 : memref<1x1x4096xf32, #tpu.memory_space<hbm>> -> memref<1x4096xf32, #tpu.memory_space<hbm>>
        tpu.wait_dma2 semaphore(%arg15 : memref<!tpu.dma_semaphore, #tpu.memory_space<semaphore_mem>>) src(%arg12 : memref<1x4096xf32, #tpu.memory_space<vmem>>) dst(%dma_wait3A_403 : memref<1x4096xf32, #tpu.memory_space<hbm>>)
      } else {
      }
      %parallel_loop3A_316 = arith.constant 0 : i32
      %parallel_loop3A_317 = arith.constant 4096 : i32
      %parallel_loop3A_318 = arith.constant 16 : i32
      scf.for %parallel_loop3A_396 = %parallel_loop3A_316 to %parallel_loop3A_317 step %parallel_loop3A_318  : i32 {
        %parallel_loop3A_397 = arith.constant 0 : i32
        %parallel_loop3A_398 = arith.index_cast %parallel_loop3A_397 : i32 to index
        %parallel_loop3A_399 = arith.index_cast %parallel_loop3A_396 : i32 to index
        %parallel_loop3A_400 = tpu.vector_load %arg8[%parallel_loop3A_398, %parallel_loop3A_399] {strides = array<i32>} : memref<1x4096xi32, #tpu.memory_space<vmem>>, vector<16xi32>,
        %parallel_loop3A_401 = tpu.vector_load_idx %arg5[%broadcast_in_dim3A_1, %parallel_loop3A_400] : memref<1x100000xf32, #tpu.memory_space<vmem>>[vector<16xi32>, vector<16xi32>], vector<16xf32>,
        %parallel_loop3A_402 = arith.constant 0 : i32
        %parallel_loop3A_403 = arith.index_cast %parallel_loop3A_402 : i32 to index
        %parallel_loop3A_404 = arith.index_cast %parallel_loop3A_396 : i32 to index
        %parallel_loop3A_405 = tpu.vector_load %arg12[%parallel_loop3A_403, %parallel_loop3A_404] {strides = array<i32>} : memref<1x4096xf32, #tpu.memory_space<vmem>>, vector<16xf32>,
        tpu.vector_store %arg12[%parallel_loop3A_403, %parallel_loop3A_404], %parallel_loop3A_401 {strides = array<i32>} : memref<1x4096xf32, #tpu.memory_space<vmem>>, vector<16xf32>,
      } {sc.loop_unroll_factor = 8 : i64, sc.parallel_access}
      %dma_start3A_319 = arith.constant 0 : i32
      %dma_start3A_320 = tpu.memref_slice %arg4[%add3A_306, %add3A_46, %dma_start3A_319] : memref<50x64x4096xf32, #tpu.memory_space<hbm>> -> memref<1x1x4096xf32, #tpu.memory_space<hbm>>
      %dma_start3A_321 = tpu.memref_squeeze %dma_start3A_320 : memref<1x1x4096xf32, #tpu.memory_space<hbm>> -> memref<1x4096xf32, #tpu.memory_space<hbm>>
      %dma_start3A_322 = arith.constant 0 : i32
      %dma_start3A_323 = tpu.memref_slice %arg4[%add3A_306, %add3A_46, %dma_start3A_322] : memref<50x64x4096xf32, #tpu.memory_space<hbm>> -> memref<1x1x4096xf32, #tpu.memory_space<hbm>>
      %dma_start3A_324 = tpu.memref_squeeze %dma_start3A_323 : memref<1x1x4096xf32, #tpu.memory_space<hbm>> -> memref<1x4096xf32, #tpu.memory_space<hbm>>
      tpu.enqueue_dma source(%arg12 : memref<1x4096xf32, #tpu.memory_space<vmem>>) target(%dma_start3A_324 : memref<1x4096xf32, #tpu.memory_space<hbm>>) target_semaphore(%arg15 : memref<!tpu.dma_semaphore, #tpu.memory_space<semaphore_mem>>)
      %add3A_325 = arith.constant 5 : i32
      %add3A_326 = arith.addi %add3A_306, %add3A_325 : i32
      %sub3A_327 = arith.constant 1 : i32
      %sub3A_328 = arith.subi %add3A_326, %sub3A_327 : i32
      %lt3A_329 = arith.constant 50 : i32
      %lt3A_330 = arith.cmpi slt, %sub3A_328, %lt3A_329 : i32
      %convert_element_type3A_331 = arith.extui %lt3A_330 : i1 to i32
      %cond3A_332 = arith.constant 0 : i32
      %cond3A_333 = arith.cmpi ne, %convert_element_type3A_331, %cond3A_332 : i32
      scf.if %cond3A_333 {
        %add3A_396 = arith.constant 5 : i32
        %add3A_397 = arith.addi %add3A_306, %add3A_396 : i32
        %sub3A_398 = arith.constant 1 : i32
        %sub3A_399 = arith.subi %add3A_397, %sub3A_398 : i32
        %dma_start3A_400 = arith.constant 0 : i32
        %dma_start3A_401 = tpu.memref_slice %arg2[%sub3A_399, %dma_start3A_400] : memref<50x4096xi32, #tpu.memory_space<hbm>> -> memref<1x4096xi32, #tpu.memory_space<hbm>>
        %dma_start3A_402 = arith.constant 0 : i32
        %dma_start3A_403 = tpu.memref_slice %arg2[%sub3A_399, %dma_start3A_402] : memref<50x4096xi32, #tpu.memory_space<hbm>> -> memref<1x4096xi32, #tpu.memory_space<hbm>>
        tpu.enqueue_dma source(%dma_start3A_403 : memref<1x4096xi32, #tpu.memory_space<hbm>>) target(%arg7 : memref<1x4096xi32, #tpu.memory_space<vmem>>) target_semaphore(%arg13 : memref<!tpu.dma_semaphore, #tpu.memory_space<semaphore_mem>>)
      } else {
      }
      %mul3A_334 = arith.constant 10 : i32
      %mul3A_335 = arith.muli %scan3A_91, %mul3A_334 : i32
      %add3A_336 = arith.constant 8 : i32
      %add3A_337 = arith.addi %mul3A_335, %add3A_336 : i32
      %dma_wait3A_338 = arith.constant 0 : i32
      %dma_wait3A_339 = tpu.memref_slice %arg2[%add3A_337, %dma_wait3A_338] : memref<50x4096xi32, #tpu.memory_space<hbm>> -> memref<1x4096xi32, #tpu.memory_space<hbm>>
      %dma_wait3A_340 = arith.constant 0 : i32
      %dma_wait3A_341 = tpu.memref_slice %arg2[%add3A_337, %dma_wait3A_340] : memref<50x4096xi32, #tpu.memory_space<hbm>> -> memref<1x4096xi32, #tpu.memory_space<hbm>>
      tpu.wait_dma2 semaphore(%arg13 : memref<!tpu.dma_semaphore, #tpu.memory_space<semaphore_mem>>) src(%dma_wait3A_341 : memref<1x4096xi32, #tpu.memory_space<hbm>>) dst(%arg9 : memref<1x4096xi32, #tpu.memory_space<vmem>>)
      %ge3A_342 = arith.constant 2 : i32
      %ge3A_343 = arith.cmpi sge, %add3A_337, %ge3A_342 : i32
      %convert_element_type3A_344 = arith.extui %ge3A_343 : i1 to i32
      %cond3A_345 = arith.constant 0 : i32
      %cond3A_346 = arith.cmpi ne, %convert_element_type3A_344, %cond3A_345 : i32
      scf.if %cond3A_346 {
        %sub3A_396 = arith.constant 2 : i32
        %sub3A_397 = arith.subi %add3A_337, %sub3A_396 : i32
        %dma_wait3A_398 = arith.constant 0 : i32
        %dma_wait3A_399 = tpu.memref_slice %arg4[%sub3A_397, %add3A_46, %dma_wait3A_398] : memref<50x64x4096xf32, #tpu.memory_space<hbm>> -> memref<1x1x4096xf32, #tpu.memory_space<hbm>>
        %dma_wait3A_400 = tpu.memref_squeeze %dma_wait3A_399 : memref<1x1x4096xf32, #tpu.memory_space<hbm>> -> memref<1x4096xf32, #tpu.memory_space<hbm>>
        %dma_wait3A_401 = arith.constant 0 : i32
        %dma_wait3A_402 = tpu.memref_slice %arg4[%sub3A_397, %add3A_46, %dma_wait3A_401] : memref<50x64x4096xf32, #tpu.memory_space<hbm>> -> memref<1x1x4096xf32, #tpu.memory_space<hbm>>
        %dma_wait3A_403 = tpu.memref_squeeze %dma_wait3A_402 : memref<1x1x4096xf32, #tpu.memory_space<hbm>> -> memref<1x4096xf32, #tpu.memory_space<hbm>>
        tpu.wait_dma2 semaphore(%arg14 : memref<!tpu.dma_semaphore, #tpu.memory_space<semaphore_mem>>) src(%arg11 : memref<1x4096xf32, #tpu.memory_space<vmem>>) dst(%dma_wait3A_403 : memref<1x4096xf32, #tpu.memory_space<hbm>>)
      } else {
      }
      %parallel_loop3A_347 = arith.constant 0 : i32
      %parallel_loop3A_348 = arith.constant 4096 : i32
      %parallel_loop3A_349 = arith.constant 16 : i32
      scf.for %parallel_loop3A_396 = %parallel_loop3A_347 to %parallel_loop3A_348 step %parallel_loop3A_349  : i32 {
        %parallel_loop3A_397 = arith.constant 0 : i32
        %parallel_loop3A_398 = arith.index_cast %parallel_loop3A_397 : i32 to index
        %parallel_loop3A_399 = arith.index_cast %parallel_loop3A_396 : i32 to index
        %parallel_loop3A_400 = tpu.vector_load %arg9[%parallel_loop3A_398, %parallel_loop3A_399] {strides = array<i32>} : memref<1x4096xi32, #tpu.memory_space<vmem>>, vector<16xi32>,
        %parallel_loop3A_401 = tpu.vector_load_idx %arg5[%broadcast_in_dim3A_1, %parallel_loop3A_400] : memref<1x100000xf32, #tpu.memory_space<vmem>>[vector<16xi32>, vector<16xi32>], vector<16xf32>,
        %parallel_loop3A_402 = arith.constant 0 : i32
        %parallel_loop3A_403 = arith.index_cast %parallel_loop3A_402 : i32 to index
        %parallel_loop3A_404 = arith.index_cast %parallel_loop3A_396 : i32 to index
        %parallel_loop3A_405 = tpu.vector_load %arg11[%parallel_loop3A_403, %parallel_loop3A_404] {strides = array<i32>} : memref<1x4096xf32, #tpu.memory_space<vmem>>, vector<16xf32>,
        tpu.vector_store %arg11[%parallel_loop3A_403, %parallel_loop3A_404], %parallel_loop3A_401 {strides = array<i32>} : memref<1x4096xf32, #tpu.memory_space<vmem>>, vector<16xf32>,
      } {sc.loop_unroll_factor = 8 : i64, sc.parallel_access}
      %dma_start3A_350 = arith.constant 0 : i32
      %dma_start3A_351 = tpu.memref_slice %arg4[%add3A_337, %add3A_46, %dma_start3A_350] : memref<50x64x4096xf32, #tpu.memory_space<hbm>> -> memref<1x1x4096xf32, #tpu.memory_space<hbm>>
      %dma_start3A_352 = tpu.memref_squeeze %dma_start3A_351 : memref<1x1x4096xf32, #tpu.memory_space<hbm>> -> memref<1x4096xf32, #tpu.memory_space<hbm>>
      %dma_start3A_353 = arith.constant 0 : i32
      %dma_start3A_354 = tpu.memref_slice %arg4[%add3A_337, %add3A_46, %dma_start3A_353] : memref<50x64x4096xf32, #tpu.memory_space<hbm>> -> memref<1x1x4096xf32, #tpu.memory_space<hbm>>
      %dma_start3A_355 = tpu.memref_squeeze %dma_start3A_354 : memref<1x1x4096xf32, #tpu.memory_space<hbm>> -> memref<1x4096xf32, #tpu.memory_space<hbm>>
      tpu.enqueue_dma source(%arg11 : memref<1x4096xf32, #tpu.memory_space<vmem>>) target(%dma_start3A_355 : memref<1x4096xf32, #tpu.memory_space<hbm>>) target_semaphore(%arg14 : memref<!tpu.dma_semaphore, #tpu.memory_space<semaphore_mem>>)
      %add3A_356 = arith.constant 5 : i32
      %add3A_357 = arith.addi %add3A_337, %add3A_356 : i32
      %sub3A_358 = arith.constant 1 : i32
      %sub3A_359 = arith.subi %add3A_357, %sub3A_358 : i32
      %lt3A_360 = arith.constant 50 : i32
      %lt3A_361 = arith.cmpi slt, %sub3A_359, %lt3A_360 : i32
      %convert_element_type3A_362 = arith.extui %lt3A_361 : i1 to i32
      %cond3A_363 = arith.constant 0 : i32
      %cond3A_364 = arith.cmpi ne, %convert_element_type3A_362, %cond3A_363 : i32
      scf.if %cond3A_364 {
        %add3A_396 = arith.constant 5 : i32
        %add3A_397 = arith.addi %add3A_337, %add3A_396 : i32
        %sub3A_398 = arith.constant 1 : i32
        %sub3A_399 = arith.subi %add3A_397, %sub3A_398 : i32
        %dma_start3A_400 = arith.constant 0 : i32
        %dma_start3A_401 = tpu.memref_slice %arg2[%sub3A_399, %dma_start3A_400] : memref<50x4096xi32, #tpu.memory_space<hbm>> -> memref<1x4096xi32, #tpu.memory_space<hbm>>
        %dma_start3A_402 = arith.constant 0 : i32
        %dma_start3A_403 = tpu.memref_slice %arg2[%sub3A_399, %dma_start3A_402] : memref<50x4096xi32, #tpu.memory_space<hbm>> -> memref<1x4096xi32, #tpu.memory_space<hbm>>
        tpu.enqueue_dma source(%dma_start3A_403 : memref<1x4096xi32, #tpu.memory_space<hbm>>) target(%arg8 : memref<1x4096xi32, #tpu.memory_space<vmem>>) target_semaphore(%arg13 : memref<!tpu.dma_semaphore, #tpu.memory_space<semaphore_mem>>)
      } else {
      }
      %mul3A_365 = arith.constant 10 : i32
      %mul3A_366 = arith.muli %scan3A_91, %mul3A_365 : i32
      %add3A_367 = arith.constant 9 : i32
      %add3A_368 = arith.addi %mul3A_366, %add3A_367 : i32
      %dma_wait3A_369 = arith.constant 0 : i32
      %dma_wait3A_370 = tpu.memref_slice %arg2[%add3A_368, %dma_wait3A_369] : memref<50x4096xi32, #tpu.memory_space<hbm>> -> memref<1x4096xi32, #tpu.memory_space<hbm>>
      %dma_wait3A_371 = arith.constant 0 : i32
      %dma_wait3A_372 = tpu.memref_slice %arg2[%add3A_368, %dma_wait3A_371] : memref<50x4096xi32, #tpu.memory_space<hbm>> -> memref<1x4096xi32, #tpu.memory_space<hbm>>
      tpu.wait_dma2 semaphore(%arg13 : memref<!tpu.dma_semaphore, #tpu.memory_space<semaphore_mem>>) src(%dma_wait3A_372 : memref<1x4096xi32, #tpu.memory_space<hbm>>) dst(%arg10 : memref<1x4096xi32, #tpu.memory_space<vmem>>)
      %ge3A_373 = arith.constant 2 : i32
      %ge3A_374 = arith.cmpi sge, %add3A_368, %ge3A_373 : i32
      %convert_element_type3A_375 = arith.extui %ge3A_374 : i1 to i32
      %cond3A_376 = arith.constant 0 : i32
      %cond3A_377 = arith.cmpi ne, %convert_element_type3A_375, %cond3A_376 : i32
      scf.if %cond3A_377 {
        %sub3A_396 = arith.constant 2 : i32
        %sub3A_397 = arith.subi %add3A_368, %sub3A_396 : i32
        %dma_wait3A_398 = arith.constant 0 : i32
        %dma_wait3A_399 = tpu.memref_slice %arg4[%sub3A_397, %add3A_46, %dma_wait3A_398] : memref<50x64x4096xf32, #tpu.memory_space<hbm>> -> memref<1x1x4096xf32, #tpu.memory_space<hbm>>
        %dma_wait3A_400 = tpu.memref_squeeze %dma_wait3A_399 : memref<1x1x4096xf32, #tpu.memory_space<hbm>> -> memref<1x4096xf32, #tpu.memory_space<hbm>>
        %dma_wait3A_401 = arith.constant 0 : i32
        %dma_wait3A_402 = tpu.memref_slice %arg4[%sub3A_397, %add3A_46, %dma_wait3A_401] : memref<50x64x4096xf32, #tpu.memory_space<hbm>> -> memref<1x1x4096xf32, #tpu.memory_space<hbm>>
        %dma_wait3A_403 = tpu.memref_squeeze %dma_wait3A_402 : memref<1x1x4096xf32, #tpu.memory_space<hbm>> -> memref<1x4096xf32, #tpu.memory_space<hbm>>
        tpu.wait_dma2 semaphore(%arg15 : memref<!tpu.dma_semaphore, #tpu.memory_space<semaphore_mem>>) src(%arg12 : memref<1x4096xf32, #tpu.memory_space<vmem>>) dst(%dma_wait3A_403 : memref<1x4096xf32, #tpu.memory_space<hbm>>)
      } else {
      }
      %parallel_loop3A_378 = arith.constant 0 : i32
      %parallel_loop3A_379 = arith.constant 4096 : i32
      %parallel_loop3A_380 = arith.constant 16 : i32
      scf.for %parallel_loop3A_396 = %parallel_loop3A_378 to %parallel_loop3A_379 step %parallel_loop3A_380  : i32 {
        %parallel_loop3A_397 = arith.constant 0 : i32
        %parallel_loop3A_398 = arith.index_cast %parallel_loop3A_397 : i32 to index
        %parallel_loop3A_399 = arith.index_cast %parallel_loop3A_396 : i32 to index
        %parallel_loop3A_400 = tpu.vector_load %arg10[%parallel_loop3A_398, %parallel_loop3A_399] {strides = array<i32>} : memref<1x4096xi32, #tpu.memory_space<vmem>>, vector<16xi32>,
        %parallel_loop3A_401 = tpu.vector_load_idx %arg5[%broadcast_in_dim3A_1, %parallel_loop3A_400] : memref<1x100000xf32, #tpu.memory_space<vmem>>[vector<16xi32>, vector<16xi32>], vector<16xf32>,
        %parallel_loop3A_402 = arith.constant 0 : i32
        %parallel_loop3A_403 = arith.index_cast %parallel_loop3A_402 : i32 to index
        %parallel_loop3A_404 = arith.index_cast %parallel_loop3A_396 : i32 to index
        %parallel_loop3A_405 = tpu.vector_load %arg12[%parallel_loop3A_403, %parallel_loop3A_404] {strides = array<i32>} : memref<1x4096xf32, #tpu.memory_space<vmem>>, vector<16xf32>,
        tpu.vector_store %arg12[%parallel_loop3A_403, %parallel_loop3A_404], %parallel_loop3A_401 {strides = array<i32>} : memref<1x4096xf32, #tpu.memory_space<vmem>>, vector<16xf32>,
      } {sc.loop_unroll_factor = 8 : i64, sc.parallel_access}
      %dma_start3A_381 = arith.constant 0 : i32
      %dma_start3A_382 = tpu.memref_slice %arg4[%add3A_368, %add3A_46, %dma_start3A_381] : memref<50x64x4096xf32, #tpu.memory_space<hbm>> -> memref<1x1x4096xf32, #tpu.memory_space<hbm>>
      %dma_start3A_383 = tpu.memref_squeeze %dma_start3A_382 : memref<1x1x4096xf32, #tpu.memory_space<hbm>> -> memref<1x4096xf32, #tpu.memory_space<hbm>>
      %dma_start3A_384 = arith.constant 0 : i32
      %dma_start3A_385 = tpu.memref_slice %arg4[%add3A_368, %add3A_46, %dma_start3A_384] : memref<50x64x4096xf32, #tpu.memory_space<hbm>> -> memref<1x1x4096xf32, #tpu.memory_space<hbm>>
      %dma_start3A_386 = tpu.memref_squeeze %dma_start3A_385 : memref<1x1x4096xf32, #tpu.memory_space<hbm>> -> memref<1x4096xf32, #tpu.memory_space<hbm>>
      tpu.enqueue_dma source(%arg12 : memref<1x4096xf32, #tpu.memory_space<vmem>>) target(%dma_start3A_386 : memref<1x4096xf32, #tpu.memory_space<hbm>>) target_semaphore(%arg15 : memref<!tpu.dma_semaphore, #tpu.memory_space<semaphore_mem>>)
      %add3A_387 = arith.constant 5 : i32
      %add3A_388 = arith.addi %add3A_368, %add3A_387 : i32
      %sub3A_389 = arith.constant 1 : i32
      %sub3A_390 = arith.subi %add3A_388, %sub3A_389 : i32
      %lt3A_391 = arith.constant 50 : i32
      %lt3A_392 = arith.cmpi slt, %sub3A_390, %lt3A_391 : i32
      %convert_element_type3A_393 = arith.extui %lt3A_392 : i1 to i32
      %cond3A_394 = arith.constant 0 : i32
      %cond3A_395 = arith.cmpi ne, %convert_element_type3A_393, %cond3A_394 : i32
      scf.if %cond3A_395 {
        %add3A_396 = arith.constant 5 : i32
        %add3A_397 = arith.addi %add3A_368, %add3A_396 : i32
        %sub3A_398 = arith.constant 1 : i32
        %sub3A_399 = arith.subi %add3A_397, %sub3A_398 : i32
        %dma_start3A_400 = arith.constant 0 : i32
        %dma_start3A_401 = tpu.memref_slice %arg2[%sub3A_399, %dma_start3A_400] : memref<50x4096xi32, #tpu.memory_space<hbm>> -> memref<1x4096xi32, #tpu.memory_space<hbm>>
        %dma_start3A_402 = arith.constant 0 : i32
        %dma_start3A_403 = tpu.memref_slice %arg2[%sub3A_399, %dma_start3A_402] : memref<50x4096xi32, #tpu.memory_space<hbm>> -> memref<1x4096xi32, #tpu.memory_space<hbm>>
        tpu.enqueue_dma source(%dma_start3A_403 : memref<1x4096xi32, #tpu.memory_space<hbm>>) target(%arg9 : memref<1x4096xi32, #tpu.memory_space<vmem>>) target_semaphore(%arg13 : memref<!tpu.dma_semaphore, #tpu.memory_space<semaphore_mem>>)
      } else {
      }
    }
    %scan3A_76 = arith.constant 5 : i32
    %dma_wait3A_77 = arith.constant 48 : i32
    %dma_wait3A_78 = arith.constant 0 : i32
    %dma_wait3A_79 = tpu.memref_slice %arg4[%dma_wait3A_77, %add3A_46, %dma_wait3A_78] : memref<50x64x4096xf32, #tpu.memory_space<hbm>> -> memref<1x1x4096xf32, #tpu.memory_space<hbm>>
    %dma_wait3A_80 = tpu.memref_squeeze %dma_wait3A_79 : memref<1x1x4096xf32, #tpu.memory_space<hbm>> -> memref<1x4096xf32, #tpu.memory_space<hbm>>
    %dma_wait3A_81 = arith.constant 0 : i32
    %dma_wait3A_82 = tpu.memref_slice %arg4[%dma_wait3A_77, %add3A_46, %dma_wait3A_81] : memref<50x64x4096xf32, #tpu.memory_space<hbm>> -> memref<1x1x4096xf32, #tpu.memory_space<hbm>>
    %dma_wait3A_83 = tpu.memref_squeeze %dma_wait3A_82 : memref<1x1x4096xf32, #tpu.memory_space<hbm>> -> memref<1x4096xf32, #tpu.memory_space<hbm>>
    tpu.wait_dma2 semaphore(%arg14 : memref<!tpu.dma_semaphore, #tpu.memory_space<semaphore_mem>>) src(%arg11 : memref<1x4096xf32, #tpu.memory_space<vmem>>) dst(%dma_wait3A_83 : memref<1x4096xf32, #tpu.memory_space<hbm>>)
    %dma_wait3A_84 = arith.constant 49 : i32
    %dma_wait3A_85 = arith.constant 0 : i32
    %dma_wait3A_86 = tpu.memref_slice %arg4[%dma_wait3A_84, %add3A_46, %dma_wait3A_85] : memref<50x64x4096xf32, #tpu.memory_space<hbm>> -> memref<1x1x4096xf32, #tpu.memory_space<hbm>>
    %dma_wait3A_87 = tpu.memref_squeeze %dma_wait3A_86 : memref<1x1x4096xf32, #tpu.memory_space<hbm>> -> memref<1x4096xf32, #tpu.memory_space<hbm>>
    %dma_wait3A_88 = arith.constant 0 : i32
    %dma_wait3A_89 = tpu.memref_slice %arg4[%dma_wait3A_84, %add3A_46, %dma_wait3A_88] : memref<50x64x4096xf32, #tpu.memory_space<hbm>> -> memref<1x1x4096xf32, #tpu.memory_space<hbm>>
    %dma_wait3A_90 = tpu.memref_squeeze %dma_wait3A_89 : memref<1x1x4096xf32, #tpu.memory_space<hbm>> -> memref<1x4096xf32, #tpu.memory_space<hbm>>
    tpu.wait_dma2 semaphore(%arg15 : memref<!tpu.dma_semaphore, #tpu.memory_space<semaphore_mem>>) src(%arg12 : memref<1x4096xf32, #tpu.memory_space<vmem>>) dst(%dma_wait3A_90 : memref<1x4096xf32, #tpu.memory_space<hbm>>)
    return
  }
}

</mosaic_0001>

<sc_bundles>
// kernel: _sc_lookup.3.cloned.1.call-start
scs
__scs_entry_jumppad:
0x0: {  	(pc) =	sbr.rel $0x88, $3  }
0x1: {  	(tag) =	ssettag $0x0;
	lr =	simm.s32 $0x1  }
0x2: {  	[smem:$0x3F9F] =	sst lr;
	_ =	strace $0xD0000000  }
0x3: {  	_ = 	snop  }
0x4: {  	_ = 	snop  }
0x5: {  	_ = 	snop  }
0x6: {  	_ = 	snop  }
0x7: {  	_ = 	snop  }
__scs_overlays_trampoline_lowered:
0x8: {  	[smem:$0x3FAE] =	sst s0  }
0x9: {  	[smem:$0x3FAF] =	sst s1  }
0xa: {  	[smem:$0x3FB0] =	sst s2  }
0xb: {  	[smem:$0x3FB1] =	sst s3  }
0xc: {  	[smem:$0x3FB2] =	sst s4  }
0xd: {  	[smem:$0x3FB3] =	sst s5  }
0xe: {  	[smem:$0x3FB4] =	sst s6  }
0xf: {  	[smem:$0x3FB5] =	sst s7  }
0x10: {  	[smem:$0x3FB6] =	sst s8  }
0x11: {  	[smem:$0x3FB7] =	sst s9;
	s0 =	simm.s32 @!p0 $0x0  }
0x12: {  	s1 =	sld [smem:$0x3F9D];
	s0 =	simm.s32 @p0 $0x1  }
0x13: {  	[smem:$0x3FB8] =	sst s0;
	s0 =	simm.s32 @!p1 $0x0  }
0x14: {  	s2 =	sld [smem:$0x3F9C];
	s0 =	simm.s32 @p1 $0x1  }
0x15: {  	[smem:$0x3FB9] =	sst s0;
	s0 =	simm.s32 @!p2 $0x0  }
0x16: {  	s3 =	sld [smem:$0x3FDB];
	s0 =	simm.s32 @p2 $0x1  }
0x17: {  	s4 =	simm.s32 $0x1BF5;
	[smem:$0x3FBB] =	sst s0  }
0x18: {  	s0 =	sld [smem:$0x3F9E];
	_ =	swait.ge [sflag:s4], $0x0  }
0x19: {  	s7 =	sld [smem:$0x3F9F]  }
0x1a: {  	s8 =	sadd.s32 $0xFFFFE003, lr  }
0x1b: {  	s9 =	sadd.s32 $0xFFFFFEF7, lr;
	s5 =	simm.s32 $0xFFFFFFFF;
	p2 =	slt.u32 s8, $0xFFFFF086  }
0x1c: {  	p1 =	slt.u32 s9, $0xF7A;
	s5 =	simm.s32 @!p2 $0x0  }
0x1d: {  	s5 =	simm.s32 @p1 $0x1;
	p0 =	seq.s32 s7, s2  }
0x1e: {  	s7 =	smul.u32 @!p0 $0xF7A, s2;
	p2 =	seq.s32 @!p0 s5, $0x0  }
0x1f: {  	s9 =	smul.u32 $0xF7A, s1;
	s8 =	simm.s32 @!p0 $0x1BF5;
	p2 =	por !p2, p0  }
0x20: {  	[sflag:s8] =	ssyncset.s32 @!p0 $0xFFFFF086;
	s6 =	sadd.s32 @!p0 s3, s7;
	s7 =	simm.s32 @!p0 $0x108  }
0x21: {  	s3 =	sadd.s32 s3, s9;
	s6 =	sadd.s32 @!p0 $0x88, s6;
	s7 =	simm.s32 @p2 $0x1082  }
0x22: {  	[simem:s7], [sflag:s8] =	dma.local @!p0 [hbm:s6], $0xF7A  }
0x23: {  	s9 =	sor.u32 $0xD0000000, s2;
	s6 =	simm.s32 $0x108;
	_ =	swait.ge @!p0 [sflag:s8], $0x0  }
0x24: {  	s3 =	sadd.s32 $0x88, s3;
	s6 =	simm.s32 @!p1 $0x1082;
	[sflag:s4] =	ssyncset.s32 $0xFFFFF086  }
0x25: {  	[simem:s6], [sflag:s4] =	dma.local [hbm:s3], $0xF7A  }
0x26: {  	[smem:$0x3F9F] =	sst s1;
	(tag) =	ssettag s2;
	_ =	strace s9  }
0x27: {  	s1 =	sld [smem:$0x3FAF]  }
0x28: {  	s2 =	sld [smem:$0x3FB0]  }
0x29: {  	s4 =	sld [smem:$0x3FB2]  }
0x2a: {  	p0 =	seq.s32 s5, $0x0;
	s5 =	sld [smem:$0x3FB3]  }
0x2b: {  	s6 =	sld [smem:$0x3FB4]  }
0x2c: {  	s7 =	sld [smem:$0x3FB5]  }
0x2d: {  	s3 =	simm.s32 $0x108;
	s8 =	sld [smem:$0x3FB6]  }
0x2e: {  	s3 =	simm.s32 @!p0 $0x1082;
	s9 =	sld [smem:$0x3FB7]  }
0x2f: {  	lr =	sadd.s32 s0, s3;
	s0 =	sld [smem:$0x3FAE]  }
0x30: {  	s3 =	sld [smem:$0x3FB1]  }
0x31: {  	[smem:$0x3FBA] =	sst s10  }
0x32: {  	s10 =	sld [smem:$0x3FB8];
	_ =	sdelay $0x3  }
0x33: {  	p0 =	seq.s32 s10, $0x1;
	s10 =	sld [smem:$0x3FBA];
	_ =	sdelay $0x3  }
0x34: {  	[smem:$0x3FBA] =	sst s10  }
0x35: {  	s10 =	sld [smem:$0x3FB9];
	_ =	sdelay $0x3  }
0x36: {  	p1 =	seq.s32 s10, $0x1;
	s10 =	sld [smem:$0x3FBA];
	_ =	sdelay $0x3  }
0x37: {  	[smem:$0x3FBA] =	sst s10  }
0x38: {  	s10 =	sld [smem:$0x3FBB]  }
0x39: {  	_ = 	snop;
	(pc) =	sbr.ind lr, $3  }
0x3a: {  	_ = 	snop  }
0x3b: {  	_ = 	snop  }
0x3c: {  	p2 =	seq.s32 s10, $0x1;
	s10 =	sld [smem:$0x3FBA]  }
0x3d: {  	_ =	shalt  }
0x3e: {  	_ =	shalt  }
0x3f: {  	_ =	shalt  }
0x40: {  	_ =	shalt  }
0x41: {  	_ =	shalt  }
0x42: {  	_ =	shalt  }
0x43: {  	_ =	shalt  }
0x44: {  	_ =	shalt  }
0x45: {  	_ =	shalt  }
0x46: {  	_ =	shalt  }
0x47: {  	_ =	shalt  }
0x48: {  	_ =	shalt  }
0x49: {  	_ =	shalt  }
0x4a: {  	_ =	shalt  }
0x4b: {  	_ =	shalt  }
0x4c: {  	_ =	shalt  }
0x4d: {  	_ =	shalt  }
0x4e: {  	_ =	shalt  }
0x4f: {  	_ =	shalt  }
0x50: {  	_ =	shalt  }
0x51: {  	_ =	shalt  }
0x52: {  	_ =	shalt  }
0x53: {  	_ =	shalt  }
0x54: {  	_ =	shalt  }
0x55: {  	_ =	shalt  }
0x56: {  	_ =	shalt  }
0x57: {  	_ =	shalt  }
0x58: {  	_ =	shalt  }
0x59: {  	_ =	shalt  }
0x5a: {  	_ =	shalt  }
0x5b: {  	_ =	shalt  }
0x5c: {  	_ =	shalt  }
0x5d: {  	_ =	shalt  }
0x5e: {  	_ =	shalt  }
0x5f: {  	_ =	shalt  }
0x60: {  	_ =	shalt  }
0x61: {  	_ =	shalt  }
0x62: {  	_ =	shalt  }
0x63: {  	_ =	shalt  }
0x64: {  	_ =	shalt  }
0x65: {  	_ =	shalt  }
0x66: {  	_ =	shalt  }
0x67: {  	_ =	shalt  }
0x68: {  	_ =	shalt  }
0x69: {  	_ =	shalt  }
0x6a: {  	_ =	shalt  }
0x6b: {  	_ =	shalt  }
0x6c: {  	_ =	shalt  }
0x6d: {  	_ =	shalt  }
0x6e: {  	_ =	shalt  }
0x6f: {  	_ =	shalt  }
0x70: {  	_ =	shalt  }
0x71: {  	_ =	shalt  }
0x72: {  	_ =	shalt  }
0x73: {  	_ =	shalt  }
0x74: {  	_ =	shalt  }
0x75: {  	_ =	shalt  }
0x76: {  	_ =	shalt  }
0x77: {  	_ =	shalt  }
0x78: {  	_ =	shalt  }
0x79: {  	_ =	shalt  }
0x7a: {  	_ =	shalt  }
0x7b: {  	_ =	shalt  }
0x7c: {  	_ =	shalt  }
0x7d: {  	_ =	shalt  }
0x7e: {  	_ =	shalt  }
0x7f: {  	_ =	shalt  }
0x80: {  	_ =	shalt  }
0x81: {  	_ =	shalt  }
0x82: {  	_ =	shalt  }
0x83: {  	_ =	shalt  }
0x84: {  	_ =	shalt  }
0x85: {  	_ =	shalt  }
0x86: {  	_ =	shalt  }
0x87: {  	_ =	shalt  }
.Lfunc_end0:
.L_simem_size_0:
called_computation_lowered:
.L_overlay_start_0:
0x88: {  	s2 =	sld [smem:$0x3FD9]  }
0x89: {  	s3 =	sld [smem:$0x3FFE];
	_ =	sdelay $0x1  }
0x8a: {  	s1 =	srdreg.scid  }
0x8b: {  	s0 =	sand.u32 $0x1, s1  }
0x8c: {  	s18 =	sshll.u32 s0, $0xA;
	s2 =	sadd.s32 s3, s2  }
0x8d: {  	s2 =	sadd.s32 s2, s18  }
0x8e: {  	[smem:$0x3FC6] =	sst s2  }
0x8f: {  	_ = 	snop  }
0x90: {  	s2 =	sld [smem:$0x3FC9]  }
0x91: {  	s19 =	sld [smem:$0x3FC8]  }
0x92: {  	s4 =	sld [smem:$0x3FD0];
	(tm) =	ssettm $0x1  }
0x93: {  	s5 =	sld [smem:$0x3FFB];
	_ =	sdelay $0x3  }
0x94: {  	_ =	strace s5  }
0x95: {  	s5 =	sld [smem:$0x3FFC];
	_ =	sdelay $0x3  }
0x96: {  	_ =	strace s5  }
0x97: {  	s5 =	sld [smem:$0x3FFD];
	_ =	sdelay $0x3  }
0x98: {  	_ =	strace s5  }
0x99: {  	_ =	strace $0x8FFFFFFF  }
0x9a: {  	s20 =	sld [smem:$0x3FDB];
	_ =	sdelay $0x1  }
0x9b: {  	s6 =	simm.s32 $_scs_section_size  }
0x9c: {  	s7 =	simm.s32 $_size__tile_overlayer_lowered;
	s8 =	simm.s32 $_tile_overlayer_lowered  }
0x9d: {  	s23 =	simm.s32 $0x1BFF;
	s22 =	sshll.u32 s8, $0x1;
	s5 =	sadd.s32 s6, s20  }
0x9e: {  	s9 =	simm.s32 $0x0;
	s21 =	sshll.u32 s7, $0x1;
	s7 =	sadd.s32 s22, s5  }
0x9f: {  	[timem:s9], [sflag:s23] =	dma.local [hbm:s7], s21  }
0xa0: {  	_ =	swait.ge [sflag:s23], s21  }
0xa1: {  	s6 =	ssub.s32 $0x0, s21;
	[sflag:s23] =	ssyncset.done $0x0  }
0xa2: {  	[sflag:s23] =	ssyncadd.s32 s6;
	_ =	sdelay $0x1  }
0xa3: {  	s24 =	simm.s32 $0x1B8B  }
0xa4: {  	_ =	swait.ge [sflag:s24], $0x1  }
0xa5: {  	[sflag:s24] =	ssyncset.done $0x0  }
0xa6: {  	s25 =	simm.s32 $0x1B8E;
	[sflag:s24] =	ssyncadd.s32 $0xFFFFFFFF  }
0xa7: {  	s26 =	simm.s32 $execute0_lowered;
	[smem:$0x3FD2] =	sst s25  }
0xa8: {  	s6 =	sshll.u32 s26, $0x1;
	_ =	strace $0x80000046;
	[dreg:$0x1] =	wrdreg $0xFFFFFFFF  }
0xa9: {  	s28 =	simm.s32 $_size_execute0_lowered;
	s5 =	sadd.s32 s5, s6;
	[dreg:$0x0] =	wrdreg $0x0  }
0xaa: {  	s6 =	sshll.u32 s28, $0x1;
	[dreg:$0x2] =	wrdreg s5  }
0xab: {  	[dreg:$0x3] =	wrdreg s6  }
0xac: {  	[dreg:$0x4] =	wrdreg $0xC0  }
0xad: {  	_ =	task [dreg:s9], $0x5FFFF  }
0xae: {  	[dreg:$0x1] =	wrdreg $0xFFFFFFFF  }
0xaf: {  	[dreg:$0x0] =	wrdreg $0x60  }
0xb0: {  	[dreg:$0x2] =	wrdreg s2  }
0xb1: {  	[dreg:$0x3] =	wrdreg s19  }
0xb2: {  	[dreg:$0x4] =	wrdreg s4  }
0xb3: {  	[dreg:$0x5] =	wrdreg $0x9  }
0xb4: {  	_ =	task.clear_ibuf [dreg:s9], $0x6FFFF;
	_ =	strace $0x90000046  }
0xb5: {  	s29 =	simm.s32 $0x9;
	_ =	strace $0x80000048  }
0xb6: {  	_ =	swait.ge [sflag:s29], $0x1  }
0xb7: {  	[sflag:s29] =	ssyncadd.s32 $0xFFFFFFFF  }
0xb8: {  	_ =	strace $0x90000048  }
0xb9: {  	_ =	sfence  }
0xba: {  	s30 =	sld [smem:$0x0];
	_ =	sdelay $0x2  }
0xbb: {  	s31 =	sshll.u32 s1, $0xD;
	s1 =	sshrl.u32 s1, $0x2  }
0xbc: {  	s3 =	sand.u32 $0x4000, s31;
	s1 =	sadd.s32 s1, s30  }
0xbd: {  	s0 =	sor.u32 s3, s0;
	s1 =	sshll.u32 s1, $0x11  }
0xbe: {  	s0 =	sor.u32 s1, s0  }
0xbf: {  	s0 =	sadd.s32 $0x8F2B, s0  }
0xc0: {  	[sflag:s0] =	ssyncadd.remote.s32 $0x1  }
0xc1: {  	_ =	sfence.sel $0xFFFF  }
0xc2: {  	[dreg:$0x0] =	wrdreg $0xFFFFFFFF;
	(pc) =	sbr.abs _section_cstart, $3  }
0xc3: {  	[dreg:$0x1] =	wrdreg $0xFFFFFFFF  }
0xc4: {  	_ =	task.clear_ibuf [dreg:s9], $0x2FFFF;
	_ =	strace $0x9FFFFFFF  }
0xc5: {  	(tm) =	ssettm $0x7FFFFFFF  }
tec
execute0_lowered:
.L_overlay_start_1:
0x0: {  	(tag) =	ssettag $0x1  }
0x1: {  	s1 =	rddreg [dreg:$0x0]  }
0x2: {  	s0 =	rddreg [dreg:$0x1]  }
0x3: {  	s3 =	rddreg [dreg:$0x2]  }
0x4: {  	s2 =	srdreg.scid;
	s4 =	stileid.u32  }
0x5: {  	s18 =	simm.s32 $0x80;
	s28 =	simm.s32 $0x1C700;
	s29 =	simm.s32 $0x1E700  }
0x6: {  	s30 =	simm.s32 $0x2;
	s31 =	simm.s32 $0x3;
	s2 =	sand.u32 $0x1, s2  }
0x7: {  	s5 =	sshrl.u32 s4, $0x2;
	s4 =	sshll.u32 s4, $0x8;
	s21 =	sadd.s32 $0x10, s1  }
0x8: {  	s23 =	sadd.s32 $0x20, s1;
	s9 =	sadd.s32 $0x30, s1;
	s10 =	sadd.s32 $0x8000, s3  }
0x9: {  	s6 =	sshll.u32 s2, $0x7;
	s7 =	sand.u32 $0x300, s4;
	s8 =	smul.u32 $0xC3800, s5  }
0xa: {  	s4 =	simm.s32 $0x0;
	s2 =	ssub.s32 $0x2, s2;
	s22 =	sor.u32 $0x4, s5  }
0xb: {  	s5 =	sshll.u32 s5, $0xF;
	s6 =	sor.u32 s6, s7;
	[smem:$0x7FF] =	sst s4  }
0xc: {  	s19 =	sshrl.u32 s2, $0x1;
	_ =	strace $0x80000047;
	[dreg:$0x5] =	wrdreg s21  }
0xd: {  	s24 =	smul.u32 $0xC3800, s22;
	s8 =	sor.u32 s8, s6;
	[dreg:$0x6] =	wrdreg s23  }
0xe: {  	s2 =	ssub.s32 s2, s19;
	[dreg:$0x7] =	wrdreg s9;
	s9 =	sor.u32 s5, s6  }
0xf: {  	s19 =	simm.s32 $0x400;
	s21 =	simm.s32 $0x18700;
	s23 =	simm.s32 $0x1A700  }
0x10: {  	s20 =	sshrl.u32 s8, $0x3;
	s11 =	sor.u32 $0x80000, s9;
	s25 =	sor.u32 s6, s24  }
0x11: {  	s12 =	sor.u32 $0xC0000, s9;
	s26 =	smax.u32 s2, $0x1;
	s24 =	simm.s32 $0x1B700  }
.Ltmp0:
0x12: {  	s2 =	simm.s32 $0x0;
	s7 =	sadd.s32 s0, s20;
	(pc) =	sbr.rel .LBB2_1-.Ltmp0, $4  }
0x13: {  	s5 =	sshrl.u32 s25, $0x3;
	[dreg:$0x9] =	wrdreg s26;
	s25 =	simm.s32 $0x1  }
0x14: {  	s26 =	simm.s32 $0x1D700;
	[dreg:$0x4] =	wrdreg s7;
	s7 =	sshll.u32 s22, $0xF  }
0x15: {  	s0 =	sadd.s32 s0, s5;
	s22 =	simm.s32 $0x19700;
	s13 =	sor.u32 s7, s6  }
0x16: {  	[dreg:$0x8] =	wrdreg s0;
	s15 =	sor.u32 $0x80000, s13;
	s16 =	sor.u32 $0xC0000, s13  }
.LBB2_47:
0x17: {  	_ =	swait.ge [sflag:s30], $0x1000  }
0x18: {  	[sflag:s30] =	ssyncset.done $0x0  }
0x19: {  	[sflag:s30] =	ssyncadd.s32 $0xFFFFF000  }
0x1a: {  	_ =	swait.ge [sflag:s31], $0x1000  }
0x1b: {  	s2 =	rddreg [dreg:$0xa]  }
0x1c: {  	s0 =	rddreg [dreg:$0x9];
	s2 =	sadd.s32 $0x1, s2  }
0x1d: {  	p0 =	sne.s32 s2, s0  }
.Ltmp1:
0x1e: {  	_ = 	snop;
	(pc) =	sbr.rel @!p0 .LBB2_48-.Ltmp1, $3  }
0x1f: {  	_ =	sdelay $0x1  }
0x20: {  	[sflag:s31] =	ssyncset.done $0x0  }
0x21: {  	[sflag:s31] =	ssyncadd.s32 $0xFFFFF000  }
.LBB2_1:
0x22: {  	[dreg:$0xa] =	wrdreg s2  }
0x23: {  	s0 =	rddreg [dreg:$0x4];
	s8 =	simm.s32 $0x4  }
0x24: {  	[tilespmem:s4], [sflag:$0x4] =	stream.strided.gather [hbm4b:s0+s18], $0x18700, s19, s18, $0x38;
	[tilespmem:$0x1F700] =	vst v63  }
0x25: {  	_ =	swait.ge [sflag:s8], $0x18700  }
0x26: {  	[sflag:s8] =	ssyncset.done $0x0  }
0x27: {  	[sflag:s8] =	ssyncadd.s32 $0xFFFE7900  }
0x28: {  	[tilespmem:s21], [sflag:$0x1] =	stream.strided.gather [hbm4b:s1+s18], $0x1000, s19, s18, $0x38;
	[tilespmem:$0x1F700] =	vst v63  }
0x29: {  	s14 =	rddreg [dreg:$0x5]  }
0x2a: {  	[tilespmem:s22], [sflag:$0x1] =	stream.strided.gather [hbm4b:s14+s18], $0x1000, s19, s18, $0x38;
	[tilespmem:$0x1F700] =	vst v63  }
0x2b: {  	s17 =	rddreg [dreg:$0x6]  }
0x2c: {  	[tilespmem:s23], [sflag:$0x1] =	stream.strided.gather [hbm4b:s17+s18], $0x1000, s19, s18, $0x38;
	[tilespmem:$0x1F700] =	vst v63  }
0x2d: {  	s2 =	simm.s32 $0x0;
	s20 =	rddreg [dreg:$0x7]  }
0x2e: {  	[tilespmem:s24], [sflag:$0x1] =	stream.strided.gather [hbm4b:s20+s18], $0x1000, s19, s18, $0x38;
	[tilespmem:$0x1F700] =	vst v63  }
.LBB2_2:
0x2f: {  	_ =	swait.ge [sflag:s25], $0x1000  }
0x30: {  	p0 =	seq.s32 s2, $0x0;
	[sflag:s25] =	ssyncset.done $0x0  }
0x31: {  	s0 =	simm.s32 @!p0 $0x2;
	[sflag:s25] =	ssyncadd.s32 $0xFFFFF000  }
0x32: {  	_ =	swait.ge @!p0 [sflag:s0], $0x1000  }
0x33: {  	[sflag:s0] =	ssyncset.done @!p0 $0x0  }
0x34: {  	s20 =	simm.s32 $0x18740;
	[sflag:s0] =	ssyncadd.s32 @!p0 $0xFFFFF000  }
0x35: {  	v0 =	vld [tilespmem:s20+$0x30]  }
0x36: {  	v1 =	vld [tilespmem:s20+$0xFFFFFFD0]  }
0x37: {  	v2 =	vld [tilespmem:s20+$0xFFFFFFE0]  }
0x38: {  	v3 =	vld [tilespmem:s20+$0xFFFFFFF0]  }
0x39: {  	v6 =	vld [tilespmem:s20+$0x0]  }
0x3a: {  	v7 =	vld [tilespmem:s20+$0x10]  }
0x3b: {  	v8 =	vld [tilespmem:s20+$0x20]  }
0x3c: {  	v9 =	vld [tilespmem:s20+$0xFFFFFFC0]  }
0x3d: {  	v10 =	vld.idx.msk [tilespmem:v0+s4+$0x0], $0xffff  }
0x3e: {  	v11 =	vld.idx.msk [tilespmem:v1+s4+$0x0], $0xffff  }
0x3f: {  	v5 =	vld.idx.msk [tilespmem:v2+s4+$0x0], $0xffff  }
0x40: {  	v4 =	vld.idx.msk [tilespmem:v3+s4+$0x0], $0xffff  }
0x41: {  	v1 =	vld.idx.msk [tilespmem:v6+s4+$0x0], $0xffff  }
0x42: {  	s14 =	simm.s32 $0x1D740;
	v2 =	vld.idx.msk [tilespmem:v7+s4+$0x0], $0xffff  }
0x43: {  	v0 =	vld.idx.msk [tilespmem:v8+s4+$0x0], $0xffff;
	[tilespmem:s14+$0x30] =	vst v10  }
0x44: {  	s5 =	smul.u32 $0xA, s2;
	s6 =	simm.s32 $0x0;
	s7 =	simm.s32 $0x187C0;
	v3 =	vld.idx.msk [tilespmem:v9+s4+$0x0], $0xffff;
	[tilespmem:s14+$0xFFFFFFD0] =	vst v11  }
.LBB2_3:
0x45: {  	v6 =	vld [tilespmem:s7+$0x30];
	s6 =	sadd.s32 $0x80, s6;
	[tilespmem:s14+$0xFFFFFFE0] =	vst v5  }
0x46: {  	v5 =	vld [tilespmem:s7+$0xFFFFFFD0];
	p1 =	slt.u32 s6, $0xF80;
	[tilespmem:s14+$0xFFFFFFF0] =	vst v4  }
0x47: {  	v4 =	vld [tilespmem:s7+$0xFFFFFFE0];
	[tilespmem:s14+$0x0] =	vst v1  }
0x48: {  	v1 =	vld [tilespmem:s7+$0xFFFFFFF0];
	[tilespmem:s14+$0x10] =	vst v2  }
0x49: {  	v2 =	vld [tilespmem:s7+$0x0];
	[tilespmem:s14+$0x20] =	vst v0  }
0x4a: {  	v0 =	vld [tilespmem:s7+$0x10];
	[tilespmem:s14+$0xFFFFFFC0] =	vst v3  }
0x4b: {  	v3 =	vld [tilespmem:s7+$0x20]  }
0x4c: {  	v7 =	vld [tilespmem:s7+$0xFFFFFFC0]  }
0x4d: {  	v6 =	vld.idx.msk [tilespmem:v6+s4+$0x0], $0xffff  }
0x4e: {  	v8 =	vld.idx.msk [tilespmem:v5+s4+$0x0], $0xffff  }
0x4f: {  	v5 =	vld.idx.msk [tilespmem:v4+s4+$0x0], $0xffff  }
.Ltmp2:
0x50: {  	v4 =	vld.idx.msk [tilespmem:v1+s4+$0x0], $0xffff;
	(pc) =	sbr.rel @p1 .LBB2_3-.Ltmp2, $4  }
0x51: {  	v1 =	vld.idx.msk [tilespmem:v2+s4+$0x0], $0xffff  }
0x52: {  	s14 =	sadd.s32 $0x80, s14;
	v2 =	vld.idx.msk [tilespmem:v0+s4+$0x0], $0xffff  }
0x53: {  	v0 =	vld.idx.msk [tilespmem:v3+s4+$0x0], $0xffff;
	[tilespmem:s14+$0x30] =	vst v6  }
0x54: {  	s7 =	sadd.s32 $0x80, s7;
	v3 =	vld.idx.msk [tilespmem:v7+s4+$0x0], $0xffff;
	[tilespmem:s14+$0xFFFFFFD0] =	vst v8  }
0x55: {  	[tilespmem:s14+$0xFFFFFFE0] =	vst v5  }
0x56: {  	[tilespmem:s14+$0xFFFFFFF0] =	vst v4;
	s6 =	smul.u32 $0x280000, s2  }
0x57: {  	[tilespmem:s14+$0x0] =	vst v1  }
0x58: {  	[tilespmem:s14+$0x10] =	vst v2;
	s0 =	sor.u32 s6, s9  }
0x59: {  	s17 =	sadd.s32 $0x4, s5;
	[tilespmem:s14+$0x20] =	vst v0;
	s7 =	sshrl.u32 s0, $0x3  }
0x5a: {  	[tilespmem:s14+$0xFFFFFFC0] =	vst v3;
	s0 =	sadd.s32 s3, s7;
	s14 =	sshll.u32 s17, $0x4  }
0x5b: {  	[hbm4b:s0+s18] =	stream.strided.scatter [tilespmem:s26], [sflag:$0x2], $0x1000, s19, s18, $0x38;
	[tilespmem:$0x1F700] =	vst v63  }
0x5c: {  	s8 =	sshll.u32 s17, $0x9;
	s0 =	sand.u32 $0x60, s14  }
0x5d: {  	s8 =	sand.u32 $0x1F000, s8;
	s0 =	sadd.s32 s1, s0  }
0x5e: {  	s0 =	sadd.s32 s8, s0  }
0x5f: {  	[tilespmem:s28], [sflag:$0x1] =	stream.strided.gather [hbm4b:s0+s18], $0x1000, s19, s18, $0x38;
	[tilespmem:$0x1F700] =	vst v63  }
0x60: {  	_ =	swait.ge [sflag:s25], $0x1000  }
0x61: {  	[sflag:s25] =	ssyncset.done $0x0  }
0x62: {  	s0 =	simm.s32 @!p0 $0x3;
	[sflag:s25] =	ssyncadd.s32 $0xFFFFF000  }
0x63: {  	_ =	swait.ge @!p0 [sflag:s0], $0x1000  }
0x64: {  	[sflag:s0] =	ssyncset.done @!p0 $0x0  }
0x65: {  	s20 =	simm.s32 $0x19740;
	[sflag:s0] =	ssyncadd.s32 @!p0 $0xFFFFF000  }
0x66: {  	v0 =	vld [tilespmem:s20+$0x30]  }
0x67: {  	v1 =	vld [tilespmem:s20+$0xFFFFFFD0]  }
0x68: {  	v2 =	vld [tilespmem:s20+$0xFFFFFFE0]  }
0x69: {  	v3 =	vld [tilespmem:s20+$0xFFFFFFF0]  }
0x6a: {  	v4 =	vld [tilespmem:s20+$0x0]  }
0x6b: {  	v6 =	vld [tilespmem:s20+$0x10]  }
0x6c: {  	v7 =	vld [tilespmem:s20+$0x20]  }
0x6d: {  	v8 =	vld [tilespmem:s20+$0xFFFFFFC0]  }
0x6e: {  	v9 =	vld.idx.msk [tilespmem:v0+s4+$0x0], $0xffff  }
0x6f: {  	v10 =	vld.idx.msk [tilespmem:v1+s4+$0x0], $0xffff  }
0x70: {  	v5 =	vld.idx.msk [tilespmem:v2+s4+$0x0], $0xffff  }
0x71: {  	v3 =	vld.idx.msk [tilespmem:v3+s4+$0x0], $0xffff  }
0x72: {  	v0 =	vld.idx.msk [tilespmem:v4+s4+$0x0], $0xffff  }
0x73: {  	s8 =	simm.s32 $0x1E740;
	v1 =	vld.idx.msk [tilespmem:v6+s4+$0x0], $0xffff  }
0x74: {  	v2 =	vld.idx.msk [tilespmem:v7+s4+$0x0], $0xffff;
	[tilespmem:s8+$0x30] =	vst v9  }
0x75: {  	s14 =	simm.s32 $0x0;
	s20 =	simm.s32 $0x197C0;
	v4 =	vld.idx.msk [tilespmem:v8+s4+$0x0], $0xffff;
	[tilespmem:s8+$0xFFFFFFD0] =	vst v10  }
.LBB2_5:
0x76: {  	v6 =	vld [tilespmem:s20+$0x30];
	s14 =	sadd.s32 $0x80, s14;
	[tilespmem:s8+$0xFFFFFFE0] =	vst v5  }
0x77: {  	v5 =	vld [tilespmem:s20+$0xFFFFFFD0];
	p0 =	slt.u32 s14, $0xF80;
	[tilespmem:s8+$0xFFFFFFF0] =	vst v3  }
0x78: {  	v3 =	vld [tilespmem:s20+$0xFFFFFFE0];
	[tilespmem:s8+$0x0] =	vst v0  }
0x79: {  	v0 =	vld [tilespmem:s20+$0xFFFFFFF0];
	[tilespmem:s8+$0x10] =	vst v1  }
0x7a: {  	v1 =	vld [tilespmem:s20+$0x0];
	[tilespmem:s8+$0x20] =	vst v2  }
0x7b: {  	v2 =	vld [tilespmem:s20+$0x10];
	[tilespmem:s8+$0xFFFFFFC0] =	vst v4  }
0x7c: {  	v4 =	vld [tilespmem:s20+$0x20]  }
0x7d: {  	v7 =	vld [tilespmem:s20+$0xFFFFFFC0]  }
0x7e: {  	v6 =	vld.idx.msk [tilespmem:v6+s4+$0x0], $0xffff  }
0x7f: {  	v8 =	vld.idx.msk [tilespmem:v5+s4+$0x0], $0xffff  }
0x80: {  	v5 =	vld.idx.msk [tilespmem:v3+s4+$0x0], $0xffff  }
.Ltmp3:
0x81: {  	v3 =	vld.idx.msk [tilespmem:v0+s4+$0x0], $0xffff;
	(pc) =	sbr.rel @p0 .LBB2_5-.Ltmp3, $4  }
0x82: {  	v0 =	vld.idx.msk [tilespmem:v1+s4+$0x0], $0xffff  }
0x83: {  	s8 =	sadd.s32 $0x80, s8;
	v1 =	vld.idx.msk [tilespmem:v2+s4+$0x0], $0xffff  }
0x84: {  	v2 =	vld.idx.msk [tilespmem:v4+s4+$0x0], $0xffff;
	[tilespmem:s8+$0x30] =	vst v6  }
0x85: {  	s20 =	sadd.s32 $0x80, s20;
	v4 =	vld.idx.msk [tilespmem:v7+s4+$0x0], $0xffff;
	[tilespmem:s8+$0xFFFFFFD0] =	vst v8  }
0x86: {  	[tilespmem:s8+$0xFFFFFFE0] =	vst v5  }
0x87: {  	[tilespmem:s8+$0xFFFFFFF0] =	vst v3  }
0x88: {  	[tilespmem:s8+$0x0] =	vst v0  }
0x89: {  	[tilespmem:s8+$0x10] =	vst v1  }
0x8a: {  	s14 =	sadd.s32 $0x5, s5;
	[tilespmem:s8+$0x20] =	vst v2  }
0x8b: {  	s0 =	sadd.s32 s7, s10;
	s7 =	sshll.u32 s14, $0x4;
	[tilespmem:s8+$0xFFFFFFC0] =	vst v4  }
0x8c: {  	[hbm4b:s0+s18] =	stream.strided.scatter [tilespmem:s29], [sflag:$0x3], $0x1000, s19, s18, $0x38;
	[tilespmem:$0x1F700] =	vst v63  }
0x8d: {  	s8 =	sshll.u32 s14, $0x9;
	s0 =	sand.u32 $0x70, s7  }
0x8e: {  	s7 =	sand.u32 $0x1F000, s8;
	s0 =	sadd.s32 s1, s0  }
0x8f: {  	s0 =	sadd.s32 s7, s0  }
0x90: {  	[tilespmem:s21], [sflag:$0x1] =	stream.strided.gather [hbm4b:s0+s18], $0x1000, s19, s18, $0x38;
	[tilespmem:$0x1F700] =	vst v63  }
0x91: {  	_ =	swait.ge [sflag:s25], $0x1000  }
0x92: {  	[sflag:s25] =	ssyncset.done $0x0  }
0x93: {  	[sflag:s25] =	ssyncadd.s32 $0xFFFFF000  }
0x94: {  	_ =	swait.ge [sflag:s30], $0x1000  }
0x95: {  	[sflag:s30] =	ssyncset.done $0x0  }
0x96: {  	s20 =	simm.s32 $0x1A740;
	[sflag:s30] =	ssyncadd.s32 $0xFFFFF000  }
0x97: {  	v0 =	vld [tilespmem:s20+$0x30]  }
0x98: {  	v1 =	vld [tilespmem:s20+$0xFFFFFFD0]  }
0x99: {  	v2 =	vld [tilespmem:s20+$0xFFFFFFE0]  }
0x9a: {  	v3 =	vld [tilespmem:s20+$0xFFFFFFF0]  }
0x9b: {  	v6 =	vld [tilespmem:s20+$0x0]  }
0x9c: {  	v7 =	vld [tilespmem:s20+$0x10]  }
0x9d: {  	v8 =	vld [tilespmem:s20+$0x20]  }
0x9e: {  	v9 =	vld [tilespmem:s20+$0xFFFFFFC0]  }
0x9f: {  	v10 =	vld.idx.msk [tilespmem:v0+s4+$0x0], $0xffff  }
0xa0: {  	v11 =	vld.idx.msk [tilespmem:v1+s4+$0x0], $0xffff  }
0xa1: {  	v5 =	vld.idx.msk [tilespmem:v2+s4+$0x0], $0xffff  }
0xa2: {  	v4 =	vld.idx.msk [tilespmem:v3+s4+$0x0], $0xffff  }
0xa3: {  	v1 =	vld.idx.msk [tilespmem:v6+s4+$0x0], $0xffff  }
0xa4: {  	s7 =	simm.s32 $0x1D740;
	v2 =	vld.idx.msk [tilespmem:v7+s4+$0x0], $0xffff  }
0xa5: {  	v0 =	vld.idx.msk [tilespmem:v8+s4+$0x0], $0xffff;
	[tilespmem:s7+$0x30] =	vst v10  }
0xa6: {  	s8 =	simm.s32 $0x0;
	s20 =	simm.s32 $0x1A7C0;
	v3 =	vld.idx.msk [tilespmem:v9+s4+$0x0], $0xffff;
	[tilespmem:s7+$0xFFFFFFD0] =	vst v11  }
.LBB2_7:
0xa7: {  	v6 =	vld [tilespmem:s20+$0x30];
	s8 =	sadd.s32 $0x80, s8;
	[tilespmem:s7+$0xFFFFFFE0] =	vst v5  }
0xa8: {  	v5 =	vld [tilespmem:s20+$0xFFFFFFD0];
	p0 =	slt.u32 s8, $0xF80;
	[tilespmem:s7+$0xFFFFFFF0] =	vst v4  }
0xa9: {  	v4 =	vld [tilespmem:s20+$0xFFFFFFE0];
	[tilespmem:s7+$0x0] =	vst v1  }
0xaa: {  	v1 =	vld [tilespmem:s20+$0xFFFFFFF0];
	[tilespmem:s7+$0x10] =	vst v2  }
0xab: {  	v2 =	vld [tilespmem:s20+$0x0];
	[tilespmem:s7+$0x20] =	vst v0  }
0xac: {  	v0 =	vld [tilespmem:s20+$0x10];
	[tilespmem:s7+$0xFFFFFFC0] =	vst v3  }
0xad: {  	v3 =	vld [tilespmem:s20+$0x20]  }
0xae: {  	v7 =	vld [tilespmem:s20+$0xFFFFFFC0]  }
0xaf: {  	v6 =	vld.idx.msk [tilespmem:v6+s4+$0x0], $0xffff  }
0xb0: {  	v8 =	vld.idx.msk [tilespmem:v5+s4+$0x0], $0xffff  }
0xb1: {  	v5 =	vld.idx.msk [tilespmem:v4+s4+$0x0], $0xffff  }
.Ltmp4:
0xb2: {  	v4 =	vld.idx.msk [tilespmem:v1+s4+$0x0], $0xffff;
	(pc) =	sbr.rel @p0 .LBB2_7-.Ltmp4, $4  }
0xb3: {  	v1 =	vld.idx.msk [tilespmem:v2+s4+$0x0], $0xffff  }
0xb4: {  	s7 =	sadd.s32 $0x80, s7;
	v2 =	vld.idx.msk [tilespmem:v0+s4+$0x0], $0xffff  }
0xb5: {  	v0 =	vld.idx.msk [tilespmem:v3+s4+$0x0], $0xffff;
	[tilespmem:s7+$0x30] =	vst v6  }
0xb6: {  	s20 =	sadd.s32 $0x80, s20;
	v3 =	vld.idx.msk [tilespmem:v7+s4+$0x0], $0xffff;
	[tilespmem:s7+$0xFFFFFFD0] =	vst v8  }
0xb7: {  	[tilespmem:s7+$0xFFFFFFE0] =	vst v5  }
0xb8: {  	[tilespmem:s7+$0xFFFFFFF0] =	vst v4  }
0xb9: {  	[tilespmem:s7+$0x0] =	vst v1  }
0xba: {  	s0 =	sadd.s32 s11, s6;
	[tilespmem:s7+$0x10] =	vst v2  }
0xbb: {  	s0 =	sshrl.u32 s0, $0x3;
	[tilespmem:s7+$0x20] =	vst v0  }
0xbc: {  	s0 =	sadd.s32 s3, s0;
	[tilespmem:s7+$0xFFFFFFC0] =	vst v3;
	s7 =	sadd.s32 $0x6, s5  }
0xbd: {  	[hbm4b:s0+s18] =	stream.strided.scatter [tilespmem:s26], [sflag:$0x2], $0x1000, s19, s18, $0x38;
	[tilespmem:$0x1F700] =	vst v63  }
0xbe: {  	s20 =	sshll.u32 s7, $0x4  }
0xbf: {  	s8 =	sshll.u32 s7, $0x9;
	s0 =	sand.u32 $0x60, s20  }
0xc0: {  	s8 =	sand.u32 $0x1F000, s8;
	s0 =	sadd.s32 s1, s0  }
0xc1: {  	s0 =	sadd.s32 s8, s0  }
0xc2: {  	[tilespmem:s22], [sflag:$0x1] =	stream.strided.gather [hbm4b:s0+s18], $0x1000, s19, s18, $0x38;
	[tilespmem:$0x1F700] =	vst v63  }
0xc3: {  	_ =	swait.ge [sflag:s25], $0x1000  }
0xc4: {  	[sflag:s25] =	ssyncset.done $0x0  }
0xc5: {  	[sflag:s25] =	ssyncadd.s32 $0xFFFFF000  }
0xc6: {  	_ =	swait.ge [sflag:s31], $0x1000  }
0xc7: {  	[sflag:s31] =	ssyncset.done $0x0  }
0xc8: {  	s20 =	simm.s32 $0x1B740;
	[sflag:s31] =	ssyncadd.s32 $0xFFFFF000  }
0xc9: {  	v0 =	vld [tilespmem:s20+$0x30]  }
0xca: {  	v1 =	vld [tilespmem:s20+$0xFFFFFFD0]  }
0xcb: {  	v2 =	vld [tilespmem:s20+$0xFFFFFFE0]  }
0xcc: {  	v3 =	vld [tilespmem:s20+$0xFFFFFFF0]  }
0xcd: {  	v6 =	vld [tilespmem:s20+$0x0]  }
0xce: {  	v7 =	vld [tilespmem:s20+$0x10]  }
0xcf: {  	v8 =	vld [tilespmem:s20+$0x20]  }
0xd0: {  	v9 =	vld [tilespmem:s20+$0xFFFFFFC0]  }
0xd1: {  	v10 =	vld.idx.msk [tilespmem:v0+s4+$0x0], $0xffff  }
0xd2: {  	v11 =	vld.idx.msk [tilespmem:v1+s4+$0x0], $0xffff  }
0xd3: {  	v5 =	vld.idx.msk [tilespmem:v2+s4+$0x0], $0xffff  }
0xd4: {  	v4 =	vld.idx.msk [tilespmem:v3+s4+$0x0], $0xffff  }
0xd5: {  	v1 =	vld.idx.msk [tilespmem:v6+s4+$0x0], $0xffff  }
0xd6: {  	s8 =	simm.s32 $0x1E740;
	v2 =	vld.idx.msk [tilespmem:v7+s4+$0x0], $0xffff  }
0xd7: {  	v0 =	vld.idx.msk [tilespmem:v8+s4+$0x0], $0xffff;
	[tilespmem:s8+$0x30] =	vst v10  }
0xd8: {  	s0 =	simm.s32 $0x1B7C0;
	s20 =	simm.s32 $0x0;
	v3 =	vld.idx.msk [tilespmem:v9+s4+$0x0], $0xffff;
	[tilespmem:s8+$0xFFFFFFD0] =	vst v11  }
.LBB2_9:
0xd9: {  	v6 =	vld [tilespmem:s0+$0x30];
	s20 =	sadd.s32 $0x80, s20;
	[tilespmem:s8+$0xFFFFFFE0] =	vst v5  }
0xda: {  	v5 =	vld [tilespmem:s0+$0xFFFFFFD0];
	p0 =	slt.u32 s20, $0xF80;
	[tilespmem:s8+$0xFFFFFFF0] =	vst v4  }
0xdb: {  	v4 =	vld [tilespmem:s0+$0xFFFFFFE0];
	[tilespmem:s8+$0x0] =	vst v1  }
0xdc: {  	v1 =	vld [tilespmem:s0+$0xFFFFFFF0];
	[tilespmem:s8+$0x10] =	vst v2  }
0xdd: {  	v2 =	vld [tilespmem:s0+$0x0];
	[tilespmem:s8+$0x20] =	vst v0  }
0xde: {  	v0 =	vld [tilespmem:s0+$0x10];
	[tilespmem:s8+$0xFFFFFFC0] =	vst v3  }
0xdf: {  	v3 =	vld [tilespmem:s0+$0x20]  }
0xe0: {  	v7 =	vld [tilespmem:s0+$0xFFFFFFC0]  }
0xe1: {  	v6 =	vld.idx.msk [tilespmem:v6+s4+$0x0], $0xffff  }
0xe2: {  	v8 =	vld.idx.msk [tilespmem:v5+s4+$0x0], $0xffff  }
0xe3: {  	v5 =	vld.idx.msk [tilespmem:v4+s4+$0x0], $0xffff  }
.Ltmp5:
0xe4: {  	v4 =	vld.idx.msk [tilespmem:v1+s4+$0x0], $0xffff;
	(pc) =	sbr.rel @p0 .LBB2_9-.Ltmp5, $4  }
0xe5: {  	v1 =	vld.idx.msk [tilespmem:v2+s4+$0x0], $0xffff  }
0xe6: {  	s8 =	sadd.s32 $0x80, s8;
	v2 =	vld.idx.msk [tilespmem:v0+s4+$0x0], $0xffff  }
0xe7: {  	v0 =	vld.idx.msk [tilespmem:v3+s4+$0x0], $0xffff;
	[tilespmem:s8+$0x30] =	vst v6  }
0xe8: {  	s0 =	sadd.s32 $0x80, s0;
	v3 =	vld.idx.msk [tilespmem:v7+s4+$0x0], $0xffff;
	[tilespmem:s8+$0xFFFFFFD0] =	vst v8  }
0xe9: {  	[tilespmem:s8+$0xFFFFFFE0] =	vst v5  }
0xea: {  	[tilespmem:s8+$0xFFFFFFF0] =	vst v4  }
0xeb: {  	[tilespmem:s8+$0x0] =	vst v1  }
0xec: {  	s0 =	sadd.s32 s12, s6;
	[tilespmem:s8+$0x10] =	vst v2  }
0xed: {  	s6 =	sadd.s32 $0x7, s5;
	s0 =	sshrl.u32 s0, $0x3;
	[tilespmem:s8+$0x20] =	vst v0  }
0xee: {  	s0 =	sadd.s32 s3, s0;
	[tilespmem:s8+$0xFFFFFFC0] =	vst v3;
	s8 =	sshll.u32 s6, $0x4  }
0xef: {  	[hbm4b:s0+s18] =	stream.strided.scatter [tilespmem:s29], [sflag:$0x3], $0x1000, s19, s18, $0x38;
	[tilespmem:$0x1F700] =	vst v63  }
0xf0: {  	s20 =	sshll.u32 s6, $0x9;
	s0 =	sand.u32 $0x70, s8  }
0xf1: {  	s8 =	sand.u32 $0x1F000, s20;
	s0 =	sadd.s32 s1, s0  }
0xf2: {  	s0 =	sadd.s32 s8, s0  }
0xf3: {  	[tilespmem:s23], [sflag:$0x1] =	stream.strided.gather [hbm4b:s0+s18], $0x1000, s19, s18, $0x38;
	[tilespmem:$0x1F700] =	vst v63  }
0xf4: {  	_ =	swait.ge [sflag:s25], $0x1000  }
0xf5: {  	[sflag:s25] =	ssyncset.done $0x0  }
0xf6: {  	[sflag:s25] =	ssyncadd.s32 $0xFFFFF000  }
0xf7: {  	_ =	swait.ge [sflag:s30], $0x1000  }
0xf8: {  	[sflag:s30] =	ssyncset.done $0x0  }
0xf9: {  	s20 =	simm.s32 $0x1C740;
	[sflag:s30] =	ssyncadd.s32 $0xFFFFF000  }
0xfa: {  	v0 =	vld [tilespmem:s20+$0x30]  }
0xfb: {  	v1 =	vld [tilespmem:s20+$0xFFFFFFD0]  }
0xfc: {  	v2 =	vld [tilespmem:s20+$0xFFFFFFE0]  }
0xfd: {  	v3 =	vld [tilespmem:s20+$0xFFFFFFF0]  }
0xfe: {  	v6 =	vld [tilespmem:s20+$0x0]  }
0xff: {  	v7 =	vld [tilespmem:s20+$0x10]  }
0x100: {  	v8 =	vld [tilespmem:s20+$0x20]  }
0x101: {  	v9 =	vld [tilespmem:s20+$0xFFFFFFC0]  }
0x102: {  	v10 =	vld.idx.msk [tilespmem:v0+s4+$0x0], $0xffff  }
0x103: {  	v11 =	vld.idx.msk [tilespmem:v1+s4+$0x0], $0xffff  }
0x104: {  	v5 =	vld.idx.msk [tilespmem:v2+s4+$0x0], $0xffff  }
0x105: {  	v4 =	vld.idx.msk [tilespmem:v3+s4+$0x0], $0xffff  }
0x106: {  	v3 =	vld.idx.msk [tilespmem:v6+s4+$0x0], $0xffff  }
0x107: {  	s8 =	simm.s32 $0x1D740;
	v1 =	vld.idx.msk [tilespmem:v7+s4+$0x0], $0xffff  }
0x108: {  	v0 =	vld.idx.msk [tilespmem:v8+s4+$0x0], $0xffff;
	[tilespmem:s8+$0x30] =	vst v10  }
0x109: {  	s0 =	simm.s32 $0x1C7C0;
	s20 =	simm.s32 $0x0;
	v2 =	vld.idx.msk [tilespmem:v9+s4+$0x0], $0xffff;
	[tilespmem:s8+$0xFFFFFFD0] =	vst v11  }
.LBB2_11:
0x10a: {  	v6 =	vld [tilespmem:s0+$0x30];
	s20 =	sadd.s32 $0x80, s20;
	[tilespmem:s8+$0xFFFFFFE0] =	vst v5  }
0x10b: {  	v5 =	vld [tilespmem:s0+$0xFFFFFFD0];
	p0 =	slt.u32 s20, $0xF80;
	[tilespmem:s8+$0xFFFFFFF0] =	vst v4  }
0x10c: {  	v4 =	vld [tilespmem:s0+$0xFFFFFFE0];
	[tilespmem:s8+$0x0] =	vst v3  }
0x10d: {  	v3 =	vld [tilespmem:s0+$0xFFFFFFF0];
	[tilespmem:s8+$0x10] =	vst v1  }
0x10e: {  	v1 =	vld [tilespmem:s0+$0x0];
	[tilespmem:s8+$0x20] =	vst v0  }
0x10f: {  	v0 =	vld [tilespmem:s0+$0x10];
	[tilespmem:s8+$0xFFFFFFC0] =	vst v2  }
0x110: {  	v2 =	vld [tilespmem:s0+$0x20]  }
0x111: {  	v7 =	vld [tilespmem:s0+$0xFFFFFFC0]  }
0x112: {  	v6 =	vld.idx.msk [tilespmem:v6+s4+$0x0], $0xffff  }
0x113: {  	v8 =	vld.idx.msk [tilespmem:v5+s4+$0x0], $0xffff  }
0x114: {  	v5 =	vld.idx.msk [tilespmem:v4+s4+$0x0], $0xffff  }
.Ltmp6:
0x115: {  	v4 =	vld.idx.msk [tilespmem:v3+s4+$0x0], $0xffff;
	(pc) =	sbr.rel @p0 .LBB2_11-.Ltmp6, $4  }
0x116: {  	v3 =	vld.idx.msk [tilespmem:v1+s4+$0x0], $0xffff  }
0x117: {  	s8 =	sadd.s32 $0x80, s8;
	v1 =	vld.idx.msk [tilespmem:v0+s4+$0x0], $0xffff  }
0x118: {  	v0 =	vld.idx.msk [tilespmem:v2+s4+$0x0], $0xffff;
	[tilespmem:s8+$0x30] =	vst v6  }
0x119: {  	s0 =	sadd.s32 $0x80, s0;
	v2 =	vld.idx.msk [tilespmem:v7+s4+$0x0], $0xffff;
	[tilespmem:s8+$0xFFFFFFD0] =	vst v8  }
0x11a: {  	[tilespmem:s8+$0xFFFFFFE0] =	vst v5  }
0x11b: {  	[tilespmem:s8+$0xFFFFFFF0] =	vst v4  }
0x11c: {  	s0 =	sshll.u32 s17, $0x12;
	[tilespmem:s8+$0x0] =	vst v3  }
0x11d: {  	s0 =	sor.u32 s9, s0;
	[tilespmem:s8+$0x10] =	vst v1  }
0x11e: {  	s0 =	sshrl.u32 s0, $0x3;
	[tilespmem:s8+$0x20] =	vst v0  }
0x11f: {  	s17 =	sadd.s32 $0x8, s5;
	s0 =	sadd.s32 s3, s0;
	[tilespmem:s8+$0xFFFFFFC0] =	vst v2;
	s8 =	sshll.u32 s2, $0x5  }
0x120: {  	[hbm4b:s0+s18] =	stream.strided.scatter [tilespmem:s26], [sflag:$0x2], $0x1000, s19, s18, $0x38;
	[tilespmem:$0x1F700] =	vst v63  }
0x121: {  	s20 =	sshll.u32 s17, $0x9;
	s0 =	sand.u32 $0x60, s8  }
0x122: {  	s8 =	sand.u32 $0x1F000, s20;
	s0 =	sadd.s32 s1, s0  }
0x123: {  	s0 =	sadd.s32 s8, s0  }
0x124: {  	[tilespmem:s24], [sflag:$0x1] =	stream.strided.gather [hbm4b:s0+s18], $0x1000, s19, s18, $0x38;
	[tilespmem:$0x1F700] =	vst v63  }
0x125: {  	_ =	swait.ge [sflag:s25], $0x1000  }
0x126: {  	[sflag:s25] =	ssyncset.done $0x0  }
0x127: {  	[sflag:s25] =	ssyncadd.s32 $0xFFFFF000  }
0x128: {  	_ =	swait.ge [sflag:s31], $0x1000  }
0x129: {  	[sflag:s31] =	ssyncset.done $0x0  }
0x12a: {  	s20 =	simm.s32 $0x18740;
	[sflag:s31] =	ssyncadd.s32 $0xFFFFF000  }
0x12b: {  	v0 =	vld [tilespmem:s20+$0x30]  }
0x12c: {  	v1 =	vld [tilespmem:s20+$0xFFFFFFD0]  }
0x12d: {  	v2 =	vld [tilespmem:s20+$0xFFFFFFE0]  }
0x12e: {  	v3 =	vld [tilespmem:s20+$0xFFFFFFF0]  }
0x12f: {  	v6 =	vld [tilespmem:s20+$0x0]  }
0x130: {  	v7 =	vld [tilespmem:s20+$0x10]  }
0x131: {  	v8 =	vld [tilespmem:s20+$0x20]  }
0x132: {  	v9 =	vld [tilespmem:s20+$0xFFFFFFC0]  }
0x133: {  	v10 =	vld.idx.msk [tilespmem:v0+s4+$0x0], $0xffff  }
0x134: {  	v11 =	vld.idx.msk [tilespmem:v1+s4+$0x0], $0xffff  }
0x135: {  	v5 =	vld.idx.msk [tilespmem:v2+s4+$0x0], $0xffff  }
0x136: {  	v4 =	vld.idx.msk [tilespmem:v3+s4+$0x0], $0xffff  }
0x137: {  	v3 =	vld.idx.msk [tilespmem:v6+s4+$0x0], $0xffff  }
0x138: {  	s8 =	simm.s32 $0x1E740;
	v1 =	vld.idx.msk [tilespmem:v7+s4+$0x0], $0xffff  }
0x139: {  	v0 =	vld.idx.msk [tilespmem:v8+s4+$0x0], $0xffff;
	[tilespmem:s8+$0x30] =	vst v10  }
0x13a: {  	s0 =	simm.s32 $0x187C0;
	s20 =	simm.s32 $0x0;
	v2 =	vld.idx.msk [tilespmem:v9+s4+$0x0], $0xffff;
	[tilespmem:s8+$0xFFFFFFD0] =	vst v11  }
.LBB2_13:
0x13b: {  	v6 =	vld [tilespmem:s0+$0x30];
	s20 =	sadd.s32 $0x80, s20;
	[tilespmem:s8+$0xFFFFFFE0] =	vst v5  }
0x13c: {  	v5 =	vld [tilespmem:s0+$0xFFFFFFD0];
	p0 =	slt.u32 s20, $0xF80;
	[tilespmem:s8+$0xFFFFFFF0] =	vst v4  }
0x13d: {  	v4 =	vld [tilespmem:s0+$0xFFFFFFE0];
	[tilespmem:s8+$0x0] =	vst v3  }
0x13e: {  	v3 =	vld [tilespmem:s0+$0xFFFFFFF0];
	[tilespmem:s8+$0x10] =	vst v1  }
0x13f: {  	v1 =	vld [tilespmem:s0+$0x0];
	[tilespmem:s8+$0x20] =	vst v0  }
0x140: {  	v0 =	vld [tilespmem:s0+$0x10];
	[tilespmem:s8+$0xFFFFFFC0] =	vst v2  }
0x141: {  	v2 =	vld [tilespmem:s0+$0x20]  }
0x142: {  	v7 =	vld [tilespmem:s0+$0xFFFFFFC0]  }
0x143: {  	v6 =	vld.idx.msk [tilespmem:v6+s4+$0x0], $0xffff  }
0x144: {  	v8 =	vld.idx.msk [tilespmem:v5+s4+$0x0], $0xffff  }
0x145: {  	v5 =	vld.idx.msk [tilespmem:v4+s4+$0x0], $0xffff  }
.Ltmp7:
0x146: {  	v4 =	vld.idx.msk [tilespmem:v3+s4+$0x0], $0xffff;
	(pc) =	sbr.rel @p0 .LBB2_13-.Ltmp7, $4  }
0x147: {  	v3 =	vld.idx.msk [tilespmem:v1+s4+$0x0], $0xffff  }
0x148: {  	s8 =	sadd.s32 $0x80, s8;
	v1 =	vld.idx.msk [tilespmem:v0+s4+$0x0], $0xffff  }
0x149: {  	v0 =	vld.idx.msk [tilespmem:v2+s4+$0x0], $0xffff;
	[tilespmem:s8+$0x30] =	vst v6  }
0x14a: {  	s0 =	sadd.s32 $0x80, s0;
	v2 =	vld.idx.msk [tilespmem:v7+s4+$0x0], $0xffff;
	[tilespmem:s8+$0xFFFFFFD0] =	vst v8  }
0x14b: {  	[tilespmem:s8+$0xFFFFFFE0] =	vst v5  }
0x14c: {  	[tilespmem:s8+$0xFFFFFFF0] =	vst v4  }
0x14d: {  	s0 =	sshll.u32 s14, $0x12;
	[tilespmem:s8+$0x0] =	vst v3  }
0x14e: {  	s0 =	sor.u32 s9, s0;
	[tilespmem:s8+$0x10] =	vst v1  }
0x14f: {  	s14 =	sadd.s32 $0x9, s5;
	s0 =	sshrl.u32 s0, $0x3;
	[tilespmem:s8+$0x20] =	vst v0  }
0x150: {  	s0 =	sadd.s32 s3, s0;
	[tilespmem:s8+$0xFFFFFFC0] =	vst v2;
	s8 =	sshll.u32 s14, $0x4  }
0x151: {  	[hbm4b:s0+s18] =	stream.strided.scatter [tilespmem:s29], [sflag:$0x3], $0x1000, s19, s18, $0x38;
	[tilespmem:$0x1F700] =	vst v63  }
0x152: {  	s20 =	sshll.u32 s14, $0x9;
	s0 =	sand.u32 $0x70, s8  }
0x153: {  	s8 =	sand.u32 $0x1F000, s20;
	s0 =	sadd.s32 s1, s0  }
0x154: {  	s0 =	sadd.s32 s8, s0  }
0x155: {  	[tilespmem:s28], [sflag:$0x1] =	stream.strided.gather [hbm4b:s0+s18], $0x1000, s19, s18, $0x38;
	[tilespmem:$0x1F700] =	vst v63  }
0x156: {  	_ =	swait.ge [sflag:s25], $0x1000  }
0x157: {  	[sflag:s25] =	ssyncset.done $0x0  }
0x158: {  	[sflag:s25] =	ssyncadd.s32 $0xFFFFF000  }
0x159: {  	_ =	swait.ge [sflag:s30], $0x1000  }
0x15a: {  	[sflag:s30] =	ssyncset.done $0x0  }
0x15b: {  	s20 =	simm.s32 $0x19740;
	[sflag:s30] =	ssyncadd.s32 $0xFFFFF000  }
0x15c: {  	v0 =	vld [tilespmem:s20+$0x30]  }
0x15d: {  	v1 =	vld [tilespmem:s20+$0xFFFFFFD0]  }
0x15e: {  	v2 =	vld [tilespmem:s20+$0xFFFFFFE0]  }
0x15f: {  	v3 =	vld [tilespmem:s20+$0xFFFFFFF0]  }
0x160: {  	v6 =	vld [tilespmem:s20+$0x0]  }
0x161: {  	v7 =	vld [tilespmem:s20+$0x10]  }
0x162: {  	v8 =	vld [tilespmem:s20+$0x20]  }
0x163: {  	v9 =	vld [tilespmem:s20+$0xFFFFFFC0]  }
0x164: {  	v10 =	vld.idx.msk [tilespmem:v0+s4+$0x0], $0xffff  }
0x165: {  	v11 =	vld.idx.msk [tilespmem:v1+s4+$0x0], $0xffff  }
0x166: {  	v5 =	vld.idx.msk [tilespmem:v2+s4+$0x0], $0xffff  }
0x167: {  	v4 =	vld.idx.msk [tilespmem:v3+s4+$0x0], $0xffff  }
0x168: {  	v3 =	vld.idx.msk [tilespmem:v6+s4+$0x0], $0xffff  }
0x169: {  	s8 =	simm.s32 $0x1D740;
	v1 =	vld.idx.msk [tilespmem:v7+s4+$0x0], $0xffff  }
0x16a: {  	v0 =	vld.idx.msk [tilespmem:v8+s4+$0x0], $0xffff;
	[tilespmem:s8+$0x30] =	vst v10  }
0x16b: {  	s0 =	simm.s32 $0x197C0;
	s20 =	simm.s32 $0x0;
	v2 =	vld.idx.msk [tilespmem:v9+s4+$0x0], $0xffff;
	[tilespmem:s8+$0xFFFFFFD0] =	vst v11  }
.LBB2_15:
0x16c: {  	v6 =	vld [tilespmem:s0+$0x30];
	s20 =	sadd.s32 $0x80, s20;
	[tilespmem:s8+$0xFFFFFFE0] =	vst v5  }
0x16d: {  	v5 =	vld [tilespmem:s0+$0xFFFFFFD0];
	p0 =	slt.u32 s20, $0xF80;
	[tilespmem:s8+$0xFFFFFFF0] =	vst v4  }
0x16e: {  	v4 =	vld [tilespmem:s0+$0xFFFFFFE0];
	[tilespmem:s8+$0x0] =	vst v3  }
0x16f: {  	v3 =	vld [tilespmem:s0+$0xFFFFFFF0];
	[tilespmem:s8+$0x10] =	vst v1  }
0x170: {  	v1 =	vld [tilespmem:s0+$0x0];
	[tilespmem:s8+$0x20] =	vst v0  }
0x171: {  	v0 =	vld [tilespmem:s0+$0x10];
	[tilespmem:s8+$0xFFFFFFC0] =	vst v2  }
0x172: {  	v2 =	vld [tilespmem:s0+$0x20]  }
0x173: {  	v7 =	vld [tilespmem:s0+$0xFFFFFFC0]  }
0x174: {  	v6 =	vld.idx.msk [tilespmem:v6+s4+$0x0], $0xffff  }
0x175: {  	v8 =	vld.idx.msk [tilespmem:v5+s4+$0x0], $0xffff  }
0x176: {  	v5 =	vld.idx.msk [tilespmem:v4+s4+$0x0], $0xffff  }
.Ltmp8:
0x177: {  	v4 =	vld.idx.msk [tilespmem:v3+s4+$0x0], $0xffff;
	(pc) =	sbr.rel @p0 .LBB2_15-.Ltmp8, $4  }
0x178: {  	v3 =	vld.idx.msk [tilespmem:v1+s4+$0x0], $0xffff  }
0x179: {  	s8 =	sadd.s32 $0x80, s8;
	v1 =	vld.idx.msk [tilespmem:v0+s4+$0x0], $0xffff  }
0x17a: {  	v0 =	vld.idx.msk [tilespmem:v2+s4+$0x0], $0xffff;
	[tilespmem:s8+$0x30] =	vst v6  }
0x17b: {  	s0 =	sadd.s32 $0x80, s0;
	v2 =	vld.idx.msk [tilespmem:v7+s4+$0x0], $0xffff;
	[tilespmem:s8+$0xFFFFFFD0] =	vst v8  }
0x17c: {  	[tilespmem:s8+$0xFFFFFFE0] =	vst v5  }
0x17d: {  	[tilespmem:s8+$0xFFFFFFF0] =	vst v4  }
0x17e: {  	s0 =	sshll.u32 s7, $0x12;
	[tilespmem:s8+$0x0] =	vst v3  }
0x17f: {  	s0 =	sor.u32 s9, s0;
	[tilespmem:s8+$0x10] =	vst v1  }
0x180: {  	s0 =	sshrl.u32 s0, $0x3;
	[tilespmem:s8+$0x20] =	vst v0  }
0x181: {  	p0 =	seq.s32 s2, $0x4;
	s0 =	sadd.s32 s3, s0;
	[tilespmem:s8+$0xFFFFFFC0] =	vst v2  }
0x182: {  	[hbm4b:s0+s18] =	stream.strided.scatter [tilespmem:s26], [sflag:$0x2], $0x1000, s19, s18, $0x38;
	[tilespmem:$0x1F700] =	vst v63  }
0x183: {  	s0 =	sadd.s32 @!p0 $0xA, s5  }
0x184: {  	s7 =	sshll.u32 @!p0 s0, $0x4  }
0x185: {  	s0 =	sshll.u32 @!p0 s0, $0x9;
	s7 =	sand.u32 @!p0 $0x60, s7  }
0x186: {  	s20 =	simm.s32 @!p0 $0x18700;
	s0 =	sand.u32 @!p0 $0x1F000, s0;
	s7 =	sadd.s32 @!p0 s1, s7  }
0x187: {  	s8 =	simm.s32 @!p0 $0x400;
	s0 =	sadd.s32 @!p0 s0, s7;
	s7 =	simm.s32 @!p0 $0x80  }
0x188: {  	[tilespmem:s20], [sflag:$0x1] =	stream.strided.gather @!p0 [hbm4b:s0+s7], $0x1000, s8, s7, $0x38;
	[tilespmem:$0x1F700] =	vst v63  }
0x189: {  	_ =	swait.ge [sflag:s25], $0x1000  }
0x18a: {  	[sflag:s25] =	ssyncset.done $0x0  }
0x18b: {  	[sflag:s25] =	ssyncadd.s32 $0xFFFFF000  }
0x18c: {  	_ =	swait.ge [sflag:s31], $0x1000  }
0x18d: {  	[sflag:s31] =	ssyncset.done $0x0  }
0x18e: {  	s20 =	simm.s32 $0x1A740;
	[sflag:s31] =	ssyncadd.s32 $0xFFFFF000  }
0x18f: {  	v0 =	vld [tilespmem:s20+$0x30]  }
0x190: {  	v1 =	vld [tilespmem:s20+$0xFFFFFFD0]  }
0x191: {  	v2 =	vld [tilespmem:s20+$0xFFFFFFE0]  }
0x192: {  	v3 =	vld [tilespmem:s20+$0xFFFFFFF0]  }
0x193: {  	v6 =	vld [tilespmem:s20+$0x0]  }
0x194: {  	v7 =	vld [tilespmem:s20+$0x10]  }
0x195: {  	v8 =	vld [tilespmem:s20+$0x20]  }
0x196: {  	v9 =	vld [tilespmem:s20+$0xFFFFFFC0]  }
0x197: {  	v10 =	vld.idx.msk [tilespmem:v0+s4+$0x0], $0xffff  }
0x198: {  	v11 =	vld.idx.msk [tilespmem:v1+s4+$0x0], $0xffff  }
0x199: {  	v5 =	vld.idx.msk [tilespmem:v2+s4+$0x0], $0xffff  }
0x19a: {  	v4 =	vld.idx.msk [tilespmem:v3+s4+$0x0], $0xffff  }
0x19b: {  	v3 =	vld.idx.msk [tilespmem:v6+s4+$0x0], $0xffff  }
0x19c: {  	s7 =	simm.s32 $0x1E740;
	v1 =	vld.idx.msk [tilespmem:v7+s4+$0x0], $0xffff  }
0x19d: {  	v0 =	vld.idx.msk [tilespmem:v8+s4+$0x0], $0xffff;
	[tilespmem:s7+$0x30] =	vst v10  }
0x19e: {  	s8 =	simm.s32 $0x0;
	s0 =	simm.s32 $0x1A7C0;
	v2 =	vld.idx.msk [tilespmem:v9+s4+$0x0], $0xffff;
	[tilespmem:s7+$0xFFFFFFD0] =	vst v11  }
.LBB2_17:
0x19f: {  	v6 =	vld [tilespmem:s0+$0x30];
	s8 =	sadd.s32 $0x80, s8;
	[tilespmem:s7+$0xFFFFFFE0] =	vst v5  }
0x1a0: {  	v5 =	vld [tilespmem:s0+$0xFFFFFFD0];
	p1 =	slt.u32 s8, $0xF80;
	[tilespmem:s7+$0xFFFFFFF0] =	vst v4  }
0x1a1: {  	v4 =	vld [tilespmem:s0+$0xFFFFFFE0];
	[tilespmem:s7+$0x0] =	vst v3  }
0x1a2: {  	v3 =	vld [tilespmem:s0+$0xFFFFFFF0];
	[tilespmem:s7+$0x10] =	vst v1  }
0x1a3: {  	v1 =	vld [tilespmem:s0+$0x0];
	[tilespmem:s7+$0x20] =	vst v0  }
0x1a4: {  	v0 =	vld [tilespmem:s0+$0x10];
	[tilespmem:s7+$0xFFFFFFC0] =	vst v2  }
0x1a5: {  	v2 =	vld [tilespmem:s0+$0x20]  }
0x1a6: {  	v7 =	vld [tilespmem:s0+$0xFFFFFFC0]  }
0x1a7: {  	v6 =	vld.idx.msk [tilespmem:v6+s4+$0x0], $0xffff  }
0x1a8: {  	v8 =	vld.idx.msk [tilespmem:v5+s4+$0x0], $0xffff  }
0x1a9: {  	v5 =	vld.idx.msk [tilespmem:v4+s4+$0x0], $0xffff  }
.Ltmp9:
0x1aa: {  	v4 =	vld.idx.msk [tilespmem:v3+s4+$0x0], $0xffff;
	(pc) =	sbr.rel @p1 .LBB2_17-.Ltmp9, $4  }
0x1ab: {  	v3 =	vld.idx.msk [tilespmem:v1+s4+$0x0], $0xffff  }
0x1ac: {  	s7 =	sadd.s32 $0x80, s7;
	v1 =	vld.idx.msk [tilespmem:v0+s4+$0x0], $0xffff  }
0x1ad: {  	v0 =	vld.idx.msk [tilespmem:v2+s4+$0x0], $0xffff;
	[tilespmem:s7+$0x30] =	vst v6  }
0x1ae: {  	s0 =	sadd.s32 $0x80, s0;
	v2 =	vld.idx.msk [tilespmem:v7+s4+$0x0], $0xffff;
	[tilespmem:s7+$0xFFFFFFD0] =	vst v8  }
0x1af: {  	[tilespmem:s7+$0xFFFFFFE0] =	vst v5  }
0x1b0: {  	[tilespmem:s7+$0xFFFFFFF0] =	vst v4  }
0x1b1: {  	s0 =	sshll.u32 s6, $0x12;
	[tilespmem:s7+$0x0] =	vst v3  }
0x1b2: {  	s0 =	sor.u32 s9, s0;
	[tilespmem:s7+$0x10] =	vst v1  }
0x1b3: {  	s0 =	sshrl.u32 s0, $0x3;
	[tilespmem:s7+$0x20] =	vst v0  }
0x1b4: {  	s0 =	sadd.s32 s3, s0;
	[tilespmem:s7+$0xFFFFFFC0] =	vst v2  }
0x1b5: {  	[hbm4b:s0+s18] =	stream.strided.scatter [tilespmem:s29], [sflag:$0x3], $0x1000, s19, s18, $0x38;
	[tilespmem:$0x1F700] =	vst v63  }
0x1b6: {  	s0 =	sadd.s32 @!p0 $0xB, s5  }
0x1b7: {  	s6 =	sshll.u32 @!p0 s0, $0x4  }
0x1b8: {  	s0 =	sshll.u32 @!p0 s0, $0x9;
	s6 =	sand.u32 @!p0 $0x70, s6  }
0x1b9: {  	s8 =	simm.s32 @!p0 $0x19700;
	s0 =	sand.u32 @!p0 $0x1F000, s0;
	s6 =	sadd.s32 @!p0 s1, s6  }
0x1ba: {  	s7 =	simm.s32 @!p0 $0x400;
	s0 =	sadd.s32 @!p0 s0, s6;
	s6 =	simm.s32 @!p0 $0x80  }
0x1bb: {  	[tilespmem:s8], [sflag:$0x1] =	stream.strided.gather @!p0 [hbm4b:s0+s6], $0x1000, s7, s6, $0x38;
	[tilespmem:$0x1F700] =	vst v63  }
0x1bc: {  	_ =	swait.ge [sflag:s25], $0x1000  }
0x1bd: {  	[sflag:s25] =	ssyncset.done $0x0  }
0x1be: {  	[sflag:s25] =	ssyncadd.s32 $0xFFFFF000  }
0x1bf: {  	_ =	swait.ge [sflag:s30], $0x1000  }
0x1c0: {  	[sflag:s30] =	ssyncset.done $0x0  }
0x1c1: {  	s20 =	simm.s32 $0x1B740;
	[sflag:s30] =	ssyncadd.s32 $0xFFFFF000  }
0x1c2: {  	v0 =	vld [tilespmem:s20+$0x30]  }
0x1c3: {  	v1 =	vld [tilespmem:s20+$0xFFFFFFD0]  }
0x1c4: {  	v2 =	vld [tilespmem:s20+$0xFFFFFFE0]  }
0x1c5: {  	v3 =	vld [tilespmem:s20+$0xFFFFFFF0]  }
0x1c6: {  	v6 =	vld [tilespmem:s20+$0x0]  }
0x1c7: {  	v7 =	vld [tilespmem:s20+$0x10]  }
0x1c8: {  	v8 =	vld [tilespmem:s20+$0x20]  }
0x1c9: {  	v9 =	vld [tilespmem:s20+$0xFFFFFFC0]  }
0x1ca: {  	v10 =	vld.idx.msk [tilespmem:v0+s4+$0x0], $0xffff  }
0x1cb: {  	v11 =	vld.idx.msk [tilespmem:v1+s4+$0x0], $0xffff  }
0x1cc: {  	v5 =	vld.idx.msk [tilespmem:v2+s4+$0x0], $0xffff  }
0x1cd: {  	v4 =	vld.idx.msk [tilespmem:v3+s4+$0x0], $0xffff  }
0x1ce: {  	v3 =	vld.idx.msk [tilespmem:v6+s4+$0x0], $0xffff  }
0x1cf: {  	s6 =	simm.s32 $0x1D740;
	v1 =	vld.idx.msk [tilespmem:v7+s4+$0x0], $0xffff  }
0x1d0: {  	v0 =	vld.idx.msk [tilespmem:v8+s4+$0x0], $0xffff;
	[tilespmem:s6+$0x30] =	vst v10  }
0x1d1: {  	s7 =	simm.s32 $0x0;
	s0 =	simm.s32 $0x1B7C0;
	v2 =	vld.idx.msk [tilespmem:v9+s4+$0x0], $0xffff;
	[tilespmem:s6+$0xFFFFFFD0] =	vst v11  }
.LBB2_19:
0x1d2: {  	v6 =	vld [tilespmem:s0+$0x30];
	s7 =	sadd.s32 $0x80, s7;
	[tilespmem:s6+$0xFFFFFFE0] =	vst v5  }
0x1d3: {  	v5 =	vld [tilespmem:s0+$0xFFFFFFD0];
	p1 =	slt.u32 s7, $0xF80;
	[tilespmem:s6+$0xFFFFFFF0] =	vst v4  }
0x1d4: {  	v4 =	vld [tilespmem:s0+$0xFFFFFFE0];
	[tilespmem:s6+$0x0] =	vst v3  }
0x1d5: {  	v3 =	vld [tilespmem:s0+$0xFFFFFFF0];
	[tilespmem:s6+$0x10] =	vst v1  }
0x1d6: {  	v1 =	vld [tilespmem:s0+$0x0];
	[tilespmem:s6+$0x20] =	vst v0  }
0x1d7: {  	v0 =	vld [tilespmem:s0+$0x10];
	[tilespmem:s6+$0xFFFFFFC0] =	vst v2  }
0x1d8: {  	v2 =	vld [tilespmem:s0+$0x20]  }
0x1d9: {  	v7 =	vld [tilespmem:s0+$0xFFFFFFC0]  }
0x1da: {  	v6 =	vld.idx.msk [tilespmem:v6+s4+$0x0], $0xffff  }
0x1db: {  	v8 =	vld.idx.msk [tilespmem:v5+s4+$0x0], $0xffff  }
0x1dc: {  	v5 =	vld.idx.msk [tilespmem:v4+s4+$0x0], $0xffff  }
.Ltmp10:
0x1dd: {  	v4 =	vld.idx.msk [tilespmem:v3+s4+$0x0], $0xffff;
	(pc) =	sbr.rel @p1 .LBB2_19-.Ltmp10, $4  }
0x1de: {  	v3 =	vld.idx.msk [tilespmem:v1+s4+$0x0], $0xffff  }
0x1df: {  	s6 =	sadd.s32 $0x80, s6;
	v1 =	vld.idx.msk [tilespmem:v0+s4+$0x0], $0xffff  }
0x1e0: {  	v0 =	vld.idx.msk [tilespmem:v2+s4+$0x0], $0xffff;
	[tilespmem:s6+$0x30] =	vst v6  }
0x1e1: {  	s0 =	sadd.s32 $0x80, s0;
	v2 =	vld.idx.msk [tilespmem:v7+s4+$0x0], $0xffff;
	[tilespmem:s6+$0xFFFFFFD0] =	vst v8  }
0x1e2: {  	[tilespmem:s6+$0xFFFFFFE0] =	vst v5  }
0x1e3: {  	[tilespmem:s6+$0xFFFFFFF0] =	vst v4  }
0x1e4: {  	s0 =	sshll.u32 s17, $0x12;
	[tilespmem:s6+$0x0] =	vst v3  }
0x1e5: {  	s0 =	sor.u32 s9, s0;
	[tilespmem:s6+$0x10] =	vst v1  }
0x1e6: {  	s0 =	sshrl.u32 s0, $0x3;
	[tilespmem:s6+$0x20] =	vst v0  }
0x1e7: {  	s0 =	sadd.s32 s3, s0;
	[tilespmem:s6+$0xFFFFFFC0] =	vst v2  }
0x1e8: {  	[hbm4b:s0+s18] =	stream.strided.scatter [tilespmem:s26], [sflag:$0x2], $0x1000, s19, s18, $0x38;
	[tilespmem:$0x1F700] =	vst v63  }
0x1e9: {  	s0 =	sadd.s32 @!p0 $0xC, s5  }
0x1ea: {  	s6 =	sshll.u32 @!p0 s0, $0x4  }
0x1eb: {  	s0 =	sshll.u32 @!p0 s0, $0x9;
	s6 =	sand.u32 @!p0 $0x60, s6  }
0x1ec: {  	s7 =	simm.s32 @!p0 $0x400;
	s0 =	sand.u32 @!p0 $0x1F000, s0;
	s6 =	sadd.s32 @!p0 s1, s6  }
0x1ed: {  	s8 =	simm.s32 @!p0 $0x1A700;
	s0 =	sadd.s32 @!p0 s0, s6;
	s6 =	simm.s32 @!p0 $0x80  }
0x1ee: {  	[tilespmem:s8], [sflag:$0x1] =	stream.strided.gather @!p0 [hbm4b:s0+s6], $0x1000, s7, s6, $0x38;
	[tilespmem:$0x1F700] =	vst v63  }
0x1ef: {  	_ =	swait.ge [sflag:s25], $0x1000  }
0x1f0: {  	[sflag:s25] =	ssyncset.done $0x0  }
0x1f1: {  	[sflag:s25] =	ssyncadd.s32 $0xFFFFF000  }
0x1f2: {  	_ =	swait.ge [sflag:s31], $0x1000  }
0x1f3: {  	[sflag:s31] =	ssyncset.done $0x0  }
0x1f4: {  	s20 =	simm.s32 $0x1C740;
	[sflag:s31] =	ssyncadd.s32 $0xFFFFF000  }
0x1f5: {  	v0 =	vld [tilespmem:s20+$0x30]  }
0x1f6: {  	v1 =	vld [tilespmem:s20+$0xFFFFFFD0]  }
0x1f7: {  	v2 =	vld [tilespmem:s20+$0xFFFFFFE0]  }
0x1f8: {  	v3 =	vld [tilespmem:s20+$0xFFFFFFF0]  }
0x1f9: {  	v6 =	vld [tilespmem:s20+$0x0]  }
0x1fa: {  	v7 =	vld [tilespmem:s20+$0x10]  }
0x1fb: {  	v8 =	vld [tilespmem:s20+$0x20]  }
0x1fc: {  	v9 =	vld [tilespmem:s20+$0xFFFFFFC0]  }
0x1fd: {  	v10 =	vld.idx.msk [tilespmem:v0+s4+$0x0], $0xffff  }
0x1fe: {  	v11 =	vld.idx.msk [tilespmem:v1+s4+$0x0], $0xffff  }
0x1ff: {  	v5 =	vld.idx.msk [tilespmem:v2+s4+$0x0], $0xffff  }
0x200: {  	v4 =	vld.idx.msk [tilespmem:v3+s4+$0x0], $0xffff  }
0x201: {  	v3 =	vld.idx.msk [tilespmem:v6+s4+$0x0], $0xffff  }
0x202: {  	s6 =	simm.s32 $0x1E740;
	v1 =	vld.idx.msk [tilespmem:v7+s4+$0x0], $0xffff  }
0x203: {  	v0 =	vld.idx.msk [tilespmem:v8+s4+$0x0], $0xffff;
	[tilespmem:s6+$0x30] =	vst v10  }
0x204: {  	s7 =	simm.s32 $0x0;
	s0 =	simm.s32 $0x1C7C0;
	v2 =	vld.idx.msk [tilespmem:v9+s4+$0x0], $0xffff;
	[tilespmem:s6+$0xFFFFFFD0] =	vst v11  }
.LBB2_21:
0x205: {  	v6 =	vld [tilespmem:s0+$0x30];
	s7 =	sadd.s32 $0x80, s7;
	[tilespmem:s6+$0xFFFFFFE0] =	vst v5  }
0x206: {  	v5 =	vld [tilespmem:s0+$0xFFFFFFD0];
	p1 =	slt.u32 s7, $0xF80;
	[tilespmem:s6+$0xFFFFFFF0] =	vst v4  }
0x207: {  	v4 =	vld [tilespmem:s0+$0xFFFFFFE0];
	[tilespmem:s6+$0x0] =	vst v3  }
0x208: {  	v3 =	vld [tilespmem:s0+$0xFFFFFFF0];
	[tilespmem:s6+$0x10] =	vst v1  }
0x209: {  	v1 =	vld [tilespmem:s0+$0x0];
	[tilespmem:s6+$0x20] =	vst v0  }
0x20a: {  	v0 =	vld [tilespmem:s0+$0x10];
	[tilespmem:s6+$0xFFFFFFC0] =	vst v2  }
0x20b: {  	v2 =	vld [tilespmem:s0+$0x20]  }
0x20c: {  	v7 =	vld [tilespmem:s0+$0xFFFFFFC0]  }
0x20d: {  	v6 =	vld.idx.msk [tilespmem:v6+s4+$0x0], $0xffff  }
0x20e: {  	v8 =	vld.idx.msk [tilespmem:v5+s4+$0x0], $0xffff  }
0x20f: {  	v5 =	vld.idx.msk [tilespmem:v4+s4+$0x0], $0xffff  }
.Ltmp11:
0x210: {  	v4 =	vld.idx.msk [tilespmem:v3+s4+$0x0], $0xffff;
	(pc) =	sbr.rel @p1 .LBB2_21-.Ltmp11, $4  }
0x211: {  	v3 =	vld.idx.msk [tilespmem:v1+s4+$0x0], $0xffff  }
0x212: {  	s6 =	sadd.s32 $0x80, s6;
	v1 =	vld.idx.msk [tilespmem:v0+s4+$0x0], $0xffff  }
0x213: {  	v0 =	vld.idx.msk [tilespmem:v2+s4+$0x0], $0xffff;
	[tilespmem:s6+$0x30] =	vst v6  }
0x214: {  	s0 =	sadd.s32 $0x80, s0;
	v2 =	vld.idx.msk [tilespmem:v7+s4+$0x0], $0xffff;
	[tilespmem:s6+$0xFFFFFFD0] =	vst v8  }
0x215: {  	[tilespmem:s6+$0xFFFFFFE0] =	vst v5  }
0x216: {  	[tilespmem:s6+$0xFFFFFFF0] =	vst v4  }
.Ltmp12:
0x217: {  	s0 =	sshll.u32 s14, $0x12;
	[tilespmem:s6+$0x0] =	vst v3;
	(pc) =	sbr.rel @p0 .LBB2_24-.Ltmp12, $4  }
0x218: {  	s0 =	sor.u32 s9, s0;
	[tilespmem:s6+$0x10] =	vst v1  }
0x219: {  	s0 =	sshrl.u32 s0, $0x3;
	[tilespmem:s6+$0x20] =	vst v0  }
0x21a: {  	s0 =	sadd.s32 s3, s0;
	[tilespmem:s6+$0xFFFFFFC0] =	vst v2  }
0x21b: {  	[hbm4b:s0+s18] =	stream.strided.scatter [tilespmem:s29], [sflag:$0x3], $0x1000, s19, s18, $0x38;
	[tilespmem:$0x1F700] =	vst v63  }
0x21c: {  	s0 =	sadd.s32 $0xD, s5  }
.Ltmp13:
0x21d: {  	s5 =	sshll.u32 s0, $0x4;
	(pc) =	sbr.rel .LBB2_2-.Ltmp13, $4  }
0x21e: {  	s0 =	sshll.u32 s0, $0x9;
	s5 =	sand.u32 $0x70, s5  }
0x21f: {  	s0 =	sand.u32 $0x1F000, s0;
	s5 =	sadd.s32 s1, s5  }
0x220: {  	s2 =	sadd.s32 $0x1, s2;
	s0 =	sadd.s32 s0, s5  }
0x221: {  	[tilespmem:s24], [sflag:$0x1] =	stream.strided.gather [hbm4b:s0+s18], $0x1000, s19, s18, $0x38;
	[tilespmem:$0x1F700] =	vst v63  }
.LBB2_24:
0x222: {  	_ =	swait.ge [sflag:s30], $0x1000  }
0x223: {  	[sflag:s30] =	ssyncset.done $0x0  }
0x224: {  	[sflag:s30] =	ssyncadd.s32 $0xFFFFF000  }
0x225: {  	_ =	swait.ge [sflag:s31], $0x1000  }
0x226: {  	s2 =	simm.s32 $0x0;
	[sflag:s31] =	ssyncset.done $0x0  }
0x227: {  	s8 =	simm.s32 $0x4;
	s0 =	rddreg [dreg:$0x8];
	[sflag:s31] =	ssyncadd.s32 $0xFFFFF000  }
0x228: {  	[tilespmem:s2], [sflag:$0x4] =	stream.strided.gather [hbm4b:s0+s18], $0x18700, s19, s18, $0x38;
	[tilespmem:$0x1F700] =	vst v63  }
0x229: {  	_ =	swait.ge [sflag:s8], $0x18700  }
0x22a: {  	[sflag:s8] =	ssyncset.done $0x0  }
0x22b: {  	[sflag:s8] =	ssyncadd.s32 $0xFFFE7900  }
0x22c: {  	[tilespmem:s21], [sflag:$0x1] =	stream.strided.gather [hbm4b:s1+s18], $0x1000, s19, s18, $0x38;
	[tilespmem:$0x1F700] =	vst v63  }
0x22d: {  	s14 =	rddreg [dreg:$0x5]  }
0x22e: {  	[tilespmem:s22], [sflag:$0x1] =	stream.strided.gather [hbm4b:s14+s18], $0x1000, s19, s18, $0x38;
	[tilespmem:$0x1F700] =	vst v63  }
0x22f: {  	s17 =	rddreg [dreg:$0x6]  }
0x230: {  	[tilespmem:s23], [sflag:$0x1] =	stream.strided.gather [hbm4b:s17+s18], $0x1000, s19, s18, $0x38;
	[tilespmem:$0x1F700] =	vst v63  }
0x231: {  	s20 =	rddreg [dreg:$0x7]  }
0x232: {  	[tilespmem:s24], [sflag:$0x1] =	stream.strided.gather [hbm4b:s20+s18], $0x1000, s19, s18, $0x38;
	[tilespmem:$0x1F700] =	vst v63  }
.LBB2_25:
0x233: {  	_ =	swait.ge [sflag:s25], $0x1000  }
0x234: {  	p0 =	seq.s32 s2, $0x0;
	[sflag:s25] =	ssyncset.done $0x0  }
0x235: {  	s0 =	simm.s32 @!p0 $0x2;
	[sflag:s25] =	ssyncadd.s32 $0xFFFFF000  }
0x236: {  	_ =	swait.ge @!p0 [sflag:s0], $0x1000  }
0x237: {  	[sflag:s0] =	ssyncset.done @!p0 $0x0  }
0x238: {  	s20 =	simm.s32 $0x18740;
	[sflag:s0] =	ssyncadd.s32 @!p0 $0xFFFFF000  }
0x239: {  	v0 =	vld [tilespmem:s20+$0x30]  }
0x23a: {  	v1 =	vld [tilespmem:s20+$0xFFFFFFD0]  }
0x23b: {  	v2 =	vld [tilespmem:s20+$0xFFFFFFE0]  }
0x23c: {  	v3 =	vld [tilespmem:s20+$0xFFFFFFF0]  }
0x23d: {  	v6 =	vld [tilespmem:s20+$0x0]  }
0x23e: {  	v7 =	vld [tilespmem:s20+$0x10]  }
0x23f: {  	v8 =	vld [tilespmem:s20+$0x20]  }
0x240: {  	v9 =	vld [tilespmem:s20+$0xFFFFFFC0]  }
0x241: {  	v10 =	vld.idx.msk [tilespmem:v0+s4+$0x0], $0xffff  }
0x242: {  	v11 =	vld.idx.msk [tilespmem:v1+s4+$0x0], $0xffff  }
0x243: {  	v5 =	vld.idx.msk [tilespmem:v2+s4+$0x0], $0xffff  }
0x244: {  	v4 =	vld.idx.msk [tilespmem:v3+s4+$0x0], $0xffff  }
0x245: {  	v1 =	vld.idx.msk [tilespmem:v6+s4+$0x0], $0xffff  }
0x246: {  	s14 =	simm.s32 $0x1D740;
	v2 =	vld.idx.msk [tilespmem:v7+s4+$0x0], $0xffff  }
0x247: {  	v0 =	vld.idx.msk [tilespmem:v8+s4+$0x0], $0xffff;
	[tilespmem:s14+$0x30] =	vst v10  }
0x248: {  	s5 =	smul.u32 $0xA, s2;
	s6 =	simm.s32 $0x0;
	s0 =	simm.s32 $0x187C0;
	v3 =	vld.idx.msk [tilespmem:v9+s4+$0x0], $0xffff;
	[tilespmem:s14+$0xFFFFFFD0] =	vst v11  }
.LBB2_26:
0x249: {  	v6 =	vld [tilespmem:s0+$0x30];
	s6 =	sadd.s32 $0x80, s6;
	[tilespmem:s14+$0xFFFFFFE0] =	vst v5  }
0x24a: {  	v5 =	vld [tilespmem:s0+$0xFFFFFFD0];
	p1 =	slt.u32 s6, $0xF80;
	[tilespmem:s14+$0xFFFFFFF0] =	vst v4  }
0x24b: {  	v4 =	vld [tilespmem:s0+$0xFFFFFFE0];
	[tilespmem:s14+$0x0] =	vst v1  }
0x24c: {  	v1 =	vld [tilespmem:s0+$0xFFFFFFF0];
	[tilespmem:s14+$0x10] =	vst v2  }
0x24d: {  	v2 =	vld [tilespmem:s0+$0x0];
	[tilespmem:s14+$0x20] =	vst v0  }
0x24e: {  	v0 =	vld [tilespmem:s0+$0x10];
	[tilespmem:s14+$0xFFFFFFC0] =	vst v3  }
0x24f: {  	v3 =	vld [tilespmem:s0+$0x20]  }
0x250: {  	v7 =	vld [tilespmem:s0+$0xFFFFFFC0]  }
0x251: {  	v6 =	vld.idx.msk [tilespmem:v6+s4+$0x0], $0xffff  }
0x252: {  	v8 =	vld.idx.msk [tilespmem:v5+s4+$0x0], $0xffff  }
0x253: {  	v5 =	vld.idx.msk [tilespmem:v4+s4+$0x0], $0xffff  }
.Ltmp14:
0x254: {  	v4 =	vld.idx.msk [tilespmem:v1+s4+$0x0], $0xffff;
	(pc) =	sbr.rel @p1 .LBB2_26-.Ltmp14, $4  }
0x255: {  	v1 =	vld.idx.msk [tilespmem:v2+s4+$0x0], $0xffff  }
0x256: {  	s14 =	sadd.s32 $0x80, s14;
	v2 =	vld.idx.msk [tilespmem:v0+s4+$0x0], $0xffff  }
0x257: {  	v0 =	vld.idx.msk [tilespmem:v3+s4+$0x0], $0xffff;
	[tilespmem:s14+$0x30] =	vst v6  }
0x258: {  	s0 =	sadd.s32 $0x80, s0;
	v3 =	vld.idx.msk [tilespmem:v7+s4+$0x0], $0xffff;
	[tilespmem:s14+$0xFFFFFFD0] =	vst v8  }
0x259: {  	[tilespmem:s14+$0xFFFFFFE0] =	vst v5  }
0x25a: {  	[tilespmem:s14+$0xFFFFFFF0] =	vst v4;
	s6 =	smul.u32 $0x280000, s2  }
0x25b: {  	[tilespmem:s14+$0x0] =	vst v1  }
0x25c: {  	[tilespmem:s14+$0x10] =	vst v2;
	s0 =	sor.u32 s6, s13  }
0x25d: {  	s17 =	sadd.s32 $0x4, s5;
	[tilespmem:s14+$0x20] =	vst v0;
	s7 =	sshrl.u32 s0, $0x3  }
0x25e: {  	[tilespmem:s14+$0xFFFFFFC0] =	vst v3;
	s0 =	sadd.s32 s3, s7;
	s14 =	sshll.u32 s17, $0x4  }
0x25f: {  	[hbm4b:s0+s18] =	stream.strided.scatter [tilespmem:s26], [sflag:$0x2], $0x1000, s19, s18, $0x38;
	[tilespmem:$0x1F700] =	vst v63  }
0x260: {  	s8 =	sshll.u32 s17, $0x9;
	s0 =	sand.u32 $0x60, s14  }
0x261: {  	s8 =	sand.u32 $0x1F000, s8;
	s0 =	sadd.s32 s1, s0  }
0x262: {  	s0 =	sadd.s32 s8, s0  }
0x263: {  	[tilespmem:s28], [sflag:$0x1] =	stream.strided.gather [hbm4b:s0+s18], $0x1000, s19, s18, $0x38;
	[tilespmem:$0x1F700] =	vst v63  }
0x264: {  	_ =	swait.ge [sflag:s25], $0x1000  }
0x265: {  	[sflag:s25] =	ssyncset.done $0x0  }
0x266: {  	s0 =	simm.s32 @!p0 $0x3;
	[sflag:s25] =	ssyncadd.s32 $0xFFFFF000  }
0x267: {  	_ =	swait.ge @!p0 [sflag:s0], $0x1000  }
0x268: {  	[sflag:s0] =	ssyncset.done @!p0 $0x0  }
0x269: {  	s20 =	simm.s32 $0x19740;
	[sflag:s0] =	ssyncadd.s32 @!p0 $0xFFFFF000  }
0x26a: {  	v0 =	vld [tilespmem:s20+$0x30]  }
0x26b: {  	v1 =	vld [tilespmem:s20+$0xFFFFFFD0]  }
0x26c: {  	v2 =	vld [tilespmem:s20+$0xFFFFFFE0]  }
0x26d: {  	v3 =	vld [tilespmem:s20+$0xFFFFFFF0]  }
0x26e: {  	v4 =	vld [tilespmem:s20+$0x0]  }
0x26f: {  	v6 =	vld [tilespmem:s20+$0x10]  }
0x270: {  	v7 =	vld [tilespmem:s20+$0x20]  }
0x271: {  	v8 =	vld [tilespmem:s20+$0xFFFFFFC0]  }
0x272: {  	v9 =	vld.idx.msk [tilespmem:v0+s4+$0x0], $0xffff  }
0x273: {  	v10 =	vld.idx.msk [tilespmem:v1+s4+$0x0], $0xffff  }
0x274: {  	v5 =	vld.idx.msk [tilespmem:v2+s4+$0x0], $0xffff  }
0x275: {  	v3 =	vld.idx.msk [tilespmem:v3+s4+$0x0], $0xffff  }
0x276: {  	v0 =	vld.idx.msk [tilespmem:v4+s4+$0x0], $0xffff  }
0x277: {  	s8 =	simm.s32 $0x1E740;
	v1 =	vld.idx.msk [tilespmem:v6+s4+$0x0], $0xffff  }
0x278: {  	v2 =	vld.idx.msk [tilespmem:v7+s4+$0x0], $0xffff;
	[tilespmem:s8+$0x30] =	vst v9  }
0x279: {  	s14 =	simm.s32 $0x0;
	s0 =	simm.s32 $0x197C0;
	v4 =	vld.idx.msk [tilespmem:v8+s4+$0x0], $0xffff;
	[tilespmem:s8+$0xFFFFFFD0] =	vst v10  }
.LBB2_28:
0x27a: {  	v6 =	vld [tilespmem:s0+$0x30];
	s14 =	sadd.s32 $0x80, s14;
	[tilespmem:s8+$0xFFFFFFE0] =	vst v5  }
0x27b: {  	v5 =	vld [tilespmem:s0+$0xFFFFFFD0];
	p0 =	slt.u32 s14, $0xF80;
	[tilespmem:s8+$0xFFFFFFF0] =	vst v3  }
0x27c: {  	v3 =	vld [tilespmem:s0+$0xFFFFFFE0];
	[tilespmem:s8+$0x0] =	vst v0  }
0x27d: {  	v0 =	vld [tilespmem:s0+$0xFFFFFFF0];
	[tilespmem:s8+$0x10] =	vst v1  }
0x27e: {  	v1 =	vld [tilespmem:s0+$0x0];
	[tilespmem:s8+$0x20] =	vst v2  }
0x27f: {  	v2 =	vld [tilespmem:s0+$0x10];
	[tilespmem:s8+$0xFFFFFFC0] =	vst v4  }
0x280: {  	v4 =	vld [tilespmem:s0+$0x20]  }
0x281: {  	v7 =	vld [tilespmem:s0+$0xFFFFFFC0]  }
0x282: {  	v6 =	vld.idx.msk [tilespmem:v6+s4+$0x0], $0xffff  }
0x283: {  	v8 =	vld.idx.msk [tilespmem:v5+s4+$0x0], $0xffff  }
0x284: {  	v5 =	vld.idx.msk [tilespmem:v3+s4+$0x0], $0xffff  }
.Ltmp15:
0x285: {  	v3 =	vld.idx.msk [tilespmem:v0+s4+$0x0], $0xffff;
	(pc) =	sbr.rel @p0 .LBB2_28-.Ltmp15, $4  }
0x286: {  	v0 =	vld.idx.msk [tilespmem:v1+s4+$0x0], $0xffff  }
0x287: {  	s8 =	sadd.s32 $0x80, s8;
	v1 =	vld.idx.msk [tilespmem:v2+s4+$0x0], $0xffff  }
0x288: {  	v2 =	vld.idx.msk [tilespmem:v4+s4+$0x0], $0xffff;
	[tilespmem:s8+$0x30] =	vst v6  }
0x289: {  	s0 =	sadd.s32 $0x80, s0;
	v4 =	vld.idx.msk [tilespmem:v7+s4+$0x0], $0xffff;
	[tilespmem:s8+$0xFFFFFFD0] =	vst v8  }
0x28a: {  	[tilespmem:s8+$0xFFFFFFE0] =	vst v5  }
0x28b: {  	[tilespmem:s8+$0xFFFFFFF0] =	vst v3  }
0x28c: {  	[tilespmem:s8+$0x0] =	vst v0  }
0x28d: {  	[tilespmem:s8+$0x10] =	vst v1  }
0x28e: {  	s0 =	sor.u32 $0x8000, s7;
	s14 =	sadd.s32 $0x5, s5;
	[tilespmem:s8+$0x20] =	vst v2  }
0x28f: {  	s0 =	sadd.s32 s3, s0;
	s7 =	sshll.u32 s14, $0x4;
	[tilespmem:s8+$0xFFFFFFC0] =	vst v4  }
0x290: {  	[hbm4b:s0+s18] =	stream.strided.scatter [tilespmem:s29], [sflag:$0x3], $0x1000, s19, s18, $0x38;
	[tilespmem:$0x1F700] =	vst v63  }
0x291: {  	s8 =	sshll.u32 s14, $0x9;
	s0 =	sand.u32 $0x70, s7  }
0x292: {  	s7 =	sand.u32 $0x1F000, s8;
	s0 =	sadd.s32 s1, s0  }
0x293: {  	s0 =	sadd.s32 s7, s0  }
0x294: {  	[tilespmem:s21], [sflag:$0x1] =	stream.strided.gather [hbm4b:s0+s18], $0x1000, s19, s18, $0x38;
	[tilespmem:$0x1F700] =	vst v63  }
0x295: {  	_ =	swait.ge [sflag:s25], $0x1000  }
0x296: {  	[sflag:s25] =	ssyncset.done $0x0  }
0x297: {  	[sflag:s25] =	ssyncadd.s32 $0xFFFFF000  }
0x298: {  	_ =	swait.ge [sflag:s30], $0x1000  }
0x299: {  	[sflag:s30] =	ssyncset.done $0x0  }
0x29a: {  	s20 =	simm.s32 $0x1A740;
	[sflag:s30] =	ssyncadd.s32 $0xFFFFF000  }
0x29b: {  	v0 =	vld [tilespmem:s20+$0x30]  }
0x29c: {  	v1 =	vld [tilespmem:s20+$0xFFFFFFD0]  }
0x29d: {  	v2 =	vld [tilespmem:s20+$0xFFFFFFE0]  }
0x29e: {  	v3 =	vld [tilespmem:s20+$0xFFFFFFF0]  }
0x29f: {  	v6 =	vld [tilespmem:s20+$0x0]  }
0x2a0: {  	v7 =	vld [tilespmem:s20+$0x10]  }
0x2a1: {  	v8 =	vld [tilespmem:s20+$0x20]  }
0x2a2: {  	v9 =	vld [tilespmem:s20+$0xFFFFFFC0]  }
0x2a3: {  	v10 =	vld.idx.msk [tilespmem:v0+s4+$0x0], $0xffff  }
0x2a4: {  	v11 =	vld.idx.msk [tilespmem:v1+s4+$0x0], $0xffff  }
0x2a5: {  	v5 =	vld.idx.msk [tilespmem:v2+s4+$0x0], $0xffff  }
0x2a6: {  	v4 =	vld.idx.msk [tilespmem:v3+s4+$0x0], $0xffff  }
0x2a7: {  	v1 =	vld.idx.msk [tilespmem:v6+s4+$0x0], $0xffff  }
0x2a8: {  	s7 =	simm.s32 $0x1D740;
	v2 =	vld.idx.msk [tilespmem:v7+s4+$0x0], $0xffff  }
0x2a9: {  	v0 =	vld.idx.msk [tilespmem:v8+s4+$0x0], $0xffff;
	[tilespmem:s7+$0x30] =	vst v10  }
0x2aa: {  	s8 =	simm.s32 $0x0;
	s0 =	simm.s32 $0x1A7C0;
	v3 =	vld.idx.msk [tilespmem:v9+s4+$0x0], $0xffff;
	[tilespmem:s7+$0xFFFFFFD0] =	vst v11  }
.LBB2_30:
0x2ab: {  	v6 =	vld [tilespmem:s0+$0x30];
	s8 =	sadd.s32 $0x80, s8;
	[tilespmem:s7+$0xFFFFFFE0] =	vst v5  }
0x2ac: {  	v5 =	vld [tilespmem:s0+$0xFFFFFFD0];
	p0 =	slt.u32 s8, $0xF80;
	[tilespmem:s7+$0xFFFFFFF0] =	vst v4  }
0x2ad: {  	v4 =	vld [tilespmem:s0+$0xFFFFFFE0];
	[tilespmem:s7+$0x0] =	vst v1  }
0x2ae: {  	v1 =	vld [tilespmem:s0+$0xFFFFFFF0];
	[tilespmem:s7+$0x10] =	vst v2  }
0x2af: {  	v2 =	vld [tilespmem:s0+$0x0];
	[tilespmem:s7+$0x20] =	vst v0  }
0x2b0: {  	v0 =	vld [tilespmem:s0+$0x10];
	[tilespmem:s7+$0xFFFFFFC0] =	vst v3  }
0x2b1: {  	v3 =	vld [tilespmem:s0+$0x20]  }
0x2b2: {  	v7 =	vld [tilespmem:s0+$0xFFFFFFC0]  }
0x2b3: {  	v6 =	vld.idx.msk [tilespmem:v6+s4+$0x0], $0xffff  }
0x2b4: {  	v8 =	vld.idx.msk [tilespmem:v5+s4+$0x0], $0xffff  }
0x2b5: {  	v5 =	vld.idx.msk [tilespmem:v4+s4+$0x0], $0xffff  }
.Ltmp16:
0x2b6: {  	v4 =	vld.idx.msk [tilespmem:v1+s4+$0x0], $0xffff;
	(pc) =	sbr.rel @p0 .LBB2_30-.Ltmp16, $4  }
0x2b7: {  	v1 =	vld.idx.msk [tilespmem:v2+s4+$0x0], $0xffff  }
0x2b8: {  	s7 =	sadd.s32 $0x80, s7;
	v2 =	vld.idx.msk [tilespmem:v0+s4+$0x0], $0xffff  }
0x2b9: {  	v0 =	vld.idx.msk [tilespmem:v3+s4+$0x0], $0xffff;
	[tilespmem:s7+$0x30] =	vst v6  }
0x2ba: {  	s0 =	sadd.s32 $0x80, s0;
	v3 =	vld.idx.msk [tilespmem:v7+s4+$0x0], $0xffff;
	[tilespmem:s7+$0xFFFFFFD0] =	vst v8  }
0x2bb: {  	[tilespmem:s7+$0xFFFFFFE0] =	vst v5  }
0x2bc: {  	[tilespmem:s7+$0xFFFFFFF0] =	vst v4  }
0x2bd: {  	[tilespmem:s7+$0x0] =	vst v1  }
0x2be: {  	s0 =	sadd.s32 s15, s6;
	[tilespmem:s7+$0x10] =	vst v2  }
0x2bf: {  	s0 =	sshrl.u32 s0, $0x3;
	[tilespmem:s7+$0x20] =	vst v0  }
0x2c0: {  	s0 =	sadd.s32 s3, s0;
	[tilespmem:s7+$0xFFFFFFC0] =	vst v3;
	s7 =	sadd.s32 $0x6, s5  }
0x2c1: {  	[hbm4b:s0+s18] =	stream.strided.scatter [tilespmem:s26], [sflag:$0x2], $0x1000, s19, s18, $0x38;
	[tilespmem:$0x1F700] =	vst v63  }
0x2c2: {  	s20 =	sshll.u32 s7, $0x4  }
0x2c3: {  	s8 =	sshll.u32 s7, $0x9;
	s0 =	sand.u32 $0x60, s20  }
0x2c4: {  	s8 =	sand.u32 $0x1F000, s8;
	s0 =	sadd.s32 s1, s0  }
0x2c5: {  	s0 =	sadd.s32 s8, s0  }
0x2c6: {  	[tilespmem:s22], [sflag:$0x1] =	stream.strided.gather [hbm4b:s0+s18], $0x1000, s19, s18, $0x38;
	[tilespmem:$0x1F700] =	vst v63  }
0x2c7: {  	_ =	swait.ge [sflag:s25], $0x1000  }
0x2c8: {  	[sflag:s25] =	ssyncset.done $0x0  }
0x2c9: {  	[sflag:s25] =	ssyncadd.s32 $0xFFFFF000  }
0x2ca: {  	_ =	swait.ge [sflag:s31], $0x1000  }
0x2cb: {  	[sflag:s31] =	ssyncset.done $0x0  }
0x2cc: {  	s20 =	simm.s32 $0x1B740;
	[sflag:s31] =	ssyncadd.s32 $0xFFFFF000  }
0x2cd: {  	v0 =	vld [tilespmem:s20+$0x30]  }
0x2ce: {  	v1 =	vld [tilespmem:s20+$0xFFFFFFD0]  }
0x2cf: {  	v2 =	vld [tilespmem:s20+$0xFFFFFFE0]  }
0x2d0: {  	v3 =	vld [tilespmem:s20+$0xFFFFFFF0]  }
0x2d1: {  	v6 =	vld [tilespmem:s20+$0x0]  }
0x2d2: {  	v7 =	vld [tilespmem:s20+$0x10]  }
0x2d3: {  	v8 =	vld [tilespmem:s20+$0x20]  }
0x2d4: {  	v9 =	vld [tilespmem:s20+$0xFFFFFFC0]  }
0x2d5: {  	v10 =	vld.idx.msk [tilespmem:v0+s4+$0x0], $0xffff  }
0x2d6: {  	v11 =	vld.idx.msk [tilespmem:v1+s4+$0x0], $0xffff  }
0x2d7: {  	v5 =	vld.idx.msk [tilespmem:v2+s4+$0x0], $0xffff  }
0x2d8: {  	v4 =	vld.idx.msk [tilespmem:v3+s4+$0x0], $0xffff  }
0x2d9: {  	v1 =	vld.idx.msk [tilespmem:v6+s4+$0x0], $0xffff  }
0x2da: {  	s8 =	simm.s32 $0x1E740;
	v2 =	vld.idx.msk [tilespmem:v7+s4+$0x0], $0xffff  }
0x2db: {  	v0 =	vld.idx.msk [tilespmem:v8+s4+$0x0], $0xffff;
	[tilespmem:s8+$0x30] =	vst v10  }
0x2dc: {  	s0 =	simm.s32 $0x1B7C0;
	s20 =	simm.s32 $0x0;
	v3 =	vld.idx.msk [tilespmem:v9+s4+$0x0], $0xffff;
	[tilespmem:s8+$0xFFFFFFD0] =	vst v11  }
.LBB2_32:
0x2dd: {  	v6 =	vld [tilespmem:s0+$0x30];
	s20 =	sadd.s32 $0x80, s20;
	[tilespmem:s8+$0xFFFFFFE0] =	vst v5  }
0x2de: {  	v5 =	vld [tilespmem:s0+$0xFFFFFFD0];
	p0 =	slt.u32 s20, $0xF80;
	[tilespmem:s8+$0xFFFFFFF0] =	vst v4  }
0x2df: {  	v4 =	vld [tilespmem:s0+$0xFFFFFFE0];
	[tilespmem:s8+$0x0] =	vst v1  }
0x2e0: {  	v1 =	vld [tilespmem:s0+$0xFFFFFFF0];
	[tilespmem:s8+$0x10] =	vst v2  }
0x2e1: {  	v2 =	vld [tilespmem:s0+$0x0];
	[tilespmem:s8+$0x20] =	vst v0  }
0x2e2: {  	v0 =	vld [tilespmem:s0+$0x10];
	[tilespmem:s8+$0xFFFFFFC0] =	vst v3  }
0x2e3: {  	v3 =	vld [tilespmem:s0+$0x20]  }
0x2e4: {  	v7 =	vld [tilespmem:s0+$0xFFFFFFC0]  }
0x2e5: {  	v6 =	vld.idx.msk [tilespmem:v6+s4+$0x0], $0xffff  }
0x2e6: {  	v8 =	vld.idx.msk [tilespmem:v5+s4+$0x0], $0xffff  }
0x2e7: {  	v5 =	vld.idx.msk [tilespmem:v4+s4+$0x0], $0xffff  }
.Ltmp17:
0x2e8: {  	v4 =	vld.idx.msk [tilespmem:v1+s4+$0x0], $0xffff;
	(pc) =	sbr.rel @p0 .LBB2_32-.Ltmp17, $4  }
0x2e9: {  	v1 =	vld.idx.msk [tilespmem:v2+s4+$0x0], $0xffff  }
0x2ea: {  	s8 =	sadd.s32 $0x80, s8;
	v2 =	vld.idx.msk [tilespmem:v0+s4+$0x0], $0xffff  }
0x2eb: {  	v0 =	vld.idx.msk [tilespmem:v3+s4+$0x0], $0xffff;
	[tilespmem:s8+$0x30] =	vst v6  }
0x2ec: {  	s0 =	sadd.s32 $0x80, s0;
	v3 =	vld.idx.msk [tilespmem:v7+s4+$0x0], $0xffff;
	[tilespmem:s8+$0xFFFFFFD0] =	vst v8  }
0x2ed: {  	[tilespmem:s8+$0xFFFFFFE0] =	vst v5  }
0x2ee: {  	[tilespmem:s8+$0xFFFFFFF0] =	vst v4  }
0x2ef: {  	[tilespmem:s8+$0x0] =	vst v1  }
0x2f0: {  	s0 =	sadd.s32 s16, s6;
	[tilespmem:s8+$0x10] =	vst v2  }
0x2f1: {  	s6 =	sadd.s32 $0x7, s5;
	s0 =	sshrl.u32 s0, $0x3;
	[tilespmem:s8+$0x20] =	vst v0  }
0x2f2: {  	s0 =	sadd.s32 s3, s0;
	[tilespmem:s8+$0xFFFFFFC0] =	vst v3;
	s8 =	sshll.u32 s6, $0x4  }
0x2f3: {  	[hbm4b:s0+s18] =	stream.strided.scatter [tilespmem:s29], [sflag:$0x3], $0x1000, s19, s18, $0x38;
	[tilespmem:$0x1F700] =	vst v63  }
0x2f4: {  	s20 =	sshll.u32 s6, $0x9;
	s0 =	sand.u32 $0x70, s8  }
0x2f5: {  	s8 =	sand.u32 $0x1F000, s20;
	s0 =	sadd.s32 s1, s0  }
0x2f6: {  	s0 =	sadd.s32 s8, s0  }
0x2f7: {  	[tilespmem:s23], [sflag:$0x1] =	stream.strided.gather [hbm4b:s0+s18], $0x1000, s19, s18, $0x38;
	[tilespmem:$0x1F700] =	vst v63  }
0x2f8: {  	_ =	swait.ge [sflag:s25], $0x1000  }
0x2f9: {  	[sflag:s25] =	ssyncset.done $0x0  }
0x2fa: {  	[sflag:s25] =	ssyncadd.s32 $0xFFFFF000  }
0x2fb: {  	_ =	swait.ge [sflag:s30], $0x1000  }
0x2fc: {  	[sflag:s30] =	ssyncset.done $0x0  }
0x2fd: {  	s20 =	simm.s32 $0x1C740;
	[sflag:s30] =	ssyncadd.s32 $0xFFFFF000  }
0x2fe: {  	v0 =	vld [tilespmem:s20+$0x30]  }
0x2ff: {  	v1 =	vld [tilespmem:s20+$0xFFFFFFD0]  }
0x300: {  	v2 =	vld [tilespmem:s20+$0xFFFFFFE0]  }
0x301: {  	v3 =	vld [tilespmem:s20+$0xFFFFFFF0]  }
0x302: {  	v6 =	vld [tilespmem:s20+$0x0]  }
0x303: {  	v7 =	vld [tilespmem:s20+$0x10]  }
0x304: {  	v8 =	vld [tilespmem:s20+$0x20]  }
0x305: {  	v9 =	vld [tilespmem:s20+$0xFFFFFFC0]  }
0x306: {  	v10 =	vld.idx.msk [tilespmem:v0+s4+$0x0], $0xffff  }
0x307: {  	v11 =	vld.idx.msk [tilespmem:v1+s4+$0x0], $0xffff  }
0x308: {  	v5 =	vld.idx.msk [tilespmem:v2+s4+$0x0], $0xffff  }
0x309: {  	v4 =	vld.idx.msk [tilespmem:v3+s4+$0x0], $0xffff  }
0x30a: {  	v3 =	vld.idx.msk [tilespmem:v6+s4+$0x0], $0xffff  }
0x30b: {  	s8 =	simm.s32 $0x1D740;
	v1 =	vld.idx.msk [tilespmem:v7+s4+$0x0], $0xffff  }
0x30c: {  	v0 =	vld.idx.msk [tilespmem:v8+s4+$0x0], $0xffff;
	[tilespmem:s8+$0x30] =	vst v10  }
0x30d: {  	s0 =	simm.s32 $0x1C7C0;
	s20 =	simm.s32 $0x0;
	v2 =	vld.idx.msk [tilespmem:v9+s4+$0x0], $0xffff;
	[tilespmem:s8+$0xFFFFFFD0] =	vst v11  }
.LBB2_34:
0x30e: {  	v6 =	vld [tilespmem:s0+$0x30];
	s20 =	sadd.s32 $0x80, s20;
	[tilespmem:s8+$0xFFFFFFE0] =	vst v5  }
0x30f: {  	v5 =	vld [tilespmem:s0+$0xFFFFFFD0];
	p0 =	slt.u32 s20, $0xF80;
	[tilespmem:s8+$0xFFFFFFF0] =	vst v4  }
0x310: {  	v4 =	vld [tilespmem:s0+$0xFFFFFFE0];
	[tilespmem:s8+$0x0] =	vst v3  }
0x311: {  	v3 =	vld [tilespmem:s0+$0xFFFFFFF0];
	[tilespmem:s8+$0x10] =	vst v1  }
0x312: {  	v1 =	vld [tilespmem:s0+$0x0];
	[tilespmem:s8+$0x20] =	vst v0  }
0x313: {  	v0 =	vld [tilespmem:s0+$0x10];
	[tilespmem:s8+$0xFFFFFFC0] =	vst v2  }
0x314: {  	v2 =	vld [tilespmem:s0+$0x20]  }
0x315: {  	v7 =	vld [tilespmem:s0+$0xFFFFFFC0]  }
0x316: {  	v6 =	vld.idx.msk [tilespmem:v6+s4+$0x0], $0xffff  }
0x317: {  	v8 =	vld.idx.msk [tilespmem:v5+s4+$0x0], $0xffff  }
0x318: {  	v5 =	vld.idx.msk [tilespmem:v4+s4+$0x0], $0xffff  }
.Ltmp18:
0x319: {  	v4 =	vld.idx.msk [tilespmem:v3+s4+$0x0], $0xffff;
	(pc) =	sbr.rel @p0 .LBB2_34-.Ltmp18, $4  }
0x31a: {  	v3 =	vld.idx.msk [tilespmem:v1+s4+$0x0], $0xffff  }
0x31b: {  	s8 =	sadd.s32 $0x80, s8;
	v1 =	vld.idx.msk [tilespmem:v0+s4+$0x0], $0xffff  }
0x31c: {  	v0 =	vld.idx.msk [tilespmem:v2+s4+$0x0], $0xffff;
	[tilespmem:s8+$0x30] =	vst v6  }
0x31d: {  	s0 =	sadd.s32 $0x80, s0;
	v2 =	vld.idx.msk [tilespmem:v7+s4+$0x0], $0xffff;
	[tilespmem:s8+$0xFFFFFFD0] =	vst v8  }
0x31e: {  	[tilespmem:s8+$0xFFFFFFE0] =	vst v5  }
0x31f: {  	[tilespmem:s8+$0xFFFFFFF0] =	vst v4  }
0x320: {  	s0 =	sshll.u32 s17, $0x12;
	[tilespmem:s8+$0x0] =	vst v3  }
0x321: {  	s0 =	sor.u32 s13, s0;
	[tilespmem:s8+$0x10] =	vst v1  }
0x322: {  	s0 =	sshrl.u32 s0, $0x3;
	[tilespmem:s8+$0x20] =	vst v0  }
0x323: {  	s17 =	sadd.s32 $0x8, s5;
	s0 =	sadd.s32 s3, s0;
	[tilespmem:s8+$0xFFFFFFC0] =	vst v2;
	s8 =	sshll.u32 s2, $0x5  }
0x324: {  	[hbm4b:s0+s18] =	stream.strided.scatter [tilespmem:s26], [sflag:$0x2], $0x1000, s19, s18, $0x38;
	[tilespmem:$0x1F700] =	vst v63  }
0x325: {  	s20 =	sshll.u32 s17, $0x9;
	s0 =	sand.u32 $0x60, s8  }
0x326: {  	s8 =	sand.u32 $0x1F000, s20;
	s0 =	sadd.s32 s1, s0  }
0x327: {  	s0 =	sadd.s32 s8, s0  }
0x328: {  	[tilespmem:s24], [sflag:$0x1] =	stream.strided.gather [hbm4b:s0+s18], $0x1000, s19, s18, $0x38;
	[tilespmem:$0x1F700] =	vst v63  }
0x329: {  	_ =	swait.ge [sflag:s25], $0x1000  }
0x32a: {  	[sflag:s25] =	ssyncset.done $0x0  }
0x32b: {  	[sflag:s25] =	ssyncadd.s32 $0xFFFFF000  }
0x32c: {  	_ =	swait.ge [sflag:s31], $0x1000  }
0x32d: {  	[sflag:s31] =	ssyncset.done $0x0  }
0x32e: {  	s20 =	simm.s32 $0x18740;
	[sflag:s31] =	ssyncadd.s32 $0xFFFFF000  }
0x32f: {  	v0 =	vld [tilespmem:s20+$0x30]  }
0x330: {  	v1 =	vld [tilespmem:s20+$0xFFFFFFD0]  }
0x331: {  	v2 =	vld [tilespmem:s20+$0xFFFFFFE0]  }
0x332: {  	v3 =	vld [tilespmem:s20+$0xFFFFFFF0]  }
0x333: {  	v6 =	vld [tilespmem:s20+$0x0]  }
0x334: {  	v7 =	vld [tilespmem:s20+$0x10]  }
0x335: {  	v8 =	vld [tilespmem:s20+$0x20]  }
0x336: {  	v9 =	vld [tilespmem:s20+$0xFFFFFFC0]  }
0x337: {  	v10 =	vld.idx.msk [tilespmem:v0+s4+$0x0], $0xffff  }
0x338: {  	v11 =	vld.idx.msk [tilespmem:v1+s4+$0x0], $0xffff  }
0x339: {  	v5 =	vld.idx.msk [tilespmem:v2+s4+$0x0], $0xffff  }
0x33a: {  	v4 =	vld.idx.msk [tilespmem:v3+s4+$0x0], $0xffff  }
0x33b: {  	v3 =	vld.idx.msk [tilespmem:v6+s4+$0x0], $0xffff  }
0x33c: {  	s8 =	simm.s32 $0x1E740;
	v1 =	vld.idx.msk [tilespmem:v7+s4+$0x0], $0xffff  }
0x33d: {  	v0 =	vld.idx.msk [tilespmem:v8+s4+$0x0], $0xffff;
	[tilespmem:s8+$0x30] =	vst v10  }
0x33e: {  	s0 =	simm.s32 $0x187C0;
	s20 =	simm.s32 $0x0;
	v2 =	vld.idx.msk [tilespmem:v9+s4+$0x0], $0xffff;
	[tilespmem:s8+$0xFFFFFFD0] =	vst v11  }
.LBB2_36:
0x33f: {  	v6 =	vld [tilespmem:s0+$0x30];
	s20 =	sadd.s32 $0x80, s20;
	[tilespmem:s8+$0xFFFFFFE0] =	vst v5  }
0x340: {  	v5 =	vld [tilespmem:s0+$0xFFFFFFD0];
	p0 =	slt.u32 s20, $0xF80;
	[tilespmem:s8+$0xFFFFFFF0] =	vst v4  }
0x341: {  	v4 =	vld [tilespmem:s0+$0xFFFFFFE0];
	[tilespmem:s8+$0x0] =	vst v3  }
0x342: {  	v3 =	vld [tilespmem:s0+$0xFFFFFFF0];
	[tilespmem:s8+$0x10] =	vst v1  }
0x343: {  	v1 =	vld [tilespmem:s0+$0x0];
	[tilespmem:s8+$0x20] =	vst v0  }
0x344: {  	v0 =	vld [tilespmem:s0+$0x10];
	[tilespmem:s8+$0xFFFFFFC0] =	vst v2  }
0x345: {  	v2 =	vld [tilespmem:s0+$0x20]  }
0x346: {  	v7 =	vld [tilespmem:s0+$0xFFFFFFC0]  }
0x347: {  	v6 =	vld.idx.msk [tilespmem:v6+s4+$0x0], $0xffff  }
0x348: {  	v8 =	vld.idx.msk [tilespmem:v5+s4+$0x0], $0xffff  }
0x349: {  	v5 =	vld.idx.msk [tilespmem:v4+s4+$0x0], $0xffff  }
.Ltmp19:
0x34a: {  	v4 =	vld.idx.msk [tilespmem:v3+s4+$0x0], $0xffff;
	(pc) =	sbr.rel @p0 .LBB2_36-.Ltmp19, $4  }
0x34b: {  	v3 =	vld.idx.msk [tilespmem:v1+s4+$0x0], $0xffff  }
0x34c: {  	s8 =	sadd.s32 $0x80, s8;
	v1 =	vld.idx.msk [tilespmem:v0+s4+$0x0], $0xffff  }
0x34d: {  	v0 =	vld.idx.msk [tilespmem:v2+s4+$0x0], $0xffff;
	[tilespmem:s8+$0x30] =	vst v6  }
0x34e: {  	s0 =	sadd.s32 $0x80, s0;
	v2 =	vld.idx.msk [tilespmem:v7+s4+$0x0], $0xffff;
	[tilespmem:s8+$0xFFFFFFD0] =	vst v8  }
0x34f: {  	[tilespmem:s8+$0xFFFFFFE0] =	vst v5  }
0x350: {  	[tilespmem:s8+$0xFFFFFFF0] =	vst v4  }
0x351: {  	s0 =	sshll.u32 s14, $0x12;
	[tilespmem:s8+$0x0] =	vst v3  }
0x352: {  	s0 =	sor.u32 s13, s0;
	[tilespmem:s8+$0x10] =	vst v1  }
0x353: {  	s14 =	sadd.s32 $0x9, s5;
	s0 =	sshrl.u32 s0, $0x3;
	[tilespmem:s8+$0x20] =	vst v0  }
0x354: {  	s0 =	sadd.s32 s3, s0;
	[tilespmem:s8+$0xFFFFFFC0] =	vst v2;
	s8 =	sshll.u32 s14, $0x4  }
0x355: {  	[hbm4b:s0+s18] =	stream.strided.scatter [tilespmem:s29], [sflag:$0x3], $0x1000, s19, s18, $0x38;
	[tilespmem:$0x1F700] =	vst v63  }
0x356: {  	s20 =	sshll.u32 s14, $0x9;
	s0 =	sand.u32 $0x70, s8  }
0x357: {  	s8 =	sand.u32 $0x1F000, s20;
	s0 =	sadd.s32 s1, s0  }
0x358: {  	s0 =	sadd.s32 s8, s0  }
0x359: {  	[tilespmem:s28], [sflag:$0x1] =	stream.strided.gather [hbm4b:s0+s18], $0x1000, s19, s18, $0x38;
	[tilespmem:$0x1F700] =	vst v63  }
0x35a: {  	_ =	swait.ge [sflag:s25], $0x1000  }
0x35b: {  	[sflag:s25] =	ssyncset.done $0x0  }
0x35c: {  	[sflag:s25] =	ssyncadd.s32 $0xFFFFF000  }
0x35d: {  	_ =	swait.ge [sflag:s30], $0x1000  }
0x35e: {  	[sflag:s30] =	ssyncset.done $0x0  }
0x35f: {  	s20 =	simm.s32 $0x19740;
	[sflag:s30] =	ssyncadd.s32 $0xFFFFF000  }
0x360: {  	v0 =	vld [tilespmem:s20+$0x30]  }
0x361: {  	v1 =	vld [tilespmem:s20+$0xFFFFFFD0]  }
0x362: {  	v2 =	vld [tilespmem:s20+$0xFFFFFFE0]  }
0x363: {  	v3 =	vld [tilespmem:s20+$0xFFFFFFF0]  }
0x364: {  	v6 =	vld [tilespmem:s20+$0x0]  }
0x365: {  	v7 =	vld [tilespmem:s20+$0x10]  }
0x366: {  	v8 =	vld [tilespmem:s20+$0x20]  }
0x367: {  	v9 =	vld [tilespmem:s20+$0xFFFFFFC0]  }
0x368: {  	v10 =	vld.idx.msk [tilespmem:v0+s4+$0x0], $0xffff  }
0x369: {  	v11 =	vld.idx.msk [tilespmem:v1+s4+$0x0], $0xffff  }
0x36a: {  	v5 =	vld.idx.msk [tilespmem:v2+s4+$0x0], $0xffff  }
0x36b: {  	v4 =	vld.idx.msk [tilespmem:v3+s4+$0x0], $0xffff  }
0x36c: {  	v3 =	vld.idx.msk [tilespmem:v6+s4+$0x0], $0xffff  }
0x36d: {  	s8 =	simm.s32 $0x1D740;
	v1 =	vld.idx.msk [tilespmem:v7+s4+$0x0], $0xffff  }
0x36e: {  	v0 =	vld.idx.msk [tilespmem:v8+s4+$0x0], $0xffff;
	[tilespmem:s8+$0x30] =	vst v10  }
0x36f: {  	s0 =	simm.s32 $0x197C0;
	s20 =	simm.s32 $0x0;
	v2 =	vld.idx.msk [tilespmem:v9+s4+$0x0], $0xffff;
	[tilespmem:s8+$0xFFFFFFD0] =	vst v11  }
.LBB2_38:
0x370: {  	v6 =	vld [tilespmem:s0+$0x30];
	s20 =	sadd.s32 $0x80, s20;
	[tilespmem:s8+$0xFFFFFFE0] =	vst v5  }
0x371: {  	v5 =	vld [tilespmem:s0+$0xFFFFFFD0];
	p0 =	slt.u32 s20, $0xF80;
	[tilespmem:s8+$0xFFFFFFF0] =	vst v4  }
0x372: {  	v4 =	vld [tilespmem:s0+$0xFFFFFFE0];
	[tilespmem:s8+$0x0] =	vst v3  }
0x373: {  	v3 =	vld [tilespmem:s0+$0xFFFFFFF0];
	[tilespmem:s8+$0x10] =	vst v1  }
0x374: {  	v1 =	vld [tilespmem:s0+$0x0];
	[tilespmem:s8+$0x20] =	vst v0  }
0x375: {  	v0 =	vld [tilespmem:s0+$0x10];
	[tilespmem:s8+$0xFFFFFFC0] =	vst v2  }
0x376: {  	v2 =	vld [tilespmem:s0+$0x20]  }
0x377: {  	v7 =	vld [tilespmem:s0+$0xFFFFFFC0]  }
0x378: {  	v6 =	vld.idx.msk [tilespmem:v6+s4+$0x0], $0xffff  }
0x379: {  	v8 =	vld.idx.msk [tilespmem:v5+s4+$0x0], $0xffff  }
0x37a: {  	v5 =	vld.idx.msk [tilespmem:v4+s4+$0x0], $0xffff  }
.Ltmp20:
0x37b: {  	v4 =	vld.idx.msk [tilespmem:v3+s4+$0x0], $0xffff;
	(pc) =	sbr.rel @p0 .LBB2_38-.Ltmp20, $4  }
0x37c: {  	v3 =	vld.idx.msk [tilespmem:v1+s4+$0x0], $0xffff  }
0x37d: {  	s8 =	sadd.s32 $0x80, s8;
	v1 =	vld.idx.msk [tilespmem:v0+s4+$0x0], $0xffff  }
0x37e: {  	v0 =	vld.idx.msk [tilespmem:v2+s4+$0x0], $0xffff;
	[tilespmem:s8+$0x30] =	vst v6  }
0x37f: {  	s0 =	sadd.s32 $0x80, s0;
	v2 =	vld.idx.msk [tilespmem:v7+s4+$0x0], $0xffff;
	[tilespmem:s8+$0xFFFFFFD0] =	vst v8  }
0x380: {  	[tilespmem:s8+$0xFFFFFFE0] =	vst v5  }
0x381: {  	[tilespmem:s8+$0xFFFFFFF0] =	vst v4  }
0x382: {  	s0 =	sshll.u32 s7, $0x12;
	[tilespmem:s8+$0x0] =	vst v3  }
0x383: {  	s0 =	sor.u32 s13, s0;
	[tilespmem:s8+$0x10] =	vst v1  }
0x384: {  	s0 =	sshrl.u32 s0, $0x3;
	[tilespmem:s8+$0x20] =	vst v0  }
0x385: {  	p0 =	seq.s32 s2, $0x4;
	s0 =	sadd.s32 s3, s0;
	[tilespmem:s8+$0xFFFFFFC0] =	vst v2  }
0x386: {  	[hbm4b:s0+s18] =	stream.strided.scatter [tilespmem:s26], [sflag:$0x2], $0x1000, s19, s18, $0x38;
	[tilespmem:$0x1F700] =	vst v63  }
0x387: {  	s0 =	sadd.s32 @!p0 $0xA, s5  }
0x388: {  	s7 =	sshll.u32 @!p0 s0, $0x4  }
0x389: {  	s0 =	sshll.u32 @!p0 s0, $0x9;
	s7 =	sand.u32 @!p0 $0x60, s7  }
0x38a: {  	s20 =	simm.s32 @!p0 $0x18700;
	s0 =	sand.u32 @!p0 $0x1F000, s0;
	s7 =	sadd.s32 @!p0 s1, s7  }
0x38b: {  	s8 =	simm.s32 @!p0 $0x400;
	s0 =	sadd.s32 @!p0 s0, s7;
	s7 =	simm.s32 @!p0 $0x80  }
0x38c: {  	[tilespmem:s20], [sflag:$0x1] =	stream.strided.gather @!p0 [hbm4b:s0+s7], $0x1000, s8, s7, $0x38;
	[tilespmem:$0x1F700] =	vst v63  }
0x38d: {  	_ =	swait.ge [sflag:s25], $0x1000  }
0x38e: {  	[sflag:s25] =	ssyncset.done $0x0  }
0x38f: {  	[sflag:s25] =	ssyncadd.s32 $0xFFFFF000  }
0x390: {  	_ =	swait.ge [sflag:s31], $0x1000  }
0x391: {  	[sflag:s31] =	ssyncset.done $0x0  }
0x392: {  	s20 =	simm.s32 $0x1A740;
	[sflag:s31] =	ssyncadd.s32 $0xFFFFF000  }
0x393: {  	v0 =	vld [tilespmem:s20+$0x30]  }
0x394: {  	v1 =	vld [tilespmem:s20+$0xFFFFFFD0]  }
0x395: {  	v2 =	vld [tilespmem:s20+$0xFFFFFFE0]  }
0x396: {  	v3 =	vld [tilespmem:s20+$0xFFFFFFF0]  }
0x397: {  	v6 =	vld [tilespmem:s20+$0x0]  }
0x398: {  	v7 =	vld [tilespmem:s20+$0x10]  }
0x399: {  	v8 =	vld [tilespmem:s20+$0x20]  }
0x39a: {  	v9 =	vld [tilespmem:s20+$0xFFFFFFC0]  }
0x39b: {  	v10 =	vld.idx.msk [tilespmem:v0+s4+$0x0], $0xffff  }
0x39c: {  	v11 =	vld.idx.msk [tilespmem:v1+s4+$0x0], $0xffff  }
0x39d: {  	v5 =	vld.idx.msk [tilespmem:v2+s4+$0x0], $0xffff  }
0x39e: {  	v4 =	vld.idx.msk [tilespmem:v3+s4+$0x0], $0xffff  }
0x39f: {  	v3 =	vld.idx.msk [tilespmem:v6+s4+$0x0], $0xffff  }
0x3a0: {  	s7 =	simm.s32 $0x1E740;
	v1 =	vld.idx.msk [tilespmem:v7+s4+$0x0], $0xffff  }
0x3a1: {  	v0 =	vld.idx.msk [tilespmem:v8+s4+$0x0], $0xffff;
	[tilespmem:s7+$0x30] =	vst v10  }
0x3a2: {  	s8 =	simm.s32 $0x0;
	s0 =	simm.s32 $0x1A7C0;
	v2 =	vld.idx.msk [tilespmem:v9+s4+$0x0], $0xffff;
	[tilespmem:s7+$0xFFFFFFD0] =	vst v11  }
.LBB2_40:
0x3a3: {  	v6 =	vld [tilespmem:s0+$0x30];
	s8 =	sadd.s32 $0x80, s8;
	[tilespmem:s7+$0xFFFFFFE0] =	vst v5  }
0x3a4: {  	v5 =	vld [tilespmem:s0+$0xFFFFFFD0];
	p1 =	slt.u32 s8, $0xF80;
	[tilespmem:s7+$0xFFFFFFF0] =	vst v4  }
0x3a5: {  	v4 =	vld [tilespmem:s0+$0xFFFFFFE0];
	[tilespmem:s7+$0x0] =	vst v3  }
0x3a6: {  	v3 =	vld [tilespmem:s0+$0xFFFFFFF0];
	[tilespmem:s7+$0x10] =	vst v1  }
0x3a7: {  	v1 =	vld [tilespmem:s0+$0x0];
	[tilespmem:s7+$0x20] =	vst v0  }
0x3a8: {  	v0 =	vld [tilespmem:s0+$0x10];
	[tilespmem:s7+$0xFFFFFFC0] =	vst v2  }
0x3a9: {  	v2 =	vld [tilespmem:s0+$0x20]  }
0x3aa: {  	v7 =	vld [tilespmem:s0+$0xFFFFFFC0]  }
0x3ab: {  	v6 =	vld.idx.msk [tilespmem:v6+s4+$0x0], $0xffff  }
0x3ac: {  	v8 =	vld.idx.msk [tilespmem:v5+s4+$0x0], $0xffff  }
0x3ad: {  	v5 =	vld.idx.msk [tilespmem:v4+s4+$0x0], $0xffff  }
.Ltmp21:
0x3ae: {  	v4 =	vld.idx.msk [tilespmem:v3+s4+$0x0], $0xffff;
	(pc) =	sbr.rel @p1 .LBB2_40-.Ltmp21, $4  }
0x3af: {  	v3 =	vld.idx.msk [tilespmem:v1+s4+$0x0], $0xffff  }
0x3b0: {  	s7 =	sadd.s32 $0x80, s7;
	v1 =	vld.idx.msk [tilespmem:v0+s4+$0x0], $0xffff  }
0x3b1: {  	v0 =	vld.idx.msk [tilespmem:v2+s4+$0x0], $0xffff;
	[tilespmem:s7+$0x30] =	vst v6  }
0x3b2: {  	s0 =	sadd.s32 $0x80, s0;
	v2 =	vld.idx.msk [tilespmem:v7+s4+$0x0], $0xffff;
	[tilespmem:s7+$0xFFFFFFD0] =	vst v8  }
0x3b3: {  	[tilespmem:s7+$0xFFFFFFE0] =	vst v5  }
0x3b4: {  	[tilespmem:s7+$0xFFFFFFF0] =	vst v4  }
0x3b5: {  	s0 =	sshll.u32 s6, $0x12;
	[tilespmem:s7+$0x0] =	vst v3  }
0x3b6: {  	s0 =	sor.u32 s13, s0;
	[tilespmem:s7+$0x10] =	vst v1  }
0x3b7: {  	s0 =	sshrl.u32 s0, $0x3;
	[tilespmem:s7+$0x20] =	vst v0  }
0x3b8: {  	s0 =	sadd.s32 s3, s0;
	[tilespmem:s7+$0xFFFFFFC0] =	vst v2  }
0x3b9: {  	[hbm4b:s0+s18] =	stream.strided.scatter [tilespmem:s29], [sflag:$0x3], $0x1000, s19, s18, $0x38;
	[tilespmem:$0x1F700] =	vst v63  }
0x3ba: {  	s0 =	sadd.s32 @!p0 $0xB, s5  }
0x3bb: {  	s6 =	sshll.u32 @!p0 s0, $0x4  }
0x3bc: {  	s0 =	sshll.u32 @!p0 s0, $0x9;
	s6 =	sand.u32 @!p0 $0x70, s6  }
0x3bd: {  	s8 =	simm.s32 @!p0 $0x19700;
	s0 =	sand.u32 @!p0 $0x1F000, s0;
	s6 =	sadd.s32 @!p0 s1, s6  }
0x3be: {  	s7 =	simm.s32 @!p0 $0x400;
	s0 =	sadd.s32 @!p0 s0, s6;
	s6 =	simm.s32 @!p0 $0x80  }
0x3bf: {  	[tilespmem:s8], [sflag:$0x1] =	stream.strided.gather @!p0 [hbm4b:s0+s6], $0x1000, s7, s6, $0x38;
	[tilespmem:$0x1F700] =	vst v63  }
0x3c0: {  	_ =	swait.ge [sflag:s25], $0x1000  }
0x3c1: {  	[sflag:s25] =	ssyncset.done $0x0  }
0x3c2: {  	[sflag:s25] =	ssyncadd.s32 $0xFFFFF000  }
0x3c3: {  	_ =	swait.ge [sflag:s30], $0x1000  }
0x3c4: {  	[sflag:s30] =	ssyncset.done $0x0  }
0x3c5: {  	s20 =	simm.s32 $0x1B740;
	[sflag:s30] =	ssyncadd.s32 $0xFFFFF000  }
0x3c6: {  	v0 =	vld [tilespmem:s20+$0x30]  }
0x3c7: {  	v1 =	vld [tilespmem:s20+$0xFFFFFFD0]  }
0x3c8: {  	v2 =	vld [tilespmem:s20+$0xFFFFFFE0]  }
0x3c9: {  	v3 =	vld [tilespmem:s20+$0xFFFFFFF0]  }
0x3ca: {  	v6 =	vld [tilespmem:s20+$0x0]  }
0x3cb: {  	v7 =	vld [tilespmem:s20+$0x10]  }
0x3cc: {  	v8 =	vld [tilespmem:s20+$0x20]  }
0x3cd: {  	v9 =	vld [tilespmem:s20+$0xFFFFFFC0]  }
0x3ce: {  	v10 =	vld.idx.msk [tilespmem:v0+s4+$0x0], $0xffff  }
0x3cf: {  	v11 =	vld.idx.msk [tilespmem:v1+s4+$0x0], $0xffff  }
0x3d0: {  	v5 =	vld.idx.msk [tilespmem:v2+s4+$0x0], $0xffff  }
0x3d1: {  	v4 =	vld.idx.msk [tilespmem:v3+s4+$0x0], $0xffff  }
0x3d2: {  	v3 =	vld.idx.msk [tilespmem:v6+s4+$0x0], $0xffff  }
0x3d3: {  	s6 =	simm.s32 $0x1D740;
	v1 =	vld.idx.msk [tilespmem:v7+s4+$0x0], $0xffff  }
0x3d4: {  	v0 =	vld.idx.msk [tilespmem:v8+s4+$0x0], $0xffff;
	[tilespmem:s6+$0x30] =	vst v10  }
0x3d5: {  	s7 =	simm.s32 $0x0;
	s0 =	simm.s32 $0x1B7C0;
	v2 =	vld.idx.msk [tilespmem:v9+s4+$0x0], $0xffff;
	[tilespmem:s6+$0xFFFFFFD0] =	vst v11  }
.LBB2_42:
0x3d6: {  	v6 =	vld [tilespmem:s0+$0x30];
	s7 =	sadd.s32 $0x80, s7;
	[tilespmem:s6+$0xFFFFFFE0] =	vst v5  }
0x3d7: {  	v5 =	vld [tilespmem:s0+$0xFFFFFFD0];
	p1 =	slt.u32 s7, $0xF80;
	[tilespmem:s6+$0xFFFFFFF0] =	vst v4  }
0x3d8: {  	v4 =	vld [tilespmem:s0+$0xFFFFFFE0];
	[tilespmem:s6+$0x0] =	vst v3  }
0x3d9: {  	v3 =	vld [tilespmem:s0+$0xFFFFFFF0];
	[tilespmem:s6+$0x10] =	vst v1  }
0x3da: {  	v1 =	vld [tilespmem:s0+$0x0];
	[tilespmem:s6+$0x20] =	vst v0  }
0x3db: {  	v0 =	vld [tilespmem:s0+$0x10];
	[tilespmem:s6+$0xFFFFFFC0] =	vst v2  }
0x3dc: {  	v2 =	vld [tilespmem:s0+$0x20]  }
0x3dd: {  	v7 =	vld [tilespmem:s0+$0xFFFFFFC0]  }
0x3de: {  	v6 =	vld.idx.msk [tilespmem:v6+s4+$0x0], $0xffff  }
0x3df: {  	v8 =	vld.idx.msk [tilespmem:v5+s4+$0x0], $0xffff  }
0x3e0: {  	v5 =	vld.idx.msk [tilespmem:v4+s4+$0x0], $0xffff  }
.Ltmp22:
0x3e1: {  	v4 =	vld.idx.msk [tilespmem:v3+s4+$0x0], $0xffff;
	(pc) =	sbr.rel @p1 .LBB2_42-.Ltmp22, $4  }
0x3e2: {  	v3 =	vld.idx.msk [tilespmem:v1+s4+$0x0], $0xffff  }
0x3e3: {  	s6 =	sadd.s32 $0x80, s6;
	v1 =	vld.idx.msk [tilespmem:v0+s4+$0x0], $0xffff  }
0x3e4: {  	v0 =	vld.idx.msk [tilespmem:v2+s4+$0x0], $0xffff;
	[tilespmem:s6+$0x30] =	vst v6  }
0x3e5: {  	s0 =	sadd.s32 $0x80, s0;
	v2 =	vld.idx.msk [tilespmem:v7+s4+$0x0], $0xffff;
	[tilespmem:s6+$0xFFFFFFD0] =	vst v8  }
0x3e6: {  	[tilespmem:s6+$0xFFFFFFE0] =	vst v5  }
0x3e7: {  	[tilespmem:s6+$0xFFFFFFF0] =	vst v4  }
0x3e8: {  	s0 =	sshll.u32 s17, $0x12;
	[tilespmem:s6+$0x0] =	vst v3  }
0x3e9: {  	s0 =	sor.u32 s13, s0;
	[tilespmem:s6+$0x10] =	vst v1  }
0x3ea: {  	s0 =	sshrl.u32 s0, $0x3;
	[tilespmem:s6+$0x20] =	vst v0  }
0x3eb: {  	s0 =	sadd.s32 s3, s0;
	[tilespmem:s6+$0xFFFFFFC0] =	vst v2  }
0x3ec: {  	[hbm4b:s0+s18] =	stream.strided.scatter [tilespmem:s26], [sflag:$0x2], $0x1000, s19, s18, $0x38;
	[tilespmem:$0x1F700] =	vst v63  }
0x3ed: {  	s0 =	sadd.s32 @!p0 $0xC, s5  }
0x3ee: {  	s6 =	sshll.u32 @!p0 s0, $0x4  }
0x3ef: {  	s0 =	sshll.u32 @!p0 s0, $0x9;
	s6 =	sand.u32 @!p0 $0x60, s6  }
0x3f0: {  	s7 =	simm.s32 @!p0 $0x400;
	s0 =	sand.u32 @!p0 $0x1F000, s0;
	s6 =	sadd.s32 @!p0 s1, s6  }
0x3f1: {  	s8 =	simm.s32 @!p0 $0x1A700;
	s0 =	sadd.s32 @!p0 s0, s6;
	s6 =	simm.s32 @!p0 $0x80  }
0x3f2: {  	[tilespmem:s8], [sflag:$0x1] =	stream.strided.gather @!p0 [hbm4b:s0+s6], $0x1000, s7, s6, $0x38;
	[tilespmem:$0x1F700] =	vst v63  }
0x3f3: {  	_ =	swait.ge [sflag:s25], $0x1000  }
0x3f4: {  	[sflag:s25] =	ssyncset.done $0x0  }
0x3f5: {  	[sflag:s25] =	ssyncadd.s32 $0xFFFFF000  }
0x3f6: {  	_ =	swait.ge [sflag:s31], $0x1000  }
0x3f7: {  	[sflag:s31] =	ssyncset.done $0x0  }
0x3f8: {  	s20 =	simm.s32 $0x1C740;
	[sflag:s31] =	ssyncadd.s32 $0xFFFFF000  }
0x3f9: {  	v0 =	vld [tilespmem:s20+$0x30]  }
0x3fa: {  	v1 =	vld [tilespmem:s20+$0xFFFFFFD0]  }
0x3fb: {  	v2 =	vld [tilespmem:s20+$0xFFFFFFE0]  }
0x3fc: {  	v3 =	vld [tilespmem:s20+$0xFFFFFFF0]  }
0x3fd: {  	v6 =	vld [tilespmem:s20+$0x0]  }
0x3fe: {  	v7 =	vld [tilespmem:s20+$0x10]  }
0x3ff: {  	v8 =	vld [tilespmem:s20+$0x20]  }
0x400: {  	v9 =	vld [tilespmem:s20+$0xFFFFFFC0]  }
0x401: {  	v10 =	vld.idx.msk [tilespmem:v0+s4+$0x0], $0xffff  }
0x402: {  	v11 =	vld.idx.msk [tilespmem:v1+s4+$0x0], $0xffff  }
0x403: {  	v5 =	vld.idx.msk [tilespmem:v2+s4+$0x0], $0xffff  }
0x404: {  	v4 =	vld.idx.msk [tilespmem:v3+s4+$0x0], $0xffff  }
0x405: {  	v3 =	vld.idx.msk [tilespmem:v6+s4+$0x0], $0xffff  }
0x406: {  	s6 =	simm.s32 $0x1E740;
	v1 =	vld.idx.msk [tilespmem:v7+s4+$0x0], $0xffff  }
0x407: {  	v0 =	vld.idx.msk [tilespmem:v8+s4+$0x0], $0xffff;
	[tilespmem:s6+$0x30] =	vst v10  }
0x408: {  	s7 =	simm.s32 $0x0;
	s0 =	simm.s32 $0x1C7C0;
	v2 =	vld.idx.msk [tilespmem:v9+s4+$0x0], $0xffff;
	[tilespmem:s6+$0xFFFFFFD0] =	vst v11  }
.LBB2_44:
0x409: {  	v6 =	vld [tilespmem:s0+$0x30];
	s7 =	sadd.s32 $0x80, s7;
	[tilespmem:s6+$0xFFFFFFE0] =	vst v5  }
0x40a: {  	v5 =	vld [tilespmem:s0+$0xFFFFFFD0];
	p1 =	slt.u32 s7, $0xF80;
	[tilespmem:s6+$0xFFFFFFF0] =	vst v4  }
0x40b: {  	v4 =	vld [tilespmem:s0+$0xFFFFFFE0];
	[tilespmem:s6+$0x0] =	vst v3  }
0x40c: {  	v3 =	vld [tilespmem:s0+$0xFFFFFFF0];
	[tilespmem:s6+$0x10] =	vst v1  }
0x40d: {  	v1 =	vld [tilespmem:s0+$0x0];
	[tilespmem:s6+$0x20] =	vst v0  }
0x40e: {  	v0 =	vld [tilespmem:s0+$0x10];
	[tilespmem:s6+$0xFFFFFFC0] =	vst v2  }
0x40f: {  	v2 =	vld [tilespmem:s0+$0x20]  }
0x410: {  	v7 =	vld [tilespmem:s0+$0xFFFFFFC0]  }
0x411: {  	v6 =	vld.idx.msk [tilespmem:v6+s4+$0x0], $0xffff  }
0x412: {  	v8 =	vld.idx.msk [tilespmem:v5+s4+$0x0], $0xffff  }
0x413: {  	v5 =	vld.idx.msk [tilespmem:v4+s4+$0x0], $0xffff  }
.Ltmp23:
0x414: {  	v4 =	vld.idx.msk [tilespmem:v3+s4+$0x0], $0xffff;
	(pc) =	sbr.rel @p1 .LBB2_44-.Ltmp23, $4  }
0x415: {  	v3 =	vld.idx.msk [tilespmem:v1+s4+$0x0], $0xffff  }
0x416: {  	s6 =	sadd.s32 $0x80, s6;
	v1 =	vld.idx.msk [tilespmem:v0+s4+$0x0], $0xffff  }
0x417: {  	v0 =	vld.idx.msk [tilespmem:v2+s4+$0x0], $0xffff;
	[tilespmem:s6+$0x30] =	vst v6  }
0x418: {  	s0 =	sadd.s32 $0x80, s0;
	v2 =	vld.idx.msk [tilespmem:v7+s4+$0x0], $0xffff;
	[tilespmem:s6+$0xFFFFFFD0] =	vst v8  }
0x419: {  	[tilespmem:s6+$0xFFFFFFE0] =	vst v5  }
0x41a: {  	[tilespmem:s6+$0xFFFFFFF0] =	vst v4  }
.Ltmp24:
0x41b: {  	s0 =	sshll.u32 s14, $0x12;
	[tilespmem:s6+$0x0] =	vst v3;
	(pc) =	sbr.rel @p0 .LBB2_47-.Ltmp24, $4  }
0x41c: {  	s0 =	sor.u32 s13, s0;
	[tilespmem:s6+$0x10] =	vst v1  }
0x41d: {  	s0 =	sshrl.u32 s0, $0x3;
	[tilespmem:s6+$0x20] =	vst v0  }
0x41e: {  	s0 =	sadd.s32 s3, s0;
	[tilespmem:s6+$0xFFFFFFC0] =	vst v2  }
0x41f: {  	[hbm4b:s0+s18] =	stream.strided.scatter [tilespmem:s29], [sflag:$0x3], $0x1000, s19, s18, $0x38;
	[tilespmem:$0x1F700] =	vst v63  }
0x420: {  	s0 =	sadd.s32 $0xD, s5  }
.Ltmp25:
0x421: {  	s5 =	sshll.u32 s0, $0x4;
	(pc) =	sbr.rel .LBB2_25-.Ltmp25, $4  }
0x422: {  	s0 =	sshll.u32 s0, $0x9;
	s5 =	sand.u32 $0x70, s5  }
0x423: {  	s0 =	sand.u32 $0x1F000, s0;
	s5 =	sadd.s32 s1, s5  }
0x424: {  	s2 =	sadd.s32 $0x1, s2;
	s0 =	sadd.s32 s0, s5  }
0x425: {  	[tilespmem:s24], [sflag:$0x1] =	stream.strided.gather [hbm4b:s0+s18], $0x1000, s19, s18, $0x38;
	[tilespmem:$0x1F700] =	vst v63  }
.LBB2_48:
0x426: {  	_ =	sfence.sel $0x180000  }
0x427: {  	[bflag:$0x0] =	sbarrier.arrive $0xFFFF  }
0x428: {  	_ =	strace $0x90000047  }
0x429: {  	s0 =	stileid.u32;
	[bflag:$0x2] =	sbarrier.arrive $0xFFFF  }
0x42a: {  	p0 =	sne.s32 s0, $0x0;
	s0 =	rddreg [dreg:$0x3]  }
0x42b: {  	s0 =	sadd.s32 @!p0 $0x100000, s0  }
0x42c: {  	[sflag:s0] =	ssyncadd.tile.s32 @!p0 $0x1;
	_ =	shalt  }
.Lfunc_end2:
_tile_overlayer_lowered:
.L_overlay_start_2:
0x42d: {  	(tag) =	ssettag $0x2  }
0x42e: {  	s0 =	rddreg [dreg:$0x0];
	s2 =	stileid.u32  }
0x42f: {  	s1 =	rddreg [dreg:$0x1];
	p0 =	sne.s32 s2, $0x0  }
0x430: {  	s3 =	rddreg [dreg:$0x2];
	[bflag:$0x3] =	sbarrier.arrive $0xFFFF;
	s2 =	simm.s32 @!p0 $0x1C04  }
0x431: {  	[timem:s3], [sflag:s2] =	dma.local @!p0 [hbm:s0], s1  }
0x432: {  	s0 =	simm.s32 @!p0 $0x4  }
0x433: {  	_ =	swait.ge @!p0 [sflag:s0], s1  }
0x434: {  	s1 =	ssub.s32 @!p0 $0x0, s1;
	[sflag:s0] =	ssyncset.done @!p0 $0x0  }
0x435: {  	[sflag:s0] =	ssyncadd.s32 @!p0 s1  }
0x436: {  	[bflag:$0x3] =	sbarrier.arrive $0xFFFF  }
0x437: {  	_ =	shalt  }

</sc_bundles>
